<compile_context>
chip_gen: v7x
topology: tpu7x:2x2x1
jax: 0.10.2.dev20260603
libtpu: 0.0.44.dev20260713+nightly
codegen_flags: <defaults>
</compile_context>

<pallas_src>
import functools

import jax
import jax.numpy as jnp
from jax import lax
from jax.experimental import pallas as pl
from jax.experimental.pallas import tpu as pltpu
from jax.experimental.pallas import tpu_sc as plsc

N = 10000
E = 320000
D = 128
NC = 2
NS = 16
NW = NC * NS
EPW = E // NW
CK = 80
NCHUNK = EPW // CK
NP = 10240
RPT = NP // NS

_MESH = plsc.VectorSubcoreMesh(
    core_axis_name="c", subcore_axis_name="s",
    num_cores=NC, num_subcores=NS)


def _sc_feat_body(x_hbm, pk_hbm, agg_out,
                  pk_t, gb0, gb1, gb2, srcb, dstb, accum,
                  semg0, semg1, semg2, sems0, sems1, sems2):
    c = lax.axis_index("c")
    s = lax.axis_index("s")
    wid = s * NC + c

    zeros16 = jnp.zeros((16,), jnp.float32)
    gbufs = (gb0, gb1, gb2)
    semgs = (semg0, semg1, semg2)
    semss = (sems0, sems1, sems2)

    def zero_gb0(i, carry):
        for k in range(D // 16):
            gb0[i, pl.ds(k * 16, 16)] = zeros16
        return carry
    lax.fori_loop(0, CK, zero_gb0, 0)

    base = s * RPT
    for k in range(RPT // CK):
        pltpu.sync_copy(gb0, accum.at[pl.ds(base + k * CK, CK)])

    pltpu.sync_copy(pk_hbm.at[pl.ds(wid * EPW, EPW)], pk_t)

    plsc.subcore_barrier()

    mask = jnp.full((16,), 0xFFFF, jnp.int32)

    def unpack(t, slot):
        for k in range(CK // 16):
            pkv = pk_t[pl.ds(t * CK + k * 16, 16)]
            srcb[slot, pl.ds(k * 16, 16)] = jnp.bitwise_and(pkv, mask)
            dstb[slot, pl.ds(k * 16, 16)] = lax.shift_right_logical(pkv, 16)

    def g_issue(t, b):
        pltpu.async_copy(x_hbm.at[srcb.at[b]], gbufs[b], semgs[b])

    def g_wait(b):
        pltpu.make_async_copy(x_hbm.at[srcb.at[b]], gbufs[b],
                              semgs[b]).wait()

    def s_issue(b):
        pltpu.async_copy(gbufs[b], accum.at[dstb.at[b]], semss[b], add=True)

    def s_wait(b):
        pltpu.make_async_copy(gbufs[b], accum.at[dstb.at[b]],
                              semss[b]).wait()

    unpack(0, 0)
    g_issue(0, 0)
    unpack(1, 1)
    g_issue(1, 1)
    g_wait(0); s_issue(0); unpack(2, 2); g_issue(2, 2)
    g_wait(1); s_issue(1); s_wait(0); unpack(3, 0); g_issue(3, 0)

    def triple(j, carry):
        t = 3 * j + 2
        for p, b in ((0, 2), (1, 0), (2, 1)):
            g_wait(b)
            s_issue(b)
            s_wait((b + 2) % 3)
            unpack(t + p + 2, (b + 2) % 3)
            g_issue(t + p + 2, (b + 2) % 3)
        return carry
    lax.fori_loop(0, 40, triple, 0)

    g_wait(2); s_issue(2); s_wait(1); unpack(124, 1); g_issue(124, 1)
    g_wait(0); s_issue(0); s_wait(2)
    g_wait(1); pltpu.sync_copy(gbufs[1], accum.at[dstb.at[1]], add=True)
    s_wait(0)

    plsc.subcore_barrier()

    pltpu.sync_copy(accum.at[pl.ds(base, RPT)],
                    agg_out.at[c, pl.ds(base, RPT)])


_sc_feat = functools.partial(
    pl.kernel,
    out_type=jax.ShapeDtypeStruct((NC, NP, D), jnp.float32),
    mesh=_MESH,
    scratch_types=[
        pltpu.VMEM((EPW,), jnp.int32),
        pltpu.VMEM((CK, D), jnp.float32),
        pltpu.VMEM((CK, D), jnp.float32),
        pltpu.VMEM((CK, D), jnp.float32),
        pltpu.VMEM((3, CK), jnp.int32),
        pltpu.VMEM((3, CK), jnp.int32),
        pltpu.VMEM_SHARED((NP, D), jnp.float32),
        pltpu.SemaphoreType.DMA,
        pltpu.SemaphoreType.DMA,
        pltpu.SemaphoreType.DMA,
        pltpu.SemaphoreType.DMA,
        pltpu.SemaphoreType.DMA,
        pltpu.SemaphoreType.DMA,
    ],
    compiler_params=pltpu.CompilerParams(use_tc_tiling_on_sc=True),
)(_sc_feat_body)

CW = 16


def _sc_cnt_body(pk_hbm, cnt_out,
                 pk_t, onesb, zb, dstb, accum, semc0, semc1, semc2):
    c = lax.axis_index("c")
    s = lax.axis_index("s")
    wid = s * NC + c

    zeros16 = jnp.zeros((16,), jnp.float32)
    one16 = jnp.where(lax.iota(jnp.int32, 16) == 0, 1.0, 0.0)
    semcs = (semc0, semc1, semc2)

    def zero_zb(i, carry):
        zb[i, pl.ds(0, 16)] = zeros16
        return carry
    lax.fori_loop(0, 128, zero_zb, 0)

    def init_ones(i, carry):
        onesb[i, pl.ds(0, 16)] = one16
        return carry
    lax.fori_loop(0, CK, init_ones, 0)

    base = s * RPT
    for k in range(RPT // 128):
        pltpu.sync_copy(zb, accum.at[pl.ds(base + k * 128, 128)])

    pltpu.sync_copy(pk_hbm.at[pl.ds(wid * EPW, EPW)], pk_t)

    plsc.subcore_barrier()

    def unpack(t, slot):
        for k in range(CK // 16):
            pkv = pk_t[pl.ds(t * CK + k * 16, 16)]
            dstb[slot, pl.ds(k * 16, 16)] = lax.shift_right_logical(pkv, 16)

    def s_issue(b):
        pltpu.async_copy(onesb, accum.at[dstb.at[b]], semcs[b], add=True)

    def s_wait(b):
        pltpu.make_async_copy(onesb, accum.at[dstb.at[b]],
                              semcs[b]).wait()

    unpack(0, 0)
    s_issue(0)
    unpack(1, 1)
    s_issue(1)
    s_wait(0)

    def triple(j, carry):
        t = 3 * j + 2
        for p, b in ((0, 2), (1, 0), (2, 1)):
            unpack(t + p, b)
            s_issue(b)
            s_wait((b + 2) % 3)
        return carry
    lax.fori_loop(0, 41, triple, 0)

    s_wait(1)

    plsc.subcore_barrier()

    pltpu.sync_copy(accum.at[pl.ds(base, RPT)],
                    cnt_out.at[c, pl.ds(base, RPT)])


_sc_cnt = functools.partial(
    pl.kernel,
    out_type=jax.ShapeDtypeStruct((NC, NP, CW), jnp.float32),
    mesh=_MESH,
    scratch_types=[
        pltpu.VMEM((EPW,), jnp.int32),
        pltpu.VMEM((CK, CW), jnp.float32),
        pltpu.VMEM((128, CW), jnp.float32),
        pltpu.VMEM((3, CK), jnp.int32),
        pltpu.VMEM_SHARED((NP, CW), jnp.float32),
        pltpu.SemaphoreType.DMA,
        pltpu.SemaphoreType.DMA,
        pltpu.SemaphoreType.DMA,
    ],
    compiler_params=pltpu.CompilerParams(use_tc_tiling_on_sc=False),
)(_sc_cnt_body)


def _tc_head_body(x_ref, agg_ref, cnt_ref, wl_ref, bl_ref, wr_ref,
                  wlin_ref, blin_ref, emb_ref, log_ref):
    agg = agg_ref[0] + agg_ref[1]
    cnt = cnt_ref[0, :, 0] + cnt_ref[1, :, 0]
    mean = agg / jnp.maximum(cnt, 1.0)[:, None]
    dn = (((1,), (1,)), ((), ()))
    emb = (lax.dot_general(mean, wl_ref[...], dn,
                           preferred_element_type=jnp.float32)
           + lax.dot_general(x_ref[...], wr_ref[...], dn,
                             preferred_element_type=jnp.float32)
           + bl_ref[...])
    emb_ref[...] = emb
    h = jnp.maximum(emb, 0.0)
    log_ref[...] = lax.dot_general(h, wlin_ref[...], dn,
                                   preferred_element_type=jnp.float32) + blin_ref[...]


R = 1024


def _tc_head(x, agg_p, cnt_p, W_l, b_l, W_r, W_lin, b_lin):
    n_cls = W_lin.shape[0]
    grid = NP // R
    return pl.pallas_call(
        _tc_head_body,
        grid=(grid,),
        in_specs=[
            pl.BlockSpec((R, D), lambda i: (i, 0)),
            pl.BlockSpec((NC, R, D), lambda i: (0, i, 0)),
            pl.BlockSpec((NC, R, CW), lambda i: (0, i, 0)),
            pl.BlockSpec((D, D), lambda i: (0, 0)),
            pl.BlockSpec((1, D), lambda i: (0, 0)),
            pl.BlockSpec((D, D), lambda i: (0, 0)),
            pl.BlockSpec((n_cls, D), lambda i: (0, 0)),
            pl.BlockSpec((1, n_cls), lambda i: (0, 0)),
        ],
        out_specs=[
            pl.BlockSpec((R, D), lambda i: (i, 0)),
            pl.BlockSpec((R, n_cls), lambda i: (i, 0)),
        ],
        out_shape=[
            jax.ShapeDtypeStruct((N, D), jnp.float32),
            jax.ShapeDtypeStruct((N, n_cls), jnp.float32),
        ],
    )(x, agg_p, cnt_p, W_l, b_l, W_r, W_lin, b_lin)


def kernel(x, edge_index, W_l, b_l, W_r, W_lin, b_lin):
    ei = edge_index.astype(jnp.int32)
    pk = ei[0] | (ei[1] << 16)
    agg_p = _sc_feat(x, pk)
    cnt_p = _sc_cnt(pk)
    emb, logits = _tc_head(x, agg_p, cnt_p, W_l, b_l.reshape(1, D),
                           W_r, W_lin, b_lin.reshape(1, -1))
    return (emb, logits)

# --- scband reference (transcript-rebuilt; emitter-appended) ---
"""Pipeline reference for scband-graph-sage-13039520710957 (READ-ONLY COPY).

The authoritative reference and input builder live on the scoring server;
editing this copy changes nothing except your own understanding.
"""

import jax, jax.numpy as jnp
import numpy as np

N_NODES = 10000
N_EDGES = 320000
D_FEAT = 128
D_EMB = 128
N_CLASSES = 64


def setup_inputs(seed: int = 0) -> dict:
    key = jax.random.key(seed)
    k1, k2, k3, k4, k5, k6, k7 = jax.random.split(key, 7)
    x = jax.random.normal(k1, (N_NODES, D_FEAT), dtype=jnp.float32)
    edge_index = jax.random.randint(k2, (2, N_EDGES), 0, N_NODES, dtype=jnp.int64)
    # SAGEConv params: lin_l applied to aggregated neighbors (with bias), lin_r applied to self
    s = 1.0 / np.sqrt(D_FEAT)
    W_l = jax.random.uniform(k3, (D_EMB, D_FEAT), minval=-s, maxval=s, dtype=jnp.float32)
    b_l = jax.random.uniform(k4, (D_EMB,), minval=-s, maxval=s, dtype=jnp.float32)
    W_r = jax.random.uniform(k5, (D_EMB, D_FEAT), minval=-s, maxval=s, dtype=jnp.float32)
    s2 = 1.0 / np.sqrt(D_EMB)
    W_lin = jax.random.uniform(k6, (N_CLASSES, D_EMB), minval=-s2, maxval=s2, dtype=jnp.float32)
    b_lin = jax.random.uniform(k7, (N_CLASSES,), minval=-s2, maxval=s2, dtype=jnp.float32)
    return {"x": x, "edge_index": edge_index, "W_l": W_l, "b_l": b_l, "W_r": W_r, "W_lin": W_lin, "b_lin": b_lin}


def reference(x, edge_index, W_l, b_l, W_r, W_lin, b_lin):
    n = x.shape[0]
    src = edge_index[0]
    dst = edge_index[1]
    # mean aggregation of neighbor features (gather + scatter-add)
    msg = jnp.take(x, src, axis=0)
    agg = jax.ops.segment_sum(msg, dst, num_segments=n)
    cnt = jax.ops.segment_sum(jnp.ones((msg.shape[0],), dtype=x.dtype), dst, num_segments=n)
    mean = agg / jnp.clip(cnt, 1.0, None)[:, None]
    # SAGEConv: lin_l(mean_aggr) + lin_r(x)
    embedding = mean @ W_l.T + b_l + x @ W_r.T
    # head: relu -> dropout (identity in eval) -> linear
    h = jax.nn.relu(embedding)
    logits = h @ W_lin.T + b_lin
    return (embedding, logits)

if __name__ == "__main__":
    import jax
    _d = setup_inputs()
    print(jax.jit(kernel)(*tuple(_d.values())))

</pallas_src>

<mosaic_0001>
#map = affine_map<(d0, d1) -> (0, 0)>
#map1 = affine_map<(d0, d1) -> (0)>
#map2 = affine_map<(d0, d1) -> (0, 0, 0)>
module attributes {stable_mosaic.version = 14 : i64} {
  func.func @_sc_feat_body(%arg0: i32, %arg1: i32, %arg2: memref<10000x128xf32, #tpu.memory_space<hbm>>, %arg3: memref<320000xi32, #tpu.memory_space<hbm>>, %arg4: memref<2x10240x128xf32, #tpu.memory_space<hbm>>, %arg5: memref<10000xi32, #tpu.memory_space<vmem>>, %arg6: memref<80x128xf32, #tpu.memory_space<vmem>>, %arg7: memref<80x128xf32, #tpu.memory_space<vmem>>, %arg8: memref<80x128xf32, #tpu.memory_space<vmem>>, %arg9: memref<3x80xi32, #tpu.memory_space<vmem>>, %arg10: memref<3x80xi32, #tpu.memory_space<vmem>>, %arg11: memref<10240x128xf32, #tpu.memory_space<vmem_shared>>, %arg12: memref<!tpu.dma_semaphore, #tpu.memory_space<semaphore_mem>>, %arg13: memref<!tpu.dma_semaphore, #tpu.memory_space<semaphore_mem>>, %arg14: memref<!tpu.dma_semaphore, #tpu.memory_space<semaphore_mem>>, %arg15: memref<!tpu.dma_semaphore, #tpu.memory_space<semaphore_mem>>, %arg16: memref<!tpu.dma_semaphore, #tpu.memory_space<semaphore_mem>>, %arg17: memref<!tpu.dma_semaphore, #tpu.memory_space<semaphore_mem>>) attributes {dimension_semantics = [#tpu.dimension_semantics<core_parallel>, #tpu.dimension_semantics<subcore_parallel>], iteration_bounds = array<i64: 2, 16>, scalar_prefetch = 0 : i64, scratch_operands = 13 : i64, tpu.core_type = #tpu.core_type<sc_vector_subcore>, window_params = [{transform_indices = #map}, {transform_indices = #map1}, {transform_indices = #map2}]} {
    %mul3A = arith.constant 2 : i32
    %mul3A_0 = arith.muli %arg1, %mul3A : i32
    %add3A = arith.addi %mul3A_0, %arg0 : i32
    %broadcast_in_dim3A = arith.constant 0.000000e+00 : f32
    %broadcast_in_dim3A_1 = vector.broadcast %broadcast_in_dim3A : f32 to vector<16xf32>
    %scan3A = arith.constant 0 : i32
    %scan3A_2 = arith.constant 0 : i32
    %scan3A_3 = arith.constant 80 : i32
    %scan3A_4 = arith.addi %scan3A_2, %scan3A_3 : i32
    %scan3A_5 = arith.constant 1 : i32
    scf.for %scan3A_631 = %scan3A_2 to %scan3A_4 step %scan3A_5  : i32 {
      %swap3A_632 = arith.index_cast %scan3A_631 : i32 to index
      %swap3A_633 = arith.constant 0 : index
      %swap3A_634 = tpu.vector_load %arg6[%swap3A_632, %swap3A_633] {strides = array<i32>} : memref<80x128xf32, #tpu.memory_space<vmem>>, vector<1x16xf32>,
      %swap3A_635 = vector.shape_cast %swap3A_634 : vector<1x16xf32> to vector<16xf32>
      %swap3A_636 = vector.shape_cast %broadcast_in_dim3A_1 : vector<16xf32> to vector<1x16xf32>
      tpu.vector_store %arg6[%swap3A_632, %swap3A_633], %swap3A_636 {strides = array<i32>} : memref<80x128xf32, #tpu.memory_space<vmem>>, vector<1x16xf32>,
      %swap3A_637 = arith.index_cast %scan3A_631 : i32 to index
      %swap3A_638 = arith.constant 16 : index
      %swap3A_639 = tpu.vector_load %arg6[%swap3A_637, %swap3A_638] {strides = array<i32>} : memref<80x128xf32, #tpu.memory_space<vmem>>, vector<1x16xf32>,
      %swap3A_640 = vector.shape_cast %swap3A_639 : vector<1x16xf32> to vector<16xf32>
      %swap3A_641 = vector.shape_cast %broadcast_in_dim3A_1 : vector<16xf32> to vector<1x16xf32>
      tpu.vector_store %arg6[%swap3A_637, %swap3A_638], %swap3A_641 {strides = array<i32>} : memref<80x128xf32, #tpu.memory_space<vmem>>, vector<1x16xf32>,
      %swap3A_642 = arith.index_cast %scan3A_631 : i32 to index
      %swap3A_643 = arith.constant 32 : index
      %swap3A_644 = tpu.vector_load %arg6[%swap3A_642, %swap3A_643] {strides = array<i32>} : memref<80x128xf32, #tpu.memory_space<vmem>>, vector<1x16xf32>,
      %swap3A_645 = vector.shape_cast %swap3A_644 : vector<1x16xf32> to vector<16xf32>
      %swap3A_646 = vector.shape_cast %broadcast_in_dim3A_1 : vector<16xf32> to vector<1x16xf32>
      tpu.vector_store %arg6[%swap3A_642, %swap3A_643], %swap3A_646 {strides = array<i32>} : memref<80x128xf32, #tpu.memory_space<vmem>>, vector<1x16xf32>,
      %swap3A_647 = arith.index_cast %scan3A_631 : i32 to index
      %swap3A_648 = arith.constant 48 : index
      %swap3A_649 = tpu.vector_load %arg6[%swap3A_647, %swap3A_648] {strides = array<i32>} : memref<80x128xf32, #tpu.memory_space<vmem>>, vector<1x16xf32>,
      %swap3A_650 = vector.shape_cast %swap3A_649 : vector<1x16xf32> to vector<16xf32>
      %swap3A_651 = vector.shape_cast %broadcast_in_dim3A_1 : vector<16xf32> to vector<1x16xf32>
      tpu.vector_store %arg6[%swap3A_647, %swap3A_648], %swap3A_651 {strides = array<i32>} : memref<80x128xf32, #tpu.memory_space<vmem>>, vector<1x16xf32>,
      %swap3A_652 = arith.index_cast %scan3A_631 : i32 to index
      %swap3A_653 = arith.constant 64 : index
      %swap3A_654 = tpu.vector_load %arg6[%swap3A_652, %swap3A_653] {strides = array<i32>} : memref<80x128xf32, #tpu.memory_space<vmem>>, vector<1x16xf32>,
      %swap3A_655 = vector.shape_cast %swap3A_654 : vector<1x16xf32> to vector<16xf32>
      %swap3A_656 = vector.shape_cast %broadcast_in_dim3A_1 : vector<16xf32> to vector<1x16xf32>
      tpu.vector_store %arg6[%swap3A_652, %swap3A_653], %swap3A_656 {strides = array<i32>} : memref<80x128xf32, #tpu.memory_space<vmem>>, vector<1x16xf32>,
      %swap3A_657 = arith.index_cast %scan3A_631 : i32 to index
      %swap3A_658 = arith.constant 80 : index
      %swap3A_659 = tpu.vector_load %arg6[%swap3A_657, %swap3A_658] {strides = array<i32>} : memref<80x128xf32, #tpu.memory_space<vmem>>, vector<1x16xf32>,
      %swap3A_660 = vector.shape_cast %swap3A_659 : vector<1x16xf32> to vector<16xf32>
      %swap3A_661 = vector.shape_cast %broadcast_in_dim3A_1 : vector<16xf32> to vector<1x16xf32>
      tpu.vector_store %arg6[%swap3A_657, %swap3A_658], %swap3A_661 {strides = array<i32>} : memref<80x128xf32, #tpu.memory_space<vmem>>, vector<1x16xf32>,
      %swap3A_662 = arith.index_cast %scan3A_631 : i32 to index
      %swap3A_663 = arith.constant 96 : index
      %swap3A_664 = tpu.vector_load %arg6[%swap3A_662, %swap3A_663] {strides = array<i32>} : memref<80x128xf32, #tpu.memory_space<vmem>>, vector<1x16xf32>,
      %swap3A_665 = vector.shape_cast %swap3A_664 : vector<1x16xf32> to vector<16xf32>
      %swap3A_666 = vector.shape_cast %broadcast_in_dim3A_1 : vector<16xf32> to vector<1x16xf32>
      tpu.vector_store %arg6[%swap3A_662, %swap3A_663], %swap3A_666 {strides = array<i32>} : memref<80x128xf32, #tpu.memory_space<vmem>>, vector<1x16xf32>,
      %swap3A_667 = arith.index_cast %scan3A_631 : i32 to index
      %swap3A_668 = arith.constant 112 : index
      %swap3A_669 = tpu.vector_load %arg6[%swap3A_667, %swap3A_668] {strides = array<i32>} : memref<80x128xf32, #tpu.memory_space<vmem>>, vector<1x16xf32>,
      %swap3A_670 = vector.shape_cast %swap3A_669 : vector<1x16xf32> to vector<16xf32>
      %swap3A_671 = vector.shape_cast %broadcast_in_dim3A_1 : vector<16xf32> to vector<1x16xf32>
      tpu.vector_store %arg6[%swap3A_667, %swap3A_668], %swap3A_671 {strides = array<i32>} : memref<80x128xf32, #tpu.memory_space<vmem>>, vector<1x16xf32>,
    }
    %scan3A_6 = arith.constant 80 : i32
    %mul3A_7 = arith.constant 640 : i32
    %mul3A_8 = arith.muli %arg1, %mul3A_7 : i32
    %add3A_9 = arith.constant 0 : i32
    %add3A_10 = arith.addi %mul3A_8, %add3A_9 : i32
    "tpu.region"() ({
      %run_scoped3A_631 = tpu.sem_alloc : memref<!tpu.dma_semaphore, #tpu.memory_space<semaphore_mem>>
      %dma_start3A_632 = arith.constant 0 : i32
      %dma_start3A_633 = tpu.memref_slice %arg11[%add3A_10, %dma_start3A_632] : memref<10240x128xf32, #tpu.memory_space<vmem_shared>> -> memref<80x128xf32, #tpu.memory_space<vmem_shared>>
      %dma_start3A_634 = arith.constant 0 : i32
      %dma_start3A_635 = tpu.memref_slice %arg11[%add3A_10, %dma_start3A_634] : memref<10240x128xf32, #tpu.memory_space<vmem_shared>> -> memref<80x128xf32, #tpu.memory_space<vmem_shared>>
      tpu.enqueue_dma source(%arg6 : memref<80x128xf32, #tpu.memory_space<vmem>>) target(%dma_start3A_635 : memref<80x128xf32, #tpu.memory_space<vmem_shared>>) target_semaphore(%run_scoped3A_631 : memref<!tpu.dma_semaphore, #tpu.memory_space<semaphore_mem>>)
      %dma_wait3A_636 = arith.constant 0 : i32
      %dma_wait3A_637 = tpu.memref_slice %arg11[%add3A_10, %dma_wait3A_636] : memref<10240x128xf32, #tpu.memory_space<vmem_shared>> -> memref<80x128xf32, #tpu.memory_space<vmem_shared>>
      %dma_wait3A_638 = arith.constant 0 : i32
      %dma_wait3A_639 = tpu.memref_slice %arg11[%add3A_10, %dma_wait3A_638] : memref<10240x128xf32, #tpu.memory_space<vmem_shared>> -> memref<80x128xf32, #tpu.memory_space<vmem_shared>>
      tpu.wait_dma2 semaphore(%run_scoped3A_631 : memref<!tpu.dma_semaphore, #tpu.memory_space<semaphore_mem>>) src(%arg6 : memref<80x128xf32, #tpu.memory_space<vmem>>) dst(%dma_wait3A_639 : memref<80x128xf32, #tpu.memory_space<vmem_shared>>)
      tpu.yield
    }) : () -> ()
    %add3A_11 = arith.constant 80 : i32
    %add3A_12 = arith.addi %mul3A_8, %add3A_11 : i32
    "tpu.region"() ({
      %run_scoped3A_631 = tpu.sem_alloc : memref<!tpu.dma_semaphore, #tpu.memory_space<semaphore_mem>>
      %dma_start3A_632 = arith.constant 0 : i32
      %dma_start3A_633 = tpu.memref_slice %arg11[%add3A_12, %dma_start3A_632] : memref<10240x128xf32, #tpu.memory_space<vmem_shared>> -> memref<80x128xf32, #tpu.memory_space<vmem_shared>>
      %dma_start3A_634 = arith.constant 0 : i32
      %dma_start3A_635 = tpu.memref_slice %arg11[%add3A_12, %dma_start3A_634] : memref<10240x128xf32, #tpu.memory_space<vmem_shared>> -> memref<80x128xf32, #tpu.memory_space<vmem_shared>>
      tpu.enqueue_dma source(%arg6 : memref<80x128xf32, #tpu.memory_space<vmem>>) target(%dma_start3A_635 : memref<80x128xf32, #tpu.memory_space<vmem_shared>>) target_semaphore(%run_scoped3A_631 : memref<!tpu.dma_semaphore, #tpu.memory_space<semaphore_mem>>)
      %dma_wait3A_636 = arith.constant 0 : i32
      %dma_wait3A_637 = tpu.memref_slice %arg11[%add3A_12, %dma_wait3A_636] : memref<10240x128xf32, #tpu.memory_space<vmem_shared>> -> memref<80x128xf32, #tpu.memory_space<vmem_shared>>
      %dma_wait3A_638 = arith.constant 0 : i32
      %dma_wait3A_639 = tpu.memref_slice %arg11[%add3A_12, %dma_wait3A_638] : memref<10240x128xf32, #tpu.memory_space<vmem_shared>> -> memref<80x128xf32, #tpu.memory_space<vmem_shared>>
      tpu.wait_dma2 semaphore(%run_scoped3A_631 : memref<!tpu.dma_semaphore, #tpu.memory_space<semaphore_mem>>) src(%arg6 : memref<80x128xf32, #tpu.memory_space<vmem>>) dst(%dma_wait3A_639 : memref<80x128xf32, #tpu.memory_space<vmem_shared>>)
      tpu.yield
    }) : () -> ()
    %add3A_13 = arith.constant 160 : i32
    %add3A_14 = arith.addi %mul3A_8, %add3A_13 : i32
    "tpu.region"() ({
      %run_scoped3A_631 = tpu.sem_alloc : memref<!tpu.dma_semaphore, #tpu.memory_space<semaphore_mem>>
      %dma_start3A_632 = arith.constant 0 : i32
      %dma_start3A_633 = tpu.memref_slice %arg11[%add3A_14, %dma_start3A_632] : memref<10240x128xf32, #tpu.memory_space<vmem_shared>> -> memref<80x128xf32, #tpu.memory_space<vmem_shared>>
      %dma_start3A_634 = arith.constant 0 : i32
      %dma_start3A_635 = tpu.memref_slice %arg11[%add3A_14, %dma_start3A_634] : memref<10240x128xf32, #tpu.memory_space<vmem_shared>> -> memref<80x128xf32, #tpu.memory_space<vmem_shared>>
      tpu.enqueue_dma source(%arg6 : memref<80x128xf32, #tpu.memory_space<vmem>>) target(%dma_start3A_635 : memref<80x128xf32, #tpu.memory_space<vmem_shared>>) target_semaphore(%run_scoped3A_631 : memref<!tpu.dma_semaphore, #tpu.memory_space<semaphore_mem>>)
      %dma_wait3A_636 = arith.constant 0 : i32
      %dma_wait3A_637 = tpu.memref_slice %arg11[%add3A_14, %dma_wait3A_636] : memref<10240x128xf32, #tpu.memory_space<vmem_shared>> -> memref<80x128xf32, #tpu.memory_space<vmem_shared>>
      %dma_wait3A_638 = arith.constant 0 : i32
      %dma_wait3A_639 = tpu.memref_slice %arg11[%add3A_14, %dma_wait3A_638] : memref<10240x128xf32, #tpu.memory_space<vmem_shared>> -> memref<80x128xf32, #tpu.memory_space<vmem_shared>>
      tpu.wait_dma2 semaphore(%run_scoped3A_631 : memref<!tpu.dma_semaphore, #tpu.memory_space<semaphore_mem>>) src(%arg6 : memref<80x128xf32, #tpu.memory_space<vmem>>) dst(%dma_wait3A_639 : memref<80x128xf32, #tpu.memory_space<vmem_shared>>)
      tpu.yield
    }) : () -> ()
    %add3A_15 = arith.constant 240 : i32
    %add3A_16 = arith.addi %mul3A_8, %add3A_15 : i32
    "tpu.region"() ({
      %run_scoped3A_631 = tpu.sem_alloc : memref<!tpu.dma_semaphore, #tpu.memory_space<semaphore_mem>>
      %dma_start3A_632 = arith.constant 0 : i32
      %dma_start3A_633 = tpu.memref_slice %arg11[%add3A_16, %dma_start3A_632] : memref<10240x128xf32, #tpu.memory_space<vmem_shared>> -> memref<80x128xf32, #tpu.memory_space<vmem_shared>>
      %dma_start3A_634 = arith.constant 0 : i32
      %dma_start3A_635 = tpu.memref_slice %arg11[%add3A_16, %dma_start3A_634] : memref<10240x128xf32, #tpu.memory_space<vmem_shared>> -> memref<80x128xf32, #tpu.memory_space<vmem_shared>>
      tpu.enqueue_dma source(%arg6 : memref<80x128xf32, #tpu.memory_space<vmem>>) target(%dma_start3A_635 : memref<80x128xf32, #tpu.memory_space<vmem_shared>>) target_semaphore(%run_scoped3A_631 : memref<!tpu.dma_semaphore, #tpu.memory_space<semaphore_mem>>)
      %dma_wait3A_636 = arith.constant 0 : i32
      %dma_wait3A_637 = tpu.memref_slice %arg11[%add3A_16, %dma_wait3A_636] : memref<10240x128xf32, #tpu.memory_space<vmem_shared>> -> memref<80x128xf32, #tpu.memory_space<vmem_shared>>
      %dma_wait3A_638 = arith.constant 0 : i32
      %dma_wait3A_639 = tpu.memref_slice %arg11[%add3A_16, %dma_wait3A_638] : memref<10240x128xf32, #tpu.memory_space<vmem_shared>> -> memref<80x128xf32, #tpu.memory_space<vmem_shared>>
      tpu.wait_dma2 semaphore(%run_scoped3A_631 : memref<!tpu.dma_semaphore, #tpu.memory_space<semaphore_mem>>) src(%arg6 : memref<80x128xf32, #tpu.memory_space<vmem>>) dst(%dma_wait3A_639 : memref<80x128xf32, #tpu.memory_space<vmem_shared>>)
      tpu.yield
    }) : () -> ()
    %add3A_17 = arith.constant 320 : i32
    %add3A_18 = arith.addi %mul3A_8, %add3A_17 : i32
    "tpu.region"() ({
      %run_scoped3A_631 = tpu.sem_alloc : memref<!tpu.dma_semaphore, #tpu.memory_space<semaphore_mem>>
      %dma_start3A_632 = arith.constant 0 : i32
      %dma_start3A_633 = tpu.memref_slice %arg11[%add3A_18, %dma_start3A_632] : memref<10240x128xf32, #tpu.memory_space<vmem_shared>> -> memref<80x128xf32, #tpu.memory_space<vmem_shared>>
      %dma_start3A_634 = arith.constant 0 : i32
      %dma_start3A_635 = tpu.memref_slice %arg11[%add3A_18, %dma_start3A_634] : memref<10240x128xf32, #tpu.memory_space<vmem_shared>> -> memref<80x128xf32, #tpu.memory_space<vmem_shared>>
      tpu.enqueue_dma source(%arg6 : memref<80x128xf32, #tpu.memory_space<vmem>>) target(%dma_start3A_635 : memref<80x128xf32, #tpu.memory_space<vmem_shared>>) target_semaphore(%run_scoped3A_631 : memref<!tpu.dma_semaphore, #tpu.memory_space<semaphore_mem>>)
      %dma_wait3A_636 = arith.constant 0 : i32
      %dma_wait3A_637 = tpu.memref_slice %arg11[%add3A_18, %dma_wait3A_636] : memref<10240x128xf32, #tpu.memory_space<vmem_shared>> -> memref<80x128xf32, #tpu.memory_space<vmem_shared>>
      %dma_wait3A_638 = arith.constant 0 : i32
      %dma_wait3A_639 = tpu.memref_slice %arg11[%add3A_18, %dma_wait3A_638] : memref<10240x128xf32, #tpu.memory_space<vmem_shared>> -> memref<80x128xf32, #tpu.memory_space<vmem_shared>>
      tpu.wait_dma2 semaphore(%run_scoped3A_631 : memref<!tpu.dma_semaphore, #tpu.memory_space<semaphore_mem>>) src(%arg6 : memref<80x128xf32, #tpu.memory_space<vmem>>) dst(%dma_wait3A_639 : memref<80x128xf32, #tpu.memory_space<vmem_shared>>)
      tpu.yield
    }) : () -> ()
    %add3A_19 = arith.constant 400 : i32
    %add3A_20 = arith.addi %mul3A_8, %add3A_19 : i32
    "tpu.region"() ({
      %run_scoped3A_631 = tpu.sem_alloc : memref<!tpu.dma_semaphore, #tpu.memory_space<semaphore_mem>>
      %dma_start3A_632 = arith.constant 0 : i32
      %dma_start3A_633 = tpu.memref_slice %arg11[%add3A_20, %dma_start3A_632] : memref<10240x128xf32, #tpu.memory_space<vmem_shared>> -> memref<80x128xf32, #tpu.memory_space<vmem_shared>>
      %dma_start3A_634 = arith.constant 0 : i32
      %dma_start3A_635 = tpu.memref_slice %arg11[%add3A_20, %dma_start3A_634] : memref<10240x128xf32, #tpu.memory_space<vmem_shared>> -> memref<80x128xf32, #tpu.memory_space<vmem_shared>>
      tpu.enqueue_dma source(%arg6 : memref<80x128xf32, #tpu.memory_space<vmem>>) target(%dma_start3A_635 : memref<80x128xf32, #tpu.memory_space<vmem_shared>>) target_semaphore(%run_scoped3A_631 : memref<!tpu.dma_semaphore, #tpu.memory_space<semaphore_mem>>)
      %dma_wait3A_636 = arith.constant 0 : i32
      %dma_wait3A_637 = tpu.memref_slice %arg11[%add3A_20, %dma_wait3A_636] : memref<10240x128xf32, #tpu.memory_space<vmem_shared>> -> memref<80x128xf32, #tpu.memory_space<vmem_shared>>
      %dma_wait3A_638 = arith.constant 0 : i32
      %dma_wait3A_639 = tpu.memref_slice %arg11[%add3A_20, %dma_wait3A_638] : memref<10240x128xf32, #tpu.memory_space<vmem_shared>> -> memref<80x128xf32, #tpu.memory_space<vmem_shared>>
      tpu.wait_dma2 semaphore(%run_scoped3A_631 : memref<!tpu.dma_semaphore, #tpu.memory_space<semaphore_mem>>) src(%arg6 : memref<80x128xf32, #tpu.memory_space<vmem>>) dst(%dma_wait3A_639 : memref<80x128xf32, #tpu.memory_space<vmem_shared>>)
      tpu.yield
    }) : () -> ()
    %add3A_21 = arith.constant 480 : i32
    %add3A_22 = arith.addi %mul3A_8, %add3A_21 : i32
    "tpu.region"() ({
      %run_scoped3A_631 = tpu.sem_alloc : memref<!tpu.dma_semaphore, #tpu.memory_space<semaphore_mem>>
      %dma_start3A_632 = arith.constant 0 : i32
      %dma_start3A_633 = tpu.memref_slice %arg11[%add3A_22, %dma_start3A_632] : memref<10240x128xf32, #tpu.memory_space<vmem_shared>> -> memref<80x128xf32, #tpu.memory_space<vmem_shared>>
      %dma_start3A_634 = arith.constant 0 : i32
      %dma_start3A_635 = tpu.memref_slice %arg11[%add3A_22, %dma_start3A_634] : memref<10240x128xf32, #tpu.memory_space<vmem_shared>> -> memref<80x128xf32, #tpu.memory_space<vmem_shared>>
      tpu.enqueue_dma source(%arg6 : memref<80x128xf32, #tpu.memory_space<vmem>>) target(%dma_start3A_635 : memref<80x128xf32, #tpu.memory_space<vmem_shared>>) target_semaphore(%run_scoped3A_631 : memref<!tpu.dma_semaphore, #tpu.memory_space<semaphore_mem>>)
      %dma_wait3A_636 = arith.constant 0 : i32
      %dma_wait3A_637 = tpu.memref_slice %arg11[%add3A_22, %dma_wait3A_636] : memref<10240x128xf32, #tpu.memory_space<vmem_shared>> -> memref<80x128xf32, #tpu.memory_space<vmem_shared>>
      %dma_wait3A_638 = arith.constant 0 : i32
      %dma_wait3A_639 = tpu.memref_slice %arg11[%add3A_22, %dma_wait3A_638] : memref<10240x128xf32, #tpu.memory_space<vmem_shared>> -> memref<80x128xf32, #tpu.memory_space<vmem_shared>>
      tpu.wait_dma2 semaphore(%run_scoped3A_631 : memref<!tpu.dma_semaphore, #tpu.memory_space<semaphore_mem>>) src(%arg6 : memref<80x128xf32, #tpu.memory_space<vmem>>) dst(%dma_wait3A_639 : memref<80x128xf32, #tpu.memory_space<vmem_shared>>)
      tpu.yield
    }) : () -> ()
    %add3A_23 = arith.constant 560 : i32
    %add3A_24 = arith.addi %mul3A_8, %add3A_23 : i32
    "tpu.region"() ({
      %run_scoped3A_631 = tpu.sem_alloc : memref<!tpu.dma_semaphore, #tpu.memory_space<semaphore_mem>>
      %dma_start3A_632 = arith.constant 0 : i32
      %dma_start3A_633 = tpu.memref_slice %arg11[%add3A_24, %dma_start3A_632] : memref<10240x128xf32, #tpu.memory_space<vmem_shared>> -> memref<80x128xf32, #tpu.memory_space<vmem_shared>>
      %dma_start3A_634 = arith.constant 0 : i32
      %dma_start3A_635 = tpu.memref_slice %arg11[%add3A_24, %dma_start3A_634] : memref<10240x128xf32, #tpu.memory_space<vmem_shared>> -> memref<80x128xf32, #tpu.memory_space<vmem_shared>>
      tpu.enqueue_dma source(%arg6 : memref<80x128xf32, #tpu.memory_space<vmem>>) target(%dma_start3A_635 : memref<80x128xf32, #tpu.memory_space<vmem_shared>>) target_semaphore(%run_scoped3A_631 : memref<!tpu.dma_semaphore, #tpu.memory_space<semaphore_mem>>)
      %dma_wait3A_636 = arith.constant 0 : i32
      %dma_wait3A_637 = tpu.memref_slice %arg11[%add3A_24, %dma_wait3A_636] : memref<10240x128xf32, #tpu.memory_space<vmem_shared>> -> memref<80x128xf32, #tpu.memory_space<vmem_shared>>
      %dma_wait3A_638 = arith.constant 0 : i32
      %dma_wait3A_639 = tpu.memref_slice %arg11[%add3A_24, %dma_wait3A_638] : memref<10240x128xf32, #tpu.memory_space<vmem_shared>> -> memref<80x128xf32, #tpu.memory_space<vmem_shared>>
      tpu.wait_dma2 semaphore(%run_scoped3A_631 : memref<!tpu.dma_semaphore, #tpu.memory_space<semaphore_mem>>) src(%arg6 : memref<80x128xf32, #tpu.memory_space<vmem>>) dst(%dma_wait3A_639 : memref<80x128xf32, #tpu.memory_space<vmem_shared>>)
      tpu.yield
    }) : () -> ()
    %mul3A_25 = arith.constant 10000 : i32
    %mul3A_26 = arith.muli %add3A, %mul3A_25 : i32
    "tpu.region"() ({
      %run_scoped3A_631 = tpu.sem_alloc : memref<!tpu.dma_semaphore, #tpu.memory_space<semaphore_mem>>
      %dma_start3A_632 = tpu.memref_slice %arg3[%mul3A_26] : memref<320000xi32, #tpu.memory_space<hbm>> -> memref<10000xi32, #tpu.memory_space<hbm>>
      %dma_start3A_633 = tpu.memref_slice %arg3[%mul3A_26] : memref<320000xi32, #tpu.memory_space<hbm>> -> memref<10000xi32, #tpu.memory_space<hbm>>
      tpu.enqueue_dma source(%dma_start3A_633 : memref<10000xi32, #tpu.memory_space<hbm>>) target(%arg5 : memref<10000xi32, #tpu.memory_space<vmem>>) target_semaphore(%run_scoped3A_631 : memref<!tpu.dma_semaphore, #tpu.memory_space<semaphore_mem>>)
      %dma_wait3A_634 = tpu.memref_slice %arg3[%mul3A_26] : memref<320000xi32, #tpu.memory_space<hbm>> -> memref<10000xi32, #tpu.memory_space<hbm>>
      %dma_wait3A_635 = tpu.memref_slice %arg3[%mul3A_26] : memref<320000xi32, #tpu.memory_space<hbm>> -> memref<10000xi32, #tpu.memory_space<hbm>>
      tpu.wait_dma2 semaphore(%run_scoped3A_631 : memref<!tpu.dma_semaphore, #tpu.memory_space<semaphore_mem>>) src(%dma_wait3A_635 : memref<10000xi32, #tpu.memory_space<hbm>>) dst(%arg5 : memref<10000xi32, #tpu.memory_space<vmem>>)
      tpu.yield
    }) : () -> ()
    %barrier3A = arith.constant 0 : index
    tpu.barrier barrier_id(%barrier3A)
    %broadcast_in_dim3A_27 = arith.constant 65535 : i32
    %broadcast_in_dim3A_28 = vector.broadcast %broadcast_in_dim3A_27 : i32 to vector<16xi32>
    %get3A = arith.constant 0 : index
    %get3A_29 = tpu.vector_load %arg5[%get3A] {strides = array<i32>} : memref<10000xi32, #tpu.memory_space<vmem>>, vector<16xi32>,
    %get3A_30 = vector.shape_cast %get3A_29 : vector<16xi32> to vector<16xi32>
    %and3A = arith.andi %get3A_30, %broadcast_in_dim3A_28 : vector<16xi32>
    %swap3A = arith.constant 0 : i32
    %swap3A_31 = arith.index_cast %swap3A : i32 to index
    %swap3A_32 = arith.constant 0 : index
    %swap3A_33 = tpu.vector_load %arg9[%swap3A_31, %swap3A_32] {strides = array<i32>} : memref<3x80xi32, #tpu.memory_space<vmem>>, vector<1x16xi32>,
    %swap3A_34 = vector.shape_cast %swap3A_33 : vector<1x16xi32> to vector<16xi32>
    %swap3A_35 = vector.shape_cast %and3A : vector<16xi32> to vector<1x16xi32>
    tpu.vector_store %arg9[%swap3A_31, %swap3A_32], %swap3A_35 {strides = array<i32>} : memref<3x80xi32, #tpu.memory_space<vmem>>, vector<1x16xi32>,
    %shift_right_logical3A = arith.constant 16 : i32
    %shift_right_logical3A_36 = vector.broadcast %shift_right_logical3A : i32 to vector<16xi32>
    %shift_right_logical3A_37 = arith.shrui %get3A_30, %shift_right_logical3A_36 : vector<16xi32>
    %swap3A_38 = arith.constant 0 : i32
    %swap3A_39 = arith.index_cast %swap3A_38 : i32 to index
    %swap3A_40 = arith.constant 0 : index
    %swap3A_41 = tpu.vector_load %arg10[%swap3A_39, %swap3A_40] {strides = array<i32>} : memref<3x80xi32, #tpu.memory_space<vmem>>, vector<1x16xi32>,
    %swap3A_42 = vector.shape_cast %swap3A_41 : vector<1x16xi32> to vector<16xi32>
    %swap3A_43 = vector.shape_cast %shift_right_logical3A_37 : vector<16xi32> to vector<1x16xi32>
    tpu.vector_store %arg10[%swap3A_39, %swap3A_40], %swap3A_43 {strides = array<i32>} : memref<3x80xi32, #tpu.memory_space<vmem>>, vector<1x16xi32>,
    %get3A_44 = arith.constant 16 : index
    %get3A_45 = tpu.vector_load %arg5[%get3A_44] {strides = array<i32>} : memref<10000xi32, #tpu.memory_space<vmem>>, vector<16xi32>,
    %get3A_46 = vector.shape_cast %get3A_45 : vector<16xi32> to vector<16xi32>
    %and3A_47 = arith.andi %get3A_46, %broadcast_in_dim3A_28 : vector<16xi32>
    %swap3A_48 = arith.constant 0 : i32
    %swap3A_49 = arith.index_cast %swap3A_48 : i32 to index
    %swap3A_50 = arith.constant 16 : index
    %swap3A_51 = tpu.vector_load %arg9[%swap3A_49, %swap3A_50] {strides = array<i32>} : memref<3x80xi32, #tpu.memory_space<vmem>>, vector<1x16xi32>,
    %swap3A_52 = vector.shape_cast %swap3A_51 : vector<1x16xi32> to vector<16xi32>
    %swap3A_53 = vector.shape_cast %and3A_47 : vector<16xi32> to vector<1x16xi32>
    tpu.vector_store %arg9[%swap3A_49, %swap3A_50], %swap3A_53 {strides = array<i32>} : memref<3x80xi32, #tpu.memory_space<vmem>>, vector<1x16xi32>,
    %shift_right_logical3A_54 = arith.constant 16 : i32
    %shift_right_logical3A_55 = vector.broadcast %shift_right_logical3A_54 : i32 to vector<16xi32>
    %shift_right_logical3A_56 = arith.shrui %get3A_46, %shift_right_logical3A_55 : vector<16xi32>
    %swap3A_57 = arith.constant 0 : i32
    %swap3A_58 = arith.index_cast %swap3A_57 : i32 to index
    %swap3A_59 = arith.constant 16 : index
    %swap3A_60 = tpu.vector_load %arg10[%swap3A_58, %swap3A_59] {strides = array<i32>} : memref<3x80xi32, #tpu.memory_space<vmem>>, vector<1x16xi32>,
    %swap3A_61 = vector.shape_cast %swap3A_60 : vector<1x16xi32> to vector<16xi32>
    %swap3A_62 = vector.shape_cast %shift_right_logical3A_56 : vector<16xi32> to vector<1x16xi32>
    tpu.vector_store %arg10[%swap3A_58, %swap3A_59], %swap3A_62 {strides = array<i32>} : memref<3x80xi32, #tpu.memory_space<vmem>>, vector<1x16xi32>,
    %get3A_63 = arith.constant 32 : index
    %get3A_64 = tpu.vector_load %arg5[%get3A_63] {strides = array<i32>} : memref<10000xi32, #tpu.memory_space<vmem>>, vector<16xi32>,
    %get3A_65 = vector.shape_cast %get3A_64 : vector<16xi32> to vector<16xi32>
    %and3A_66 = arith.andi %get3A_65, %broadcast_in_dim3A_28 : vector<16xi32>
    %swap3A_67 = arith.constant 0 : i32
    %swap3A_68 = arith.index_cast %swap3A_67 : i32 to index
    %swap3A_69 = arith.constant 32 : index
    %swap3A_70 = tpu.vector_load %arg9[%swap3A_68, %swap3A_69] {strides = array<i32>} : memref<3x80xi32, #tpu.memory_space<vmem>>, vector<1x16xi32>,
    %swap3A_71 = vector.shape_cast %swap3A_70 : vector<1x16xi32> to vector<16xi32>
    %swap3A_72 = vector.shape_cast %and3A_66 : vector<16xi32> to vector<1x16xi32>
    tpu.vector_store %arg9[%swap3A_68, %swap3A_69], %swap3A_72 {strides = array<i32>} : memref<3x80xi32, #tpu.memory_space<vmem>>, vector<1x16xi32>,
    %shift_right_logical3A_73 = arith.constant 16 : i32
    %shift_right_logical3A_74 = vector.broadcast %shift_right_logical3A_73 : i32 to vector<16xi32>
    %shift_right_logical3A_75 = arith.shrui %get3A_65, %shift_right_logical3A_74 : vector<16xi32>
    %swap3A_76 = arith.constant 0 : i32
    %swap3A_77 = arith.index_cast %swap3A_76 : i32 to index
    %swap3A_78 = arith.constant 32 : index
    %swap3A_79 = tpu.vector_load %arg10[%swap3A_77, %swap3A_78] {strides = array<i32>} : memref<3x80xi32, #tpu.memory_space<vmem>>, vector<1x16xi32>,
    %swap3A_80 = vector.shape_cast %swap3A_79 : vector<1x16xi32> to vector<16xi32>
    %swap3A_81 = vector.shape_cast %shift_right_logical3A_75 : vector<16xi32> to vector<1x16xi32>
    tpu.vector_store %arg10[%swap3A_77, %swap3A_78], %swap3A_81 {strides = array<i32>} : memref<3x80xi32, #tpu.memory_space<vmem>>, vector<1x16xi32>,
    %get3A_82 = arith.constant 48 : index
    %get3A_83 = tpu.vector_load %arg5[%get3A_82] {strides = array<i32>} : memref<10000xi32, #tpu.memory_space<vmem>>, vector<16xi32>,
    %get3A_84 = vector.shape_cast %get3A_83 : vector<16xi32> to vector<16xi32>
    %and3A_85 = arith.andi %get3A_84, %broadcast_in_dim3A_28 : vector<16xi32>
    %swap3A_86 = arith.constant 0 : i32
    %swap3A_87 = arith.index_cast %swap3A_86 : i32 to index
    %swap3A_88 = arith.constant 48 : index
    %swap3A_89 = tpu.vector_load %arg9[%swap3A_87, %swap3A_88] {strides = array<i32>} : memref<3x80xi32, #tpu.memory_space<vmem>>, vector<1x16xi32>,
    %swap3A_90 = vector.shape_cast %swap3A_89 : vector<1x16xi32> to vector<16xi32>
    %swap3A_91 = vector.shape_cast %and3A_85 : vector<16xi32> to vector<1x16xi32>
    tpu.vector_store %arg9[%swap3A_87, %swap3A_88], %swap3A_91 {strides = array<i32>} : memref<3x80xi32, #tpu.memory_space<vmem>>, vector<1x16xi32>,
    %shift_right_logical3A_92 = arith.constant 16 : i32
    %shift_right_logical3A_93 = vector.broadcast %shift_right_logical3A_92 : i32 to vector<16xi32>
    %shift_right_logical3A_94 = arith.shrui %get3A_84, %shift_right_logical3A_93 : vector<16xi32>
    %swap3A_95 = arith.constant 0 : i32
    %swap3A_96 = arith.index_cast %swap3A_95 : i32 to index
    %swap3A_97 = arith.constant 48 : index
    %swap3A_98 = tpu.vector_load %arg10[%swap3A_96, %swap3A_97] {strides = array<i32>} : memref<3x80xi32, #tpu.memory_space<vmem>>, vector<1x16xi32>,
    %swap3A_99 = vector.shape_cast %swap3A_98 : vector<1x16xi32> to vector<16xi32>
    %swap3A_100 = vector.shape_cast %shift_right_logical3A_94 : vector<16xi32> to vector<1x16xi32>
    tpu.vector_store %arg10[%swap3A_96, %swap3A_97], %swap3A_100 {strides = array<i32>} : memref<3x80xi32, #tpu.memory_space<vmem>>, vector<1x16xi32>,
    %get3A_101 = arith.constant 64 : index
    %get3A_102 = tpu.vector_load %arg5[%get3A_101] {strides = array<i32>} : memref<10000xi32, #tpu.memory_space<vmem>>, vector<16xi32>,
    %get3A_103 = vector.shape_cast %get3A_102 : vector<16xi32> to vector<16xi32>
    %and3A_104 = arith.andi %get3A_103, %broadcast_in_dim3A_28 : vector<16xi32>
    %swap3A_105 = arith.constant 0 : i32
    %swap3A_106 = arith.index_cast %swap3A_105 : i32 to index
    %swap3A_107 = arith.constant 64 : index
    %swap3A_108 = tpu.vector_load %arg9[%swap3A_106, %swap3A_107] {strides = array<i32>} : memref<3x80xi32, #tpu.memory_space<vmem>>, vector<1x16xi32>,
    %swap3A_109 = vector.shape_cast %swap3A_108 : vector<1x16xi32> to vector<16xi32>
    %swap3A_110 = vector.shape_cast %and3A_104 : vector<16xi32> to vector<1x16xi32>
    tpu.vector_store %arg9[%swap3A_106, %swap3A_107], %swap3A_110 {strides = array<i32>} : memref<3x80xi32, #tpu.memory_space<vmem>>, vector<1x16xi32>,
    %shift_right_logical3A_111 = arith.constant 16 : i32
    %shift_right_logical3A_112 = vector.broadcast %shift_right_logical3A_111 : i32 to vector<16xi32>
    %shift_right_logical3A_113 = arith.shrui %get3A_103, %shift_right_logical3A_112 : vector<16xi32>
    %swap3A_114 = arith.constant 0 : i32
    %swap3A_115 = arith.index_cast %swap3A_114 : i32 to index
    %swap3A_116 = arith.constant 64 : index
    %swap3A_117 = tpu.vector_load %arg10[%swap3A_115, %swap3A_116] {strides = array<i32>} : memref<3x80xi32, #tpu.memory_space<vmem>>, vector<1x16xi32>,
    %swap3A_118 = vector.shape_cast %swap3A_117 : vector<1x16xi32> to vector<16xi32>
    %swap3A_119 = vector.shape_cast %shift_right_logical3A_113 : vector<16xi32> to vector<1x16xi32>
    tpu.vector_store %arg10[%swap3A_115, %swap3A_116], %swap3A_119 {strides = array<i32>} : memref<3x80xi32, #tpu.memory_space<vmem>>, vector<1x16xi32>,
    %dma_start3A = arith.constant 0 : i32
    %dma_start3A_120 = arith.constant 0 : i32
    %dma_start3A_121 = tpu.memref_slice %arg9[%dma_start3A, %dma_start3A_120] : memref<3x80xi32, #tpu.memory_space<vmem>> -> memref<1x80xi32, #tpu.memory_space<vmem>>
    %dma_start3A_122 = tpu.memref_squeeze %dma_start3A_121 : memref<1x80xi32, #tpu.memory_space<vmem>> -> memref<80xi32, #tpu.memory_space<vmem>>
    %dma_start3A_123 = arith.constant 0 : i32
    %dma_start3A_124 = arith.constant 0 : i32
    %dma_start3A_125 = tpu.memref_slice %arg2[%dma_start3A_123, %dma_start3A_124] : memref<10000x128xf32, #tpu.memory_space<hbm>> -> memref<10000x128xf32, #tpu.memory_space<hbm>>
    tpu.enqueue_indirect_dma source(%dma_start3A_125 : memref<10000x128xf32, #tpu.memory_space<hbm>>) target(%arg6 : memref<80x128xf32, #tpu.memory_space<vmem>>) offsets(%dma_start3A_122 : memref<80xi32, #tpu.memory_space<vmem>>) semaphore(%arg12 : memref<!tpu.dma_semaphore, #tpu.memory_space<semaphore_mem>>)
    %get3A_126 = arith.constant 80 : index
    %get3A_127 = tpu.vector_load %arg5[%get3A_126] {strides = array<i32>} : memref<10000xi32, #tpu.memory_space<vmem>>, vector<16xi32>,
    %get3A_128 = vector.shape_cast %get3A_127 : vector<16xi32> to vector<16xi32>
    %and3A_129 = arith.andi %get3A_128, %broadcast_in_dim3A_28 : vector<16xi32>
    %swap3A_130 = arith.constant 1 : i32
    %swap3A_131 = arith.index_cast %swap3A_130 : i32 to index
    %swap3A_132 = arith.constant 0 : index
    %swap3A_133 = tpu.vector_load %arg9[%swap3A_131, %swap3A_132] {strides = array<i32>} : memref<3x80xi32, #tpu.memory_space<vmem>>, vector<1x16xi32>,
    %swap3A_134 = vector.shape_cast %swap3A_133 : vector<1x16xi32> to vector<16xi32>
    %swap3A_135 = vector.shape_cast %and3A_129 : vector<16xi32> to vector<1x16xi32>
    tpu.vector_store %arg9[%swap3A_131, %swap3A_132], %swap3A_135 {strides = array<i32>} : memref<3x80xi32, #tpu.memory_space<vmem>>, vector<1x16xi32>,
    %shift_right_logical3A_136 = arith.constant 16 : i32
    %shift_right_logical3A_137 = vector.broadcast %shift_right_logical3A_136 : i32 to vector<16xi32>
    %shift_right_logical3A_138 = arith.shrui %get3A_128, %shift_right_logical3A_137 : vector<16xi32>
    %swap3A_139 = arith.constant 1 : i32
    %swap3A_140 = arith.index_cast %swap3A_139 : i32 to index
    %swap3A_141 = arith.constant 0 : index
    %swap3A_142 = tpu.vector_load %arg10[%swap3A_140, %swap3A_141] {strides = array<i32>} : memref<3x80xi32, #tpu.memory_space<vmem>>, vector<1x16xi32>,
    %swap3A_143 = vector.shape_cast %swap3A_142 : vector<1x16xi32> to vector<16xi32>
    %swap3A_144 = vector.shape_cast %shift_right_logical3A_138 : vector<16xi32> to vector<1x16xi32>
    tpu.vector_store %arg10[%swap3A_140, %swap3A_141], %swap3A_144 {strides = array<i32>} : memref<3x80xi32, #tpu.memory_space<vmem>>, vector<1x16xi32>,
    %get3A_145 = arith.constant 96 : index
    %get3A_146 = tpu.vector_load %arg5[%get3A_145] {strides = array<i32>} : memref<10000xi32, #tpu.memory_space<vmem>>, vector<16xi32>,
    %get3A_147 = vector.shape_cast %get3A_146 : vector<16xi32> to vector<16xi32>
    %and3A_148 = arith.andi %get3A_147, %broadcast_in_dim3A_28 : vector<16xi32>
    %swap3A_149 = arith.constant 1 : i32
    %swap3A_150 = arith.index_cast %swap3A_149 : i32 to index
    %swap3A_151 = arith.constant 16 : index
    %swap3A_152 = tpu.vector_load %arg9[%swap3A_150, %swap3A_151] {strides = array<i32>} : memref<3x80xi32, #tpu.memory_space<vmem>>, vector<1x16xi32>,
    %swap3A_153 = vector.shape_cast %swap3A_152 : vector<1x16xi32> to vector<16xi32>
    %swap3A_154 = vector.shape_cast %and3A_148 : vector<16xi32> to vector<1x16xi32>
    tpu.vector_store %arg9[%swap3A_150, %swap3A_151], %swap3A_154 {strides = array<i32>} : memref<3x80xi32, #tpu.memory_space<vmem>>, vector<1x16xi32>,
    %shift_right_logical3A_155 = arith.constant 16 : i32
    %shift_right_logical3A_156 = vector.broadcast %shift_right_logical3A_155 : i32 to vector<16xi32>
    %shift_right_logical3A_157 = arith.shrui %get3A_147, %shift_right_logical3A_156 : vector<16xi32>
    %swap3A_158 = arith.constant 1 : i32
    %swap3A_159 = arith.index_cast %swap3A_158 : i32 to index
    %swap3A_160 = arith.constant 16 : index
    %swap3A_161 = tpu.vector_load %arg10[%swap3A_159, %swap3A_160] {strides = array<i32>} : memref<3x80xi32, #tpu.memory_space<vmem>>, vector<1x16xi32>,
    %swap3A_162 = vector.shape_cast %swap3A_161 : vector<1x16xi32> to vector<16xi32>
    %swap3A_163 = vector.shape_cast %shift_right_logical3A_157 : vector<16xi32> to vector<1x16xi32>
    tpu.vector_store %arg10[%swap3A_159, %swap3A_160], %swap3A_163 {strides = array<i32>} : memref<3x80xi32, #tpu.memory_space<vmem>>, vector<1x16xi32>,
    %get3A_164 = arith.constant 112 : index
    %get3A_165 = tpu.vector_load %arg5[%get3A_164] {strides = array<i32>} : memref<10000xi32, #tpu.memory_space<vmem>>, vector<16xi32>,
    %get3A_166 = vector.shape_cast %get3A_165 : vector<16xi32> to vector<16xi32>
    %and3A_167 = arith.andi %get3A_166, %broadcast_in_dim3A_28 : vector<16xi32>
    %swap3A_168 = arith.constant 1 : i32
    %swap3A_169 = arith.index_cast %swap3A_168 : i32 to index
    %swap3A_170 = arith.constant 32 : index
    %swap3A_171 = tpu.vector_load %arg9[%swap3A_169, %swap3A_170] {strides = array<i32>} : memref<3x80xi32, #tpu.memory_space<vmem>>, vector<1x16xi32>,
    %swap3A_172 = vector.shape_cast %swap3A_171 : vector<1x16xi32> to vector<16xi32>
    %swap3A_173 = vector.shape_cast %and3A_167 : vector<16xi32> to vector<1x16xi32>
    tpu.vector_store %arg9[%swap3A_169, %swap3A_170], %swap3A_173 {strides = array<i32>} : memref<3x80xi32, #tpu.memory_space<vmem>>, vector<1x16xi32>,
    %shift_right_logical3A_174 = arith.constant 16 : i32
    %shift_right_logical3A_175 = vector.broadcast %shift_right_logical3A_174 : i32 to vector<16xi32>
    %shift_right_logical3A_176 = arith.shrui %get3A_166, %shift_right_logical3A_175 : vector<16xi32>
    %swap3A_177 = arith.constant 1 : i32
    %swap3A_178 = arith.index_cast %swap3A_177 : i32 to index
    %swap3A_179 = arith.constant 32 : index
    %swap3A_180 = tpu.vector_load %arg10[%swap3A_178, %swap3A_179] {strides = array<i32>} : memref<3x80xi32, #tpu.memory_space<vmem>>, vector<1x16xi32>,
    %swap3A_181 = vector.shape_cast %swap3A_180 : vector<1x16xi32> to vector<16xi32>
    %swap3A_182 = vector.shape_cast %shift_right_logical3A_176 : vector<16xi32> to vector<1x16xi32>
    tpu.vector_store %arg10[%swap3A_178, %swap3A_179], %swap3A_182 {strides = array<i32>} : memref<3x80xi32, #tpu.memory_space<vmem>>, vector<1x16xi32>,
    %get3A_183 = arith.constant 128 : index
    %get3A_184 = tpu.vector_load %arg5[%get3A_183] {strides = array<i32>} : memref<10000xi32, #tpu.memory_space<vmem>>, vector<16xi32>,
    %get3A_185 = vector.shape_cast %get3A_184 : vector<16xi32> to vector<16xi32>
    %and3A_186 = arith.andi %get3A_185, %broadcast_in_dim3A_28 : vector<16xi32>
    %swap3A_187 = arith.constant 1 : i32
    %swap3A_188 = arith.index_cast %swap3A_187 : i32 to index
    %swap3A_189 = arith.constant 48 : index
    %swap3A_190 = tpu.vector_load %arg9[%swap3A_188, %swap3A_189] {strides = array<i32>} : memref<3x80xi32, #tpu.memory_space<vmem>>, vector<1x16xi32>,
    %swap3A_191 = vector.shape_cast %swap3A_190 : vector<1x16xi32> to vector<16xi32>
    %swap3A_192 = vector.shape_cast %and3A_186 : vector<16xi32> to vector<1x16xi32>
    tpu.vector_store %arg9[%swap3A_188, %swap3A_189], %swap3A_192 {strides = array<i32>} : memref<3x80xi32, #tpu.memory_space<vmem>>, vector<1x16xi32>,
    %shift_right_logical3A_193 = arith.constant 16 : i32
    %shift_right_logical3A_194 = vector.broadcast %shift_right_logical3A_193 : i32 to vector<16xi32>
    %shift_right_logical3A_195 = arith.shrui %get3A_185, %shift_right_logical3A_194 : vector<16xi32>
    %swap3A_196 = arith.constant 1 : i32
    %swap3A_197 = arith.index_cast %swap3A_196 : i32 to index
    %swap3A_198 = arith.constant 48 : index
    %swap3A_199 = tpu.vector_load %arg10[%swap3A_197, %swap3A_198] {strides = array<i32>} : memref<3x80xi32, #tpu.memory_space<vmem>>, vector<1x16xi32>,
    %swap3A_200 = vector.shape_cast %swap3A_199 : vector<1x16xi32> to vector<16xi32>
    %swap3A_201 = vector.shape_cast %shift_right_logical3A_195 : vector<16xi32> to vector<1x16xi32>
    tpu.vector_store %arg10[%swap3A_197, %swap3A_198], %swap3A_201 {strides = array<i32>} : memref<3x80xi32, #tpu.memory_space<vmem>>, vector<1x16xi32>,
    %get3A_202 = arith.constant 144 : index
    %get3A_203 = tpu.vector_load %arg5[%get3A_202] {strides = array<i32>} : memref<10000xi32, #tpu.memory_space<vmem>>, vector<16xi32>,
    %get3A_204 = vector.shape_cast %get3A_203 : vector<16xi32> to vector<16xi32>
    %and3A_205 = arith.andi %get3A_204, %broadcast_in_dim3A_28 : vector<16xi32>
    %swap3A_206 = arith.constant 1 : i32
    %swap3A_207 = arith.index_cast %swap3A_206 : i32 to index
    %swap3A_208 = arith.constant 64 : index
    %swap3A_209 = tpu.vector_load %arg9[%swap3A_207, %swap3A_208] {strides = array<i32>} : memref<3x80xi32, #tpu.memory_space<vmem>>, vector<1x16xi32>,
    %swap3A_210 = vector.shape_cast %swap3A_209 : vector<1x16xi32> to vector<16xi32>
    %swap3A_211 = vector.shape_cast %and3A_205 : vector<16xi32> to vector<1x16xi32>
    tpu.vector_store %arg9[%swap3A_207, %swap3A_208], %swap3A_211 {strides = array<i32>} : memref<3x80xi32, #tpu.memory_space<vmem>>, vector<1x16xi32>,
    %shift_right_logical3A_212 = arith.constant 16 : i32
    %shift_right_logical3A_213 = vector.broadcast %shift_right_logical3A_212 : i32 to vector<16xi32>
    %shift_right_logical3A_214 = arith.shrui %get3A_204, %shift_right_logical3A_213 : vector<16xi32>
    %swap3A_215 = arith.constant 1 : i32
    %swap3A_216 = arith.index_cast %swap3A_215 : i32 to index
    %swap3A_217 = arith.constant 64 : index
    %swap3A_218 = tpu.vector_load %arg10[%swap3A_216, %swap3A_217] {strides = array<i32>} : memref<3x80xi32, #tpu.memory_space<vmem>>, vector<1x16xi32>,
    %swap3A_219 = vector.shape_cast %swap3A_218 : vector<1x16xi32> to vector<16xi32>
    %swap3A_220 = vector.shape_cast %shift_right_logical3A_214 : vector<16xi32> to vector<1x16xi32>
    tpu.vector_store %arg10[%swap3A_216, %swap3A_217], %swap3A_220 {strides = array<i32>} : memref<3x80xi32, #tpu.memory_space<vmem>>, vector<1x16xi32>,
    %dma_start3A_221 = arith.constant 1 : i32
    %dma_start3A_222 = arith.constant 0 : i32
    %dma_start3A_223 = tpu.memref_slice %arg9[%dma_start3A_221, %dma_start3A_222] : memref<3x80xi32, #tpu.memory_space<vmem>> -> memref<1x80xi32, #tpu.memory_space<vmem>>
    %dma_start3A_224 = tpu.memref_squeeze %dma_start3A_223 : memref<1x80xi32, #tpu.memory_space<vmem>> -> memref<80xi32, #tpu.memory_space<vmem>>
    %dma_start3A_225 = arith.constant 0 : i32
    %dma_start3A_226 = arith.constant 0 : i32
    %dma_start3A_227 = tpu.memref_slice %arg2[%dma_start3A_225, %dma_start3A_226] : memref<10000x128xf32, #tpu.memory_space<hbm>> -> memref<10000x128xf32, #tpu.memory_space<hbm>>
    tpu.enqueue_indirect_dma source(%dma_start3A_227 : memref<10000x128xf32, #tpu.memory_space<hbm>>) target(%arg7 : memref<80x128xf32, #tpu.memory_space<vmem>>) offsets(%dma_start3A_224 : memref<80xi32, #tpu.memory_space<vmem>>) semaphore(%arg13 : memref<!tpu.dma_semaphore, #tpu.memory_space<semaphore_mem>>)
    %dma_wait3A = arith.constant 0 : i32
    %dma_wait3A_228 = arith.constant 0 : i32
    %dma_wait3A_229 = tpu.memref_slice %arg9[%dma_wait3A, %dma_wait3A_228] : memref<3x80xi32, #tpu.memory_space<vmem>> -> memref<1x80xi32, #tpu.memory_space<vmem>>
    %dma_wait3A_230 = tpu.memref_squeeze %dma_wait3A_229 : memref<1x80xi32, #tpu.memory_space<vmem>> -> memref<80xi32, #tpu.memory_space<vmem>>
    %dma_wait3A_231 = arith.constant 0 : i32
    %dma_wait3A_232 = arith.constant 0 : i32
    %dma_wait3A_233 = tpu.memref_slice %arg2[%dma_wait3A_231, %dma_wait3A_232] : memref<10000x128xf32, #tpu.memory_space<hbm>> -> memref<10000x128xf32, #tpu.memory_space<hbm>>
    tpu.wait_indirect_dma semaphore(%arg12 : memref<!tpu.dma_semaphore, #tpu.memory_space<semaphore_mem>>) src(%dma_wait3A_233 : memref<10000x128xf32, #tpu.memory_space<hbm>>) dst(%arg6 : memref<80x128xf32, #tpu.memory_space<vmem>>)
    %dma_start3A_234 = arith.constant 0 : i32
    %dma_start3A_235 = arith.constant 0 : i32
    %dma_start3A_236 = tpu.memref_slice %arg10[%dma_start3A_234, %dma_start3A_235] : memref<3x80xi32, #tpu.memory_space<vmem>> -> memref<1x80xi32, #tpu.memory_space<vmem>>
    %dma_start3A_237 = tpu.memref_squeeze %dma_start3A_236 : memref<1x80xi32, #tpu.memory_space<vmem>> -> memref<80xi32, #tpu.memory_space<vmem>>
    %dma_start3A_238 = arith.constant 0 : i32
    %dma_start3A_239 = arith.constant 0 : i32
    %dma_start3A_240 = tpu.memref_slice %arg11[%dma_start3A_238, %dma_start3A_239] : memref<10240x128xf32, #tpu.memory_space<vmem_shared>> -> memref<10240x128xf32, #tpu.memory_space<vmem_shared>>
    tpu.enqueue_indirect_dma source(%arg6 : memref<80x128xf32, #tpu.memory_space<vmem>>) target(%dma_start3A_240 : memref<10240x128xf32, #tpu.memory_space<vmem_shared>>) offsets(%dma_start3A_237 : memref<80xi32, #tpu.memory_space<vmem>>) semaphore(%arg15 : memref<!tpu.dma_semaphore, #tpu.memory_space<semaphore_mem>>) {add = true}
    %get3A_241 = arith.constant 160 : index
    %get3A_242 = tpu.vector_load %arg5[%get3A_241] {strides = array<i32>} : memref<10000xi32, #tpu.memory_space<vmem>>, vector<16xi32>,
    %get3A_243 = vector.shape_cast %get3A_242 : vector<16xi32> to vector<16xi32>
    %and3A_244 = arith.andi %get3A_243, %broadcast_in_dim3A_28 : vector<16xi32>
    %swap3A_245 = arith.constant 2 : i32
    %swap3A_246 = arith.index_cast %swap3A_245 : i32 to index
    %swap3A_247 = arith.constant 0 : index
    %swap3A_248 = tpu.vector_load %arg9[%swap3A_246, %swap3A_247] {strides = array<i32>} : memref<3x80xi32, #tpu.memory_space<vmem>>, vector<1x16xi32>,
    %swap3A_249 = vector.shape_cast %swap3A_248 : vector<1x16xi32> to vector<16xi32>
    %swap3A_250 = vector.shape_cast %and3A_244 : vector<16xi32> to vector<1x16xi32>
    tpu.vector_store %arg9[%swap3A_246, %swap3A_247], %swap3A_250 {strides = array<i32>} : memref<3x80xi32, #tpu.memory_space<vmem>>, vector<1x16xi32>,
    %shift_right_logical3A_251 = arith.constant 16 : i32
    %shift_right_logical3A_252 = vector.broadcast %shift_right_logical3A_251 : i32 to vector<16xi32>
    %shift_right_logical3A_253 = arith.shrui %get3A_243, %shift_right_logical3A_252 : vector<16xi32>
    %swap3A_254 = arith.constant 2 : i32
    %swap3A_255 = arith.index_cast %swap3A_254 : i32 to index
    %swap3A_256 = arith.constant 0 : index
    %swap3A_257 = tpu.vector_load %arg10[%swap3A_255, %swap3A_256] {strides = array<i32>} : memref<3x80xi32, #tpu.memory_space<vmem>>, vector<1x16xi32>,
    %swap3A_258 = vector.shape_cast %swap3A_257 : vector<1x16xi32> to vector<16xi32>
    %swap3A_259 = vector.shape_cast %shift_right_logical3A_253 : vector<16xi32> to vector<1x16xi32>
    tpu.vector_store %arg10[%swap3A_255, %swap3A_256], %swap3A_259 {strides = array<i32>} : memref<3x80xi32, #tpu.memory_space<vmem>>, vector<1x16xi32>,
    %get3A_260 = arith.constant 176 : index
    %get3A_261 = tpu.vector_load %arg5[%get3A_260] {strides = array<i32>} : memref<10000xi32, #tpu.memory_space<vmem>>, vector<16xi32>,
    %get3A_262 = vector.shape_cast %get3A_261 : vector<16xi32> to vector<16xi32>
    %and3A_263 = arith.andi %get3A_262, %broadcast_in_dim3A_28 : vector<16xi32>
    %swap3A_264 = arith.constant 2 : i32
    %swap3A_265 = arith.index_cast %swap3A_264 : i32 to index
    %swap3A_266 = arith.constant 16 : index
    %swap3A_267 = tpu.vector_load %arg9[%swap3A_265, %swap3A_266] {strides = array<i32>} : memref<3x80xi32, #tpu.memory_space<vmem>>, vector<1x16xi32>,
    %swap3A_268 = vector.shape_cast %swap3A_267 : vector<1x16xi32> to vector<16xi32>
    %swap3A_269 = vector.shape_cast %and3A_263 : vector<16xi32> to vector<1x16xi32>
    tpu.vector_store %arg9[%swap3A_265, %swap3A_266], %swap3A_269 {strides = array<i32>} : memref<3x80xi32, #tpu.memory_space<vmem>>, vector<1x16xi32>,
    %shift_right_logical3A_270 = arith.constant 16 : i32
    %shift_right_logical3A_271 = vector.broadcast %shift_right_logical3A_270 : i32 to vector<16xi32>
    %shift_right_logical3A_272 = arith.shrui %get3A_262, %shift_right_logical3A_271 : vector<16xi32>
    %swap3A_273 = arith.constant 2 : i32
    %swap3A_274 = arith.index_cast %swap3A_273 : i32 to index
    %swap3A_275 = arith.constant 16 : index
    %swap3A_276 = tpu.vector_load %arg10[%swap3A_274, %swap3A_275] {strides = array<i32>} : memref<3x80xi32, #tpu.memory_space<vmem>>, vector<1x16xi32>,
    %swap3A_277 = vector.shape_cast %swap3A_276 : vector<1x16xi32> to vector<16xi32>
    %swap3A_278 = vector.shape_cast %shift_right_logical3A_272 : vector<16xi32> to vector<1x16xi32>
    tpu.vector_store %arg10[%swap3A_274, %swap3A_275], %swap3A_278 {strides = array<i32>} : memref<3x80xi32, #tpu.memory_space<vmem>>, vector<1x16xi32>,
    %get3A_279 = arith.constant 192 : index
    %get3A_280 = tpu.vector_load %arg5[%get3A_279] {strides = array<i32>} : memref<10000xi32, #tpu.memory_space<vmem>>, vector<16xi32>,
    %get3A_281 = vector.shape_cast %get3A_280 : vector<16xi32> to vector<16xi32>
    %and3A_282 = arith.andi %get3A_281, %broadcast_in_dim3A_28 : vector<16xi32>
    %swap3A_283 = arith.constant 2 : i32
    %swap3A_284 = arith.index_cast %swap3A_283 : i32 to index
    %swap3A_285 = arith.constant 32 : index
    %swap3A_286 = tpu.vector_load %arg9[%swap3A_284, %swap3A_285] {strides = array<i32>} : memref<3x80xi32, #tpu.memory_space<vmem>>, vector<1x16xi32>,
    %swap3A_287 = vector.shape_cast %swap3A_286 : vector<1x16xi32> to vector<16xi32>
    %swap3A_288 = vector.shape_cast %and3A_282 : vector<16xi32> to vector<1x16xi32>
    tpu.vector_store %arg9[%swap3A_284, %swap3A_285], %swap3A_288 {strides = array<i32>} : memref<3x80xi32, #tpu.memory_space<vmem>>, vector<1x16xi32>,
    %shift_right_logical3A_289 = arith.constant 16 : i32
    %shift_right_logical3A_290 = vector.broadcast %shift_right_logical3A_289 : i32 to vector<16xi32>
    %shift_right_logical3A_291 = arith.shrui %get3A_281, %shift_right_logical3A_290 : vector<16xi32>
    %swap3A_292 = arith.constant 2 : i32
    %swap3A_293 = arith.index_cast %swap3A_292 : i32 to index
    %swap3A_294 = arith.constant 32 : index
    %swap3A_295 = tpu.vector_load %arg10[%swap3A_293, %swap3A_294] {strides = array<i32>} : memref<3x80xi32, #tpu.memory_space<vmem>>, vector<1x16xi32>,
    %swap3A_296 = vector.shape_cast %swap3A_295 : vector<1x16xi32> to vector<16xi32>
    %swap3A_297 = vector.shape_cast %shift_right_logical3A_291 : vector<16xi32> to vector<1x16xi32>
    tpu.vector_store %arg10[%swap3A_293, %swap3A_294], %swap3A_297 {strides = array<i32>} : memref<3x80xi32, #tpu.memory_space<vmem>>, vector<1x16xi32>,
    %get3A_298 = arith.constant 208 : index
    %get3A_299 = tpu.vector_load %arg5[%get3A_298] {strides = array<i32>} : memref<10000xi32, #tpu.memory_space<vmem>>, vector<16xi32>,
    %get3A_300 = vector.shape_cast %get3A_299 : vector<16xi32> to vector<16xi32>
    %and3A_301 = arith.andi %get3A_300, %broadcast_in_dim3A_28 : vector<16xi32>
    %swap3A_302 = arith.constant 2 : i32
    %swap3A_303 = arith.index_cast %swap3A_302 : i32 to index
    %swap3A_304 = arith.constant 48 : index
    %swap3A_305 = tpu.vector_load %arg9[%swap3A_303, %swap3A_304] {strides = array<i32>} : memref<3x80xi32, #tpu.memory_space<vmem>>, vector<1x16xi32>,
    %swap3A_306 = vector.shape_cast %swap3A_305 : vector<1x16xi32> to vector<16xi32>
    %swap3A_307 = vector.shape_cast %and3A_301 : vector<16xi32> to vector<1x16xi32>
    tpu.vector_store %arg9[%swap3A_303, %swap3A_304], %swap3A_307 {strides = array<i32>} : memref<3x80xi32, #tpu.memory_space<vmem>>, vector<1x16xi32>,
    %shift_right_logical3A_308 = arith.constant 16 : i32
    %shift_right_logical3A_309 = vector.broadcast %shift_right_logical3A_308 : i32 to vector<16xi32>
    %shift_right_logical3A_310 = arith.shrui %get3A_300, %shift_right_logical3A_309 : vector<16xi32>
    %swap3A_311 = arith.constant 2 : i32
    %swap3A_312 = arith.index_cast %swap3A_311 : i32 to index
    %swap3A_313 = arith.constant 48 : index
    %swap3A_314 = tpu.vector_load %arg10[%swap3A_312, %swap3A_313] {strides = array<i32>} : memref<3x80xi32, #tpu.memory_space<vmem>>, vector<1x16xi32>,
    %swap3A_315 = vector.shape_cast %swap3A_314 : vector<1x16xi32> to vector<16xi32>
    %swap3A_316 = vector.shape_cast %shift_right_logical3A_310 : vector<16xi32> to vector<1x16xi32>
    tpu.vector_store %arg10[%swap3A_312, %swap3A_313], %swap3A_316 {strides = array<i32>} : memref<3x80xi32, #tpu.memory_space<vmem>>, vector<1x16xi32>,
    %get3A_317 = arith.constant 224 : index
    %get3A_318 = tpu.vector_load %arg5[%get3A_317] {strides = array<i32>} : memref<10000xi32, #tpu.memory_space<vmem>>, vector<16xi32>,
    %get3A_319 = vector.shape_cast %get3A_318 : vector<16xi32> to vector<16xi32>
    %and3A_320 = arith.andi %get3A_319, %broadcast_in_dim3A_28 : vector<16xi32>
    %swap3A_321 = arith.constant 2 : i32
    %swap3A_322 = arith.index_cast %swap3A_321 : i32 to index
    %swap3A_323 = arith.constant 64 : index
    %swap3A_324 = tpu.vector_load %arg9[%swap3A_322, %swap3A_323] {strides = array<i32>} : memref<3x80xi32, #tpu.memory_space<vmem>>, vector<1x16xi32>,
    %swap3A_325 = vector.shape_cast %swap3A_324 : vector<1x16xi32> to vector<16xi32>
    %swap3A_326 = vector.shape_cast %and3A_320 : vector<16xi32> to vector<1x16xi32>
    tpu.vector_store %arg9[%swap3A_322, %swap3A_323], %swap3A_326 {strides = array<i32>} : memref<3x80xi32, #tpu.memory_space<vmem>>, vector<1x16xi32>,
    %shift_right_logical3A_327 = arith.constant 16 : i32
    %shift_right_logical3A_328 = vector.broadcast %shift_right_logical3A_327 : i32 to vector<16xi32>
    %shift_right_logical3A_329 = arith.shrui %get3A_319, %shift_right_logical3A_328 : vector<16xi32>
    %swap3A_330 = arith.constant 2 : i32
    %swap3A_331 = arith.index_cast %swap3A_330 : i32 to index
    %swap3A_332 = arith.constant 64 : index
    %swap3A_333 = tpu.vector_load %arg10[%swap3A_331, %swap3A_332] {strides = array<i32>} : memref<3x80xi32, #tpu.memory_space<vmem>>, vector<1x16xi32>,
    %swap3A_334 = vector.shape_cast %swap3A_333 : vector<1x16xi32> to vector<16xi32>
    %swap3A_335 = vector.shape_cast %shift_right_logical3A_329 : vector<16xi32> to vector<1x16xi32>
    tpu.vector_store %arg10[%swap3A_331, %swap3A_332], %swap3A_335 {strides = array<i32>} : memref<3x80xi32, #tpu.memory_space<vmem>>, vector<1x16xi32>,
    %dma_start3A_336 = arith.constant 2 : i32
    %dma_start3A_337 = arith.constant 0 : i32
    %dma_start3A_338 = tpu.memref_slice %arg9[%dma_start3A_336, %dma_start3A_337] : memref<3x80xi32, #tpu.memory_space<vmem>> -> memref<1x80xi32, #tpu.memory_space<vmem>>
    %dma_start3A_339 = tpu.memref_squeeze %dma_start3A_338 : memref<1x80xi32, #tpu.memory_space<vmem>> -> memref<80xi32, #tpu.memory_space<vmem>>
    %dma_start3A_340 = arith.constant 0 : i32
    %dma_start3A_341 = arith.constant 0 : i32
    %dma_start3A_342 = tpu.memref_slice %arg2[%dma_start3A_340, %dma_start3A_341] : memref<10000x128xf32, #tpu.memory_space<hbm>> -> memref<10000x128xf32, #tpu.memory_space<hbm>>
    tpu.enqueue_indirect_dma source(%dma_start3A_342 : memref<10000x128xf32, #tpu.memory_space<hbm>>) target(%arg8 : memref<80x128xf32, #tpu.memory_space<vmem>>) offsets(%dma_start3A_339 : memref<80xi32, #tpu.memory_space<vmem>>) semaphore(%arg14 : memref<!tpu.dma_semaphore, #tpu.memory_space<semaphore_mem>>)
    %dma_wait3A_343 = arith.constant 1 : i32
    %dma_wait3A_344 = arith.constant 0 : i32
    %dma_wait3A_345 = tpu.memref_slice %arg9[%dma_wait3A_343, %dma_wait3A_344] : memref<3x80xi32, #tpu.memory_space<vmem>> -> memref<1x80xi32, #tpu.memory_space<vmem>>
    %dma_wait3A_346 = tpu.memref_squeeze %dma_wait3A_345 : memref<1x80xi32, #tpu.memory_space<vmem>> -> memref<80xi32, #tpu.memory_space<vmem>>
    %dma_wait3A_347 = arith.constant 0 : i32
    %dma_wait3A_348 = arith.constant 0 : i32
    %dma_wait3A_349 = tpu.memref_slice %arg2[%dma_wait3A_347, %dma_wait3A_348] : memref<10000x128xf32, #tpu.memory_space<hbm>> -> memref<10000x128xf32, #tpu.memory_space<hbm>>
    tpu.wait_indirect_dma semaphore(%arg13 : memref<!tpu.dma_semaphore, #tpu.memory_space<semaphore_mem>>) src(%dma_wait3A_349 : memref<10000x128xf32, #tpu.memory_space<hbm>>) dst(%arg7 : memref<80x128xf32, #tpu.memory_space<vmem>>)
    %dma_start3A_350 = arith.constant 1 : i32
    %dma_start3A_351 = arith.constant 0 : i32
    %dma_start3A_352 = tpu.memref_slice %arg10[%dma_start3A_350, %dma_start3A_351] : memref<3x80xi32, #tpu.memory_space<vmem>> -> memref<1x80xi32, #tpu.memory_space<vmem>>
    %dma_start3A_353 = tpu.memref_squeeze %dma_start3A_352 : memref<1x80xi32, #tpu.memory_space<vmem>> -> memref<80xi32, #tpu.memory_space<vmem>>
    %dma_start3A_354 = arith.constant 0 : i32
    %dma_start3A_355 = arith.constant 0 : i32
    %dma_start3A_356 = tpu.memref_slice %arg11[%dma_start3A_354, %dma_start3A_355] : memref<10240x128xf32, #tpu.memory_space<vmem_shared>> -> memref<10240x128xf32, #tpu.memory_space<vmem_shared>>
    tpu.enqueue_indirect_dma source(%arg7 : memref<80x128xf32, #tpu.memory_space<vmem>>) target(%dma_start3A_356 : memref<10240x128xf32, #tpu.memory_space<vmem_shared>>) offsets(%dma_start3A_353 : memref<80xi32, #tpu.memory_space<vmem>>) semaphore(%arg16 : memref<!tpu.dma_semaphore, #tpu.memory_space<semaphore_mem>>) {add = true}
    %dma_wait3A_357 = arith.constant 0 : i32
    %dma_wait3A_358 = arith.constant 0 : i32
    %dma_wait3A_359 = tpu.memref_slice %arg10[%dma_wait3A_357, %dma_wait3A_358] : memref<3x80xi32, #tpu.memory_space<vmem>> -> memref<1x80xi32, #tpu.memory_space<vmem>>
    %dma_wait3A_360 = tpu.memref_squeeze %dma_wait3A_359 : memref<1x80xi32, #tpu.memory_space<vmem>> -> memref<80xi32, #tpu.memory_space<vmem>>
    %dma_wait3A_361 = arith.constant 0 : i32
    %dma_wait3A_362 = arith.constant 0 : i32
    %dma_wait3A_363 = tpu.memref_slice %arg11[%dma_wait3A_361, %dma_wait3A_362] : memref<10240x128xf32, #tpu.memory_space<vmem_shared>> -> memref<10240x128xf32, #tpu.memory_space<vmem_shared>>
    tpu.wait_indirect_dma semaphore(%arg15 : memref<!tpu.dma_semaphore, #tpu.memory_space<semaphore_mem>>) src(%arg6 : memref<80x128xf32, #tpu.memory_space<vmem>>) dst(%dma_wait3A_363 : memref<10240x128xf32, #tpu.memory_space<vmem_shared>>)
    %get3A_364 = arith.constant 240 : index
    %get3A_365 = tpu.vector_load %arg5[%get3A_364] {strides = array<i32>} : memref<10000xi32, #tpu.memory_space<vmem>>, vector<16xi32>,
    %get3A_366 = vector.shape_cast %get3A_365 : vector<16xi32> to vector<16xi32>
    %and3A_367 = arith.andi %get3A_366, %broadcast_in_dim3A_28 : vector<16xi32>
    %swap3A_368 = arith.constant 0 : i32
    %swap3A_369 = arith.index_cast %swap3A_368 : i32 to index
    %swap3A_370 = arith.constant 0 : index
    %swap3A_371 = tpu.vector_load %arg9[%swap3A_369, %swap3A_370] {strides = array<i32>} : memref<3x80xi32, #tpu.memory_space<vmem>>, vector<1x16xi32>,
    %swap3A_372 = vector.shape_cast %swap3A_371 : vector<1x16xi32> to vector<16xi32>
    %swap3A_373 = vector.shape_cast %and3A_367 : vector<16xi32> to vector<1x16xi32>
    tpu.vector_store %arg9[%swap3A_369, %swap3A_370], %swap3A_373 {strides = array<i32>} : memref<3x80xi32, #tpu.memory_space<vmem>>, vector<1x16xi32>,
    %shift_right_logical3A_374 = arith.constant 16 : i32
    %shift_right_logical3A_375 = vector.broadcast %shift_right_logical3A_374 : i32 to vector<16xi32>
    %shift_right_logical3A_376 = arith.shrui %get3A_366, %shift_right_logical3A_375 : vector<16xi32>
    %swap3A_377 = arith.constant 0 : i32
    %swap3A_378 = arith.index_cast %swap3A_377 : i32 to index
    %swap3A_379 = arith.constant 0 : index
    %swap3A_380 = tpu.vector_load %arg10[%swap3A_378, %swap3A_379] {strides = array<i32>} : memref<3x80xi32, #tpu.memory_space<vmem>>, vector<1x16xi32>,
    %swap3A_381 = vector.shape_cast %swap3A_380 : vector<1x16xi32> to vector<16xi32>
    %swap3A_382 = vector.shape_cast %shift_right_logical3A_376 : vector<16xi32> to vector<1x16xi32>
    tpu.vector_store %arg10[%swap3A_378, %swap3A_379], %swap3A_382 {strides = array<i32>} : memref<3x80xi32, #tpu.memory_space<vmem>>, vector<1x16xi32>,
    %get3A_383 = arith.constant 256 : index
    %get3A_384 = tpu.vector_load %arg5[%get3A_383] {strides = array<i32>} : memref<10000xi32, #tpu.memory_space<vmem>>, vector<16xi32>,
    %get3A_385 = vector.shape_cast %get3A_384 : vector<16xi32> to vector<16xi32>
    %and3A_386 = arith.andi %get3A_385, %broadcast_in_dim3A_28 : vector<16xi32>
    %swap3A_387 = arith.constant 0 : i32
    %swap3A_388 = arith.index_cast %swap3A_387 : i32 to index
    %swap3A_389 = arith.constant 16 : index
    %swap3A_390 = tpu.vector_load %arg9[%swap3A_388, %swap3A_389] {strides = array<i32>} : memref<3x80xi32, #tpu.memory_space<vmem>>, vector<1x16xi32>,
    %swap3A_391 = vector.shape_cast %swap3A_390 : vector<1x16xi32> to vector<16xi32>
    %swap3A_392 = vector.shape_cast %and3A_386 : vector<16xi32> to vector<1x16xi32>
    tpu.vector_store %arg9[%swap3A_388, %swap3A_389], %swap3A_392 {strides = array<i32>} : memref<3x80xi32, #tpu.memory_space<vmem>>, vector<1x16xi32>,
    %shift_right_logical3A_393 = arith.constant 16 : i32
    %shift_right_logical3A_394 = vector.broadcast %shift_right_logical3A_393 : i32 to vector<16xi32>
    %shift_right_logical3A_395 = arith.shrui %get3A_385, %shift_right_logical3A_394 : vector<16xi32>
    %swap3A_396 = arith.constant 0 : i32
    %swap3A_397 = arith.index_cast %swap3A_396 : i32 to index
    %swap3A_398 = arith.constant 16 : index
    %swap3A_399 = tpu.vector_load %arg10[%swap3A_397, %swap3A_398] {strides = array<i32>} : memref<3x80xi32, #tpu.memory_space<vmem>>, vector<1x16xi32>,
    %swap3A_400 = vector.shape_cast %swap3A_399 : vector<1x16xi32> to vector<16xi32>
    %swap3A_401 = vector.shape_cast %shift_right_logical3A_395 : vector<16xi32> to vector<1x16xi32>
    tpu.vector_store %arg10[%swap3A_397, %swap3A_398], %swap3A_401 {strides = array<i32>} : memref<3x80xi32, #tpu.memory_space<vmem>>, vector<1x16xi32>,
    %get3A_402 = arith.constant 272 : index
    %get3A_403 = tpu.vector_load %arg5[%get3A_402] {strides = array<i32>} : memref<10000xi32, #tpu.memory_space<vmem>>, vector<16xi32>,
    %get3A_404 = vector.shape_cast %get3A_403 : vector<16xi32> to vector<16xi32>
    %and3A_405 = arith.andi %get3A_404, %broadcast_in_dim3A_28 : vector<16xi32>
    %swap3A_406 = arith.constant 0 : i32
    %swap3A_407 = arith.index_cast %swap3A_406 : i32 to index
    %swap3A_408 = arith.constant 32 : index
    %swap3A_409 = tpu.vector_load %arg9[%swap3A_407, %swap3A_408] {strides = array<i32>} : memref<3x80xi32, #tpu.memory_space<vmem>>, vector<1x16xi32>,
    %swap3A_410 = vector.shape_cast %swap3A_409 : vector<1x16xi32> to vector<16xi32>
    %swap3A_411 = vector.shape_cast %and3A_405 : vector<16xi32> to vector<1x16xi32>
    tpu.vector_store %arg9[%swap3A_407, %swap3A_408], %swap3A_411 {strides = array<i32>} : memref<3x80xi32, #tpu.memory_space<vmem>>, vector<1x16xi32>,
    %shift_right_logical3A_412 = arith.constant 16 : i32
    %shift_right_logical3A_413 = vector.broadcast %shift_right_logical3A_412 : i32 to vector<16xi32>
    %shift_right_logical3A_414 = arith.shrui %get3A_404, %shift_right_logical3A_413 : vector<16xi32>
    %swap3A_415 = arith.constant 0 : i32
    %swap3A_416 = arith.index_cast %swap3A_415 : i32 to index
    %swap3A_417 = arith.constant 32 : index
    %swap3A_418 = tpu.vector_load %arg10[%swap3A_416, %swap3A_417] {strides = array<i32>} : memref<3x80xi32, #tpu.memory_space<vmem>>, vector<1x16xi32>,
    %swap3A_419 = vector.shape_cast %swap3A_418 : vector<1x16xi32> to vector<16xi32>
    %swap3A_420 = vector.shape_cast %shift_right_logical3A_414 : vector<16xi32> to vector<1x16xi32>
    tpu.vector_store %arg10[%swap3A_416, %swap3A_417], %swap3A_420 {strides = array<i32>} : memref<3x80xi32, #tpu.memory_space<vmem>>, vector<1x16xi32>,
    %get3A_421 = arith.constant 288 : index
    %get3A_422 = tpu.vector_load %arg5[%get3A_421] {strides = array<i32>} : memref<10000xi32, #tpu.memory_space<vmem>>, vector<16xi32>,
    %get3A_423 = vector.shape_cast %get3A_422 : vector<16xi32> to vector<16xi32>
    %and3A_424 = arith.andi %get3A_423, %broadcast_in_dim3A_28 : vector<16xi32>
    %swap3A_425 = arith.constant 0 : i32
    %swap3A_426 = arith.index_cast %swap3A_425 : i32 to index
    %swap3A_427 = arith.constant 48 : index
    %swap3A_428 = tpu.vector_load %arg9[%swap3A_426, %swap3A_427] {strides = array<i32>} : memref<3x80xi32, #tpu.memory_space<vmem>>, vector<1x16xi32>,
    %swap3A_429 = vector.shape_cast %swap3A_428 : vector<1x16xi32> to vector<16xi32>
    %swap3A_430 = vector.shape_cast %and3A_424 : vector<16xi32> to vector<1x16xi32>
    tpu.vector_store %arg9[%swap3A_426, %swap3A_427], %swap3A_430 {strides = array<i32>} : memref<3x80xi32, #tpu.memory_space<vmem>>, vector<1x16xi32>,
    %shift_right_logical3A_431 = arith.constant 16 : i32
    %shift_right_logical3A_432 = vector.broadcast %shift_right_logical3A_431 : i32 to vector<16xi32>
    %shift_right_logical3A_433 = arith.shrui %get3A_423, %shift_right_logical3A_432 : vector<16xi32>
    %swap3A_434 = arith.constant 0 : i32
    %swap3A_435 = arith.index_cast %swap3A_434 : i32 to index
    %swap3A_436 = arith.constant 48 : index
    %swap3A_437 = tpu.vector_load %arg10[%swap3A_435, %swap3A_436] {strides = array<i32>} : memref<3x80xi32, #tpu.memory_space<vmem>>, vector<1x16xi32>,
    %swap3A_438 = vector.shape_cast %swap3A_437 : vector<1x16xi32> to vector<16xi32>
    %swap3A_439 = vector.shape_cast %shift_right_logical3A_433 : vector<16xi32> to vector<1x16xi32>
    tpu.vector_store %arg10[%swap3A_435, %swap3A_436], %swap3A_439 {strides = array<i32>} : memref<3x80xi32, #tpu.memory_space<vmem>>, vector<1x16xi32>,
    %get3A_440 = arith.constant 304 : index
    %get3A_441 = tpu.vector_load %arg5[%get3A_440] {strides = array<i32>} : memref<10000xi32, #tpu.memory_space<vmem>>, vector<16xi32>,
    %get3A_442 = vector.shape_cast %get3A_441 : vector<16xi32> to vector<16xi32>
    %and3A_443 = arith.andi %get3A_442, %broadcast_in_dim3A_28 : vector<16xi32>
    %swap3A_444 = arith.constant 0 : i32
    %swap3A_445 = arith.index_cast %swap3A_444 : i32 to index
    %swap3A_446 = arith.constant 64 : index
    %swap3A_447 = tpu.vector_load %arg9[%swap3A_445, %swap3A_446] {strides = array<i32>} : memref<3x80xi32, #tpu.memory_space<vmem>>, vector<1x16xi32>,
    %swap3A_448 = vector.shape_cast %swap3A_447 : vector<1x16xi32> to vector<16xi32>
    %swap3A_449 = vector.shape_cast %and3A_443 : vector<16xi32> to vector<1x16xi32>
    tpu.vector_store %arg9[%swap3A_445, %swap3A_446], %swap3A_449 {strides = array<i32>} : memref<3x80xi32, #tpu.memory_space<vmem>>, vector<1x16xi32>,
    %shift_right_logical3A_450 = arith.constant 16 : i32
    %shift_right_logical3A_451 = vector.broadcast %shift_right_logical3A_450 : i32 to vector<16xi32>
    %shift_right_logical3A_452 = arith.shrui %get3A_442, %shift_right_logical3A_451 : vector<16xi32>
    %swap3A_453 = arith.constant 0 : i32
    %swap3A_454 = arith.index_cast %swap3A_453 : i32 to index
    %swap3A_455 = arith.constant 64 : index
    %swap3A_456 = tpu.vector_load %arg10[%swap3A_454, %swap3A_455] {strides = array<i32>} : memref<3x80xi32, #tpu.memory_space<vmem>>, vector<1x16xi32>,
    %swap3A_457 = vector.shape_cast %swap3A_456 : vector<1x16xi32> to vector<16xi32>
    %swap3A_458 = vector.shape_cast %shift_right_logical3A_452 : vector<16xi32> to vector<1x16xi32>
    tpu.vector_store %arg10[%swap3A_454, %swap3A_455], %swap3A_458 {strides = array<i32>} : memref<3x80xi32, #tpu.memory_space<vmem>>, vector<1x16xi32>,
    %dma_start3A_459 = arith.constant 0 : i32
    %dma_start3A_460 = arith.constant 0 : i32
    %dma_start3A_461 = tpu.memref_slice %arg9[%dma_start3A_459, %dma_start3A_460] : memref<3x80xi32, #tpu.memory_space<vmem>> -> memref<1x80xi32, #tpu.memory_space<vmem>>
    %dma_start3A_462 = tpu.memref_squeeze %dma_start3A_461 : memref<1x80xi32, #tpu.memory_space<vmem>> -> memref<80xi32, #tpu.memory_space<vmem>>
    %dma_start3A_463 = arith.constant 0 : i32
    %dma_start3A_464 = arith.constant 0 : i32
    %dma_start3A_465 = tpu.memref_slice %arg2[%dma_start3A_463, %dma_start3A_464] : memref<10000x128xf32, #tpu.memory_space<hbm>> -> memref<10000x128xf32, #tpu.memory_space<hbm>>
    tpu.enqueue_indirect_dma source(%dma_start3A_465 : memref<10000x128xf32, #tpu.memory_space<hbm>>) target(%arg6 : memref<80x128xf32, #tpu.memory_space<vmem>>) offsets(%dma_start3A_462 : memref<80xi32, #tpu.memory_space<vmem>>) semaphore(%arg12 : memref<!tpu.dma_semaphore, #tpu.memory_space<semaphore_mem>>)
    %scan3A_466 = arith.constant 0 : i32
    %scan3A_467 = arith.constant 0 : i32
    %scan3A_468 = arith.constant 40 : i32
    %scan3A_469 = arith.addi %scan3A_467, %scan3A_468 : i32
    %scan3A_470 = arith.constant 1 : i32
    scf.for %scan3A_631 = %scan3A_467 to %scan3A_469 step %scan3A_470  : i32 {
      %mul3A_632 = arith.constant 3 : i32
      %mul3A_633 = arith.muli %mul3A_632, %scan3A_631 : i32
      %add3A_634 = arith.constant 2 : i32
      %add3A_635 = arith.addi %mul3A_633, %add3A_634 : i32
      %dma_wait3A_636 = arith.constant 2 : i32
      %dma_wait3A_637 = arith.constant 0 : i32
      %dma_wait3A_638 = tpu.memref_slice %arg9[%dma_wait3A_636, %dma_wait3A_637] : memref<3x80xi32, #tpu.memory_space<vmem>> -> memref<1x80xi32, #tpu.memory_space<vmem>>
      %dma_wait3A_639 = tpu.memref_squeeze %dma_wait3A_638 : memref<1x80xi32, #tpu.memory_space<vmem>> -> memref<80xi32, #tpu.memory_space<vmem>>
      %dma_wait3A_640 = arith.constant 0 : i32
      %dma_wait3A_641 = arith.constant 0 : i32
      %dma_wait3A_642 = tpu.memref_slice %arg2[%dma_wait3A_640, %dma_wait3A_641] : memref<10000x128xf32, #tpu.memory_space<hbm>> -> memref<10000x128xf32, #tpu.memory_space<hbm>>
      tpu.wait_indirect_dma semaphore(%arg14 : memref<!tpu.dma_semaphore, #tpu.memory_space<semaphore_mem>>) src(%dma_wait3A_642 : memref<10000x128xf32, #tpu.memory_space<hbm>>) dst(%arg8 : memref<80x128xf32, #tpu.memory_space<vmem>>)
      %dma_start3A_643 = arith.constant 2 : i32
      %dma_start3A_644 = arith.constant 0 : i32
      %dma_start3A_645 = tpu.memref_slice %arg10[%dma_start3A_643, %dma_start3A_644] : memref<3x80xi32, #tpu.memory_space<vmem>> -> memref<1x80xi32, #tpu.memory_space<vmem>>
      %dma_start3A_646 = tpu.memref_squeeze %dma_start3A_645 : memref<1x80xi32, #tpu.memory_space<vmem>> -> memref<80xi32, #tpu.memory_space<vmem>>
      %dma_start3A_647 = arith.constant 0 : i32
      %dma_start3A_648 = arith.constant 0 : i32
      %dma_start3A_649 = tpu.memref_slice %arg11[%dma_start3A_647, %dma_start3A_648] : memref<10240x128xf32, #tpu.memory_space<vmem_shared>> -> memref<10240x128xf32, #tpu.memory_space<vmem_shared>>
      tpu.enqueue_indirect_dma source(%arg8 : memref<80x128xf32, #tpu.memory_space<vmem>>) target(%dma_start3A_649 : memref<10240x128xf32, #tpu.memory_space<vmem_shared>>) offsets(%dma_start3A_646 : memref<80xi32, #tpu.memory_space<vmem>>) semaphore(%arg17 : memref<!tpu.dma_semaphore, #tpu.memory_space<semaphore_mem>>) {add = true}
      %dma_wait3A_650 = arith.constant 1 : i32
      %dma_wait3A_651 = arith.constant 0 : i32
      %dma_wait3A_652 = tpu.memref_slice %arg10[%dma_wait3A_650, %dma_wait3A_651] : memref<3x80xi32, #tpu.memory_space<vmem>> -> memref<1x80xi32, #tpu.memory_space<vmem>>
      %dma_wait3A_653 = tpu.memref_squeeze %dma_wait3A_652 : memref<1x80xi32, #tpu.memory_space<vmem>> -> memref<80xi32, #tpu.memory_space<vmem>>
      %dma_wait3A_654 = arith.constant 0 : i32
      %dma_wait3A_655 = arith.constant 0 : i32
      %dma_wait3A_656 = tpu.memref_slice %arg11[%dma_wait3A_654, %dma_wait3A_655] : memref<10240x128xf32, #tpu.memory_space<vmem_shared>> -> memref<10240x128xf32, #tpu.memory_space<vmem_shared>>
      tpu.wait_indirect_dma semaphore(%arg16 : memref<!tpu.dma_semaphore, #tpu.memory_space<semaphore_mem>>) src(%arg7 : memref<80x128xf32, #tpu.memory_space<vmem>>) dst(%dma_wait3A_656 : memref<10240x128xf32, #tpu.memory_space<vmem_shared>>)
      %add3A_657 = arith.constant 0 : i32
      %add3A_658 = arith.addi %add3A_635, %add3A_657 : i32
      %add3A_659 = arith.constant 2 : i32
      %add3A_660 = arith.addi %add3A_658, %add3A_659 : i32
      %mul3A_661 = arith.constant 80 : i32
      %mul3A_662 = arith.muli %add3A_660, %mul3A_661 : i32
      %add3A_663 = arith.constant 0 : i32
      %add3A_664 = arith.addi %mul3A_662, %add3A_663 : i32
      %get3A_665 = arith.index_cast %add3A_664 : i32 to index
      %get3A_666 = tpu.vector_load %arg5[%get3A_665] {strides = array<i32>} : memref<10000xi32, #tpu.memory_space<vmem>>, vector<16xi32>,
      %get3A_667 = vector.shape_cast %get3A_666 : vector<16xi32> to vector<16xi32>
      %and3A_668 = arith.andi %get3A_667, %broadcast_in_dim3A_28 : vector<16xi32>
      %swap3A_669 = arith.constant 1 : i32
      %swap3A_670 = arith.index_cast %swap3A_669 : i32 to index
      %swap3A_671 = arith.constant 0 : index
      %swap3A_672 = tpu.vector_load %arg9[%swap3A_670, %swap3A_671] {strides = array<i32>} : memref<3x80xi32, #tpu.memory_space<vmem>>, vector<1x16xi32>,
      %swap3A_673 = vector.shape_cast %swap3A_672 : vector<1x16xi32> to vector<16xi32>
      %swap3A_674 = vector.shape_cast %and3A_668 : vector<16xi32> to vector<1x16xi32>
      tpu.vector_store %arg9[%swap3A_670, %swap3A_671], %swap3A_674 {strides = array<i32>} : memref<3x80xi32, #tpu.memory_space<vmem>>, vector<1x16xi32>,
      %shift_right_logical3A_675 = arith.constant 16 : i32
      %shift_right_logical3A_676 = vector.broadcast %shift_right_logical3A_675 : i32 to vector<16xi32>
      %shift_right_logical3A_677 = arith.shrui %get3A_667, %shift_right_logical3A_676 : vector<16xi32>
      %swap3A_678 = arith.constant 1 : i32
      %swap3A_679 = arith.index_cast %swap3A_678 : i32 to index
      %swap3A_680 = arith.constant 0 : index
      %swap3A_681 = tpu.vector_load %arg10[%swap3A_679, %swap3A_680] {strides = array<i32>} : memref<3x80xi32, #tpu.memory_space<vmem>>, vector<1x16xi32>,
      %swap3A_682 = vector.shape_cast %swap3A_681 : vector<1x16xi32> to vector<16xi32>
      %swap3A_683 = vector.shape_cast %shift_right_logical3A_677 : vector<16xi32> to vector<1x16xi32>
      tpu.vector_store %arg10[%swap3A_679, %swap3A_680], %swap3A_683 {strides = array<i32>} : memref<3x80xi32, #tpu.memory_space<vmem>>, vector<1x16xi32>,
      %mul3A_684 = arith.constant 80 : i32
      %mul3A_685 = arith.muli %add3A_660, %mul3A_684 : i32
      %add3A_686 = arith.constant 16 : i32
      %add3A_687 = arith.addi %mul3A_685, %add3A_686 : i32
      %get3A_688 = arith.index_cast %add3A_687 : i32 to index
      %get3A_689 = tpu.vector_load %arg5[%get3A_688] {strides = array<i32>} : memref<10000xi32, #tpu.memory_space<vmem>>, vector<16xi32>,
      %get3A_690 = vector.shape_cast %get3A_689 : vector<16xi32> to vector<16xi32>
      %and3A_691 = arith.andi %get3A_690, %broadcast_in_dim3A_28 : vector<16xi32>
      %swap3A_692 = arith.constant 1 : i32
      %swap3A_693 = arith.index_cast %swap3A_692 : i32 to index
      %swap3A_694 = arith.constant 16 : index
      %swap3A_695 = tpu.vector_load %arg9[%swap3A_693, %swap3A_694] {strides = array<i32>} : memref<3x80xi32, #tpu.memory_space<vmem>>, vector<1x16xi32>,
      %swap3A_696 = vector.shape_cast %swap3A_695 : vector<1x16xi32> to vector<16xi32>
      %swap3A_697 = vector.shape_cast %and3A_691 : vector<16xi32> to vector<1x16xi32>
      tpu.vector_store %arg9[%swap3A_693, %swap3A_694], %swap3A_697 {strides = array<i32>} : memref<3x80xi32, #tpu.memory_space<vmem>>, vector<1x16xi32>,
      %shift_right_logical3A_698 = arith.constant 16 : i32
      %shift_right_logical3A_699 = vector.broadcast %shift_right_logical3A_698 : i32 to vector<16xi32>
      %shift_right_logical3A_700 = arith.shrui %get3A_690, %shift_right_logical3A_699 : vector<16xi32>
      %swap3A_701 = arith.constant 1 : i32
      %swap3A_702 = arith.index_cast %swap3A_701 : i32 to index
      %swap3A_703 = arith.constant 16 : index
      %swap3A_704 = tpu.vector_load %arg10[%swap3A_702, %swap3A_703] {strides = array<i32>} : memref<3x80xi32, #tpu.memory_space<vmem>>, vector<1x16xi32>,
      %swap3A_705 = vector.shape_cast %swap3A_704 : vector<1x16xi32> to vector<16xi32>
      %swap3A_706 = vector.shape_cast %shift_right_logical3A_700 : vector<16xi32> to vector<1x16xi32>
      tpu.vector_store %arg10[%swap3A_702, %swap3A_703], %swap3A_706 {strides = array<i32>} : memref<3x80xi32, #tpu.memory_space<vmem>>, vector<1x16xi32>,
      %mul3A_707 = arith.constant 80 : i32
      %mul3A_708 = arith.muli %add3A_660, %mul3A_707 : i32
      %add3A_709 = arith.constant 32 : i32
      %add3A_710 = arith.addi %mul3A_708, %add3A_709 : i32
      %get3A_711 = arith.index_cast %add3A_710 : i32 to index
      %get3A_712 = tpu.vector_load %arg5[%get3A_711] {strides = array<i32>} : memref<10000xi32, #tpu.memory_space<vmem>>, vector<16xi32>,
      %get3A_713 = vector.shape_cast %get3A_712 : vector<16xi32> to vector<16xi32>
      %and3A_714 = arith.andi %get3A_713, %broadcast_in_dim3A_28 : vector<16xi32>
      %swap3A_715 = arith.constant 1 : i32
      %swap3A_716 = arith.index_cast %swap3A_715 : i32 to index
      %swap3A_717 = arith.constant 32 : index
      %swap3A_718 = tpu.vector_load %arg9[%swap3A_716, %swap3A_717] {strides = array<i32>} : memref<3x80xi32, #tpu.memory_space<vmem>>, vector<1x16xi32>,
      %swap3A_719 = vector.shape_cast %swap3A_718 : vector<1x16xi32> to vector<16xi32>
      %swap3A_720 = vector.shape_cast %and3A_714 : vector<16xi32> to vector<1x16xi32>
      tpu.vector_store %arg9[%swap3A_716, %swap3A_717], %swap3A_720 {strides = array<i32>} : memref<3x80xi32, #tpu.memory_space<vmem>>, vector<1x16xi32>,
      %shift_right_logical3A_721 = arith.constant 16 : i32
      %shift_right_logical3A_722 = vector.broadcast %shift_right_logical3A_721 : i32 to vector<16xi32>
      %shift_right_logical3A_723 = arith.shrui %get3A_713, %shift_right_logical3A_722 : vector<16xi32>
      %swap3A_724 = arith.constant 1 : i32
      %swap3A_725 = arith.index_cast %swap3A_724 : i32 to index
      %swap3A_726 = arith.constant 32 : index
      %swap3A_727 = tpu.vector_load %arg10[%swap3A_725, %swap3A_726] {strides = array<i32>} : memref<3x80xi32, #tpu.memory_space<vmem>>, vector<1x16xi32>,
      %swap3A_728 = vector.shape_cast %swap3A_727 : vector<1x16xi32> to vector<16xi32>
      %swap3A_729 = vector.shape_cast %shift_right_logical3A_723 : vector<16xi32> to vector<1x16xi32>
      tpu.vector_store %arg10[%swap3A_725, %swap3A_726], %swap3A_729 {strides = array<i32>} : memref<3x80xi32, #tpu.memory_space<vmem>>, vector<1x16xi32>,
      %mul3A_730 = arith.constant 80 : i32
      %mul3A_731 = arith.muli %add3A_660, %mul3A_730 : i32
      %add3A_732 = arith.constant 48 : i32
      %add3A_733 = arith.addi %mul3A_731, %add3A_732 : i32
      %get3A_734 = arith.index_cast %add3A_733 : i32 to index
      %get3A_735 = tpu.vector_load %arg5[%get3A_734] {strides = array<i32>} : memref<10000xi32, #tpu.memory_space<vmem>>, vector<16xi32>,
      %get3A_736 = vector.shape_cast %get3A_735 : vector<16xi32> to vector<16xi32>
      %and3A_737 = arith.andi %get3A_736, %broadcast_in_dim3A_28 : vector<16xi32>
      %swap3A_738 = arith.constant 1 : i32
      %swap3A_739 = arith.index_cast %swap3A_738 : i32 to index
      %swap3A_740 = arith.constant 48 : index
      %swap3A_741 = tpu.vector_load %arg9[%swap3A_739, %swap3A_740] {strides = array<i32>} : memref<3x80xi32, #tpu.memory_space<vmem>>, vector<1x16xi32>,
      %swap3A_742 = vector.shape_cast %swap3A_741 : vector<1x16xi32> to vector<16xi32>
      %swap3A_743 = vector.shape_cast %and3A_737 : vector<16xi32> to vector<1x16xi32>
      tpu.vector_store %arg9[%swap3A_739, %swap3A_740], %swap3A_743 {strides = array<i32>} : memref<3x80xi32, #tpu.memory_space<vmem>>, vector<1x16xi32>,
      %shift_right_logical3A_744 = arith.constant 16 : i32
      %shift_right_logical3A_745 = vector.broadcast %shift_right_logical3A_744 : i32 to vector<16xi32>
      %shift_right_logical3A_746 = arith.shrui %get3A_736, %shift_right_logical3A_745 : vector<16xi32>
      %swap3A_747 = arith.constant 1 : i32
      %swap3A_748 = arith.index_cast %swap3A_747 : i32 to index
      %swap3A_749 = arith.constant 48 : index
      %swap3A_750 = tpu.vector_load %arg10[%swap3A_748, %swap3A_749] {strides = array<i32>} : memref<3x80xi32, #tpu.memory_space<vmem>>, vector<1x16xi32>,
      %swap3A_751 = vector.shape_cast %swap3A_750 : vector<1x16xi32> to vector<16xi32>
      %swap3A_752 = vector.shape_cast %shift_right_logical3A_746 : vector<16xi32> to vector<1x16xi32>
      tpu.vector_store %arg10[%swap3A_748, %swap3A_749], %swap3A_752 {strides = array<i32>} : memref<3x80xi32, #tpu.memory_space<vmem>>, vector<1x16xi32>,
      %mul3A_753 = arith.constant 80 : i32
      %mul3A_754 = arith.muli %add3A_660, %mul3A_753 : i32
      %add3A_755 = arith.constant 64 : i32
      %add3A_756 = arith.addi %mul3A_754, %add3A_755 : i32
      %get3A_757 = arith.index_cast %add3A_756 : i32 to index
      %get3A_758 = tpu.vector_load %arg5[%get3A_757] {strides = array<i32>} : memref<10000xi32, #tpu.memory_space<vmem>>, vector<16xi32>,
      %get3A_759 = vector.shape_cast %get3A_758 : vector<16xi32> to vector<16xi32>
      %and3A_760 = arith.andi %get3A_759, %broadcast_in_dim3A_28 : vector<16xi32>
      %swap3A_761 = arith.constant 1 : i32
      %swap3A_762 = arith.index_cast %swap3A_761 : i32 to index
      %swap3A_763 = arith.constant 64 : index
      %swap3A_764 = tpu.vector_load %arg9[%swap3A_762, %swap3A_763] {strides = array<i32>} : memref<3x80xi32, #tpu.memory_space<vmem>>, vector<1x16xi32>,
      %swap3A_765 = vector.shape_cast %swap3A_764 : vector<1x16xi32> to vector<16xi32>
      %swap3A_766 = vector.shape_cast %and3A_760 : vector<16xi32> to vector<1x16xi32>
      tpu.vector_store %arg9[%swap3A_762, %swap3A_763], %swap3A_766 {strides = array<i32>} : memref<3x80xi32, #tpu.memory_space<vmem>>, vector<1x16xi32>,
      %shift_right_logical3A_767 = arith.constant 16 : i32
      %shift_right_logical3A_768 = vector.broadcast %shift_right_logical3A_767 : i32 to vector<16xi32>
      %shift_right_logical3A_769 = arith.shrui %get3A_759, %shift_right_logical3A_768 : vector<16xi32>
      %swap3A_770 = arith.constant 1 : i32
      %swap3A_771 = arith.index_cast %swap3A_770 : i32 to index
      %swap3A_772 = arith.constant 64 : index
      %swap3A_773 = tpu.vector_load %arg10[%swap3A_771, %swap3A_772] {strides = array<i32>} : memref<3x80xi32, #tpu.memory_space<vmem>>, vector<1x16xi32>,
      %swap3A_774 = vector.shape_cast %swap3A_773 : vector<1x16xi32> to vector<16xi32>
      %swap3A_775 = vector.shape_cast %shift_right_logical3A_769 : vector<16xi32> to vector<1x16xi32>
      tpu.vector_store %arg10[%swap3A_771, %swap3A_772], %swap3A_775 {strides = array<i32>} : memref<3x80xi32, #tpu.memory_space<vmem>>, vector<1x16xi32>,
      %add3A_776 = arith.constant 0 : i32
      %add3A_777 = arith.addi %add3A_635, %add3A_776 : i32
      %add3A_778 = arith.constant 2 : i32
      %add3A_779 = arith.addi %add3A_777, %add3A_778 : i32
      %dma_start3A_780 = arith.constant 1 : i32
      %dma_start3A_781 = arith.constant 0 : i32
      %dma_start3A_782 = tpu.memref_slice %arg9[%dma_start3A_780, %dma_start3A_781] : memref<3x80xi32, #tpu.memory_space<vmem>> -> memref<1x80xi32, #tpu.memory_space<vmem>>
      %dma_start3A_783 = tpu.memref_squeeze %dma_start3A_782 : memref<1x80xi32, #tpu.memory_space<vmem>> -> memref<80xi32, #tpu.memory_space<vmem>>
      %dma_start3A_784 = arith.constant 0 : i32
      %dma_start3A_785 = arith.constant 0 : i32
      %dma_start3A_786 = tpu.memref_slice %arg2[%dma_start3A_784, %dma_start3A_785] : memref<10000x128xf32, #tpu.memory_space<hbm>> -> memref<10000x128xf32, #tpu.memory_space<hbm>>
      tpu.enqueue_indirect_dma source(%dma_start3A_786 : memref<10000x128xf32, #tpu.memory_space<hbm>>) target(%arg7 : memref<80x128xf32, #tpu.memory_space<vmem>>) offsets(%dma_start3A_783 : memref<80xi32, #tpu.memory_space<vmem>>) semaphore(%arg13 : memref<!tpu.dma_semaphore, #tpu.memory_space<semaphore_mem>>)
      %dma_wait3A_787 = arith.constant 0 : i32
      %dma_wait3A_788 = arith.constant 0 : i32
      %dma_wait3A_789 = tpu.memref_slice %arg9[%dma_wait3A_787, %dma_wait3A_788] : memref<3x80xi32, #tpu.memory_space<vmem>> -> memref<1x80xi32, #tpu.memory_space<vmem>>
      %dma_wait3A_790 = tpu.memref_squeeze %dma_wait3A_789 : memref<1x80xi32, #tpu.memory_space<vmem>> -> memref<80xi32, #tpu.memory_space<vmem>>
      %dma_wait3A_791 = arith.constant 0 : i32
      %dma_wait3A_792 = arith.constant 0 : i32
      %dma_wait3A_793 = tpu.memref_slice %arg2[%dma_wait3A_791, %dma_wait3A_792] : memref<10000x128xf32, #tpu.memory_space<hbm>> -> memref<10000x128xf32, #tpu.memory_space<hbm>>
      tpu.wait_indirect_dma semaphore(%arg12 : memref<!tpu.dma_semaphore, #tpu.memory_space<semaphore_mem>>) src(%dma_wait3A_793 : memref<10000x128xf32, #tpu.memory_space<hbm>>) dst(%arg6 : memref<80x128xf32, #tpu.memory_space<vmem>>)
      %dma_start3A_794 = arith.constant 0 : i32
      %dma_start3A_795 = arith.constant 0 : i32
      %dma_start3A_796 = tpu.memref_slice %arg10[%dma_start3A_794, %dma_start3A_795] : memref<3x80xi32, #tpu.memory_space<vmem>> -> memref<1x80xi32, #tpu.memory_space<vmem>>
      %dma_start3A_797 = tpu.memref_squeeze %dma_start3A_796 : memref<1x80xi32, #tpu.memory_space<vmem>> -> memref<80xi32, #tpu.memory_space<vmem>>
      %dma_start3A_798 = arith.constant 0 : i32
      %dma_start3A_799 = arith.constant 0 : i32
      %dma_start3A_800 = tpu.memref_slice %arg11[%dma_start3A_798, %dma_start3A_799] : memref<10240x128xf32, #tpu.memory_space<vmem_shared>> -> memref<10240x128xf32, #tpu.memory_space<vmem_shared>>
      tpu.enqueue_indirect_dma source(%arg6 : memref<80x128xf32, #tpu.memory_space<vmem>>) target(%dma_start3A_800 : memref<10240x128xf32, #tpu.memory_space<vmem_shared>>) offsets(%dma_start3A_797 : memref<80xi32, #tpu.memory_space<vmem>>) semaphore(%arg15 : memref<!tpu.dma_semaphore, #tpu.memory_space<semaphore_mem>>) {add = true}
      %dma_wait3A_801 = arith.constant 2 : i32
      %dma_wait3A_802 = arith.constant 0 : i32
      %dma_wait3A_803 = tpu.memref_slice %arg10[%dma_wait3A_801, %dma_wait3A_802] : memref<3x80xi32, #tpu.memory_space<vmem>> -> memref<1x80xi32, #tpu.memory_space<vmem>>
      %dma_wait3A_804 = tpu.memref_squeeze %dma_wait3A_803 : memref<1x80xi32, #tpu.memory_space<vmem>> -> memref<80xi32, #tpu.memory_space<vmem>>
      %dma_wait3A_805 = arith.constant 0 : i32
      %dma_wait3A_806 = arith.constant 0 : i32
      %dma_wait3A_807 = tpu.memref_slice %arg11[%dma_wait3A_805, %dma_wait3A_806] : memref<10240x128xf32, #tpu.memory_space<vmem_shared>> -> memref<10240x128xf32, #tpu.memory_space<vmem_shared>>
      tpu.wait_indirect_dma semaphore(%arg17 : memref<!tpu.dma_semaphore, #tpu.memory_space<semaphore_mem>>) src(%arg8 : memref<80x128xf32, #tpu.memory_space<vmem>>) dst(%dma_wait3A_807 : memref<10240x128xf32, #tpu.memory_space<vmem_shared>>)
      %add3A_808 = arith.constant 1 : i32
      %add3A_809 = arith.addi %add3A_635, %add3A_808 : i32
      %add3A_810 = arith.constant 2 : i32
      %add3A_811 = arith.addi %add3A_809, %add3A_810 : i32
      %mul3A_812 = arith.constant 80 : i32
      %mul3A_813 = arith.muli %add3A_811, %mul3A_812 : i32
      %add3A_814 = arith.constant 0 : i32
      %add3A_815 = arith.addi %mul3A_813, %add3A_814 : i32
      %get3A_816 = arith.index_cast %add3A_815 : i32 to index
      %get3A_817 = tpu.vector_load %arg5[%get3A_816] {strides = array<i32>} : memref<10000xi32, #tpu.memory_space<vmem>>, vector<16xi32>,
      %get3A_818 = vector.shape_cast %get3A_817 : vector<16xi32> to vector<16xi32>
      %and3A_819 = arith.andi %get3A_818, %broadcast_in_dim3A_28 : vector<16xi32>
      %swap3A_820 = arith.constant 2 : i32
      %swap3A_821 = arith.index_cast %swap3A_820 : i32 to index
      %swap3A_822 = arith.constant 0 : index
      %swap3A_823 = tpu.vector_load %arg9[%swap3A_821, %swap3A_822] {strides = array<i32>} : memref<3x80xi32, #tpu.memory_space<vmem>>, vector<1x16xi32>,
      %swap3A_824 = vector.shape_cast %swap3A_823 : vector<1x16xi32> to vector<16xi32>
      %swap3A_825 = vector.shape_cast %and3A_819 : vector<16xi32> to vector<1x16xi32>
      tpu.vector_store %arg9[%swap3A_821, %swap3A_822], %swap3A_825 {strides = array<i32>} : memref<3x80xi32, #tpu.memory_space<vmem>>, vector<1x16xi32>,
      %shift_right_logical3A_826 = arith.constant 16 : i32
      %shift_right_logical3A_827 = vector.broadcast %shift_right_logical3A_826 : i32 to vector<16xi32>
      %shift_right_logical3A_828 = arith.shrui %get3A_818, %shift_right_logical3A_827 : vector<16xi32>
      %swap3A_829 = arith.constant 2 : i32
      %swap3A_830 = arith.index_cast %swap3A_829 : i32 to index
      %swap3A_831 = arith.constant 0 : index
      %swap3A_832 = tpu.vector_load %arg10[%swap3A_830, %swap3A_831] {strides = array<i32>} : memref<3x80xi32, #tpu.memory_space<vmem>>, vector<1x16xi32>,
      %swap3A_833 = vector.shape_cast %swap3A_832 : vector<1x16xi32> to vector<16xi32>
      %swap3A_834 = vector.shape_cast %shift_right_logical3A_828 : vector<16xi32> to vector<1x16xi32>
      tpu.vector_store %arg10[%swap3A_830, %swap3A_831], %swap3A_834 {strides = array<i32>} : memref<3x80xi32, #tpu.memory_space<vmem>>, vector<1x16xi32>,
      %mul3A_835 = arith.constant 80 : i32
      %mul3A_836 = arith.muli %add3A_811, %mul3A_835 : i32
      %add3A_837 = arith.constant 16 : i32
      %add3A_838 = arith.addi %mul3A_836, %add3A_837 : i32
      %get3A_839 = arith.index_cast %add3A_838 : i32 to index
      %get3A_840 = tpu.vector_load %arg5[%get3A_839] {strides = array<i32>} : memref<10000xi32, #tpu.memory_space<vmem>>, vector<16xi32>,
      %get3A_841 = vector.shape_cast %get3A_840 : vector<16xi32> to vector<16xi32>
      %and3A_842 = arith.andi %get3A_841, %broadcast_in_dim3A_28 : vector<16xi32>
      %swap3A_843 = arith.constant 2 : i32
      %swap3A_844 = arith.index_cast %swap3A_843 : i32 to index
      %swap3A_845 = arith.constant 16 : index
      %swap3A_846 = tpu.vector_load %arg9[%swap3A_844, %swap3A_845] {strides = array<i32>} : memref<3x80xi32, #tpu.memory_space<vmem>>, vector<1x16xi32>,
      %swap3A_847 = vector.shape_cast %swap3A_846 : vector<1x16xi32> to vector<16xi32>
      %swap3A_848 = vector.shape_cast %and3A_842 : vector<16xi32> to vector<1x16xi32>
      tpu.vector_store %arg9[%swap3A_844, %swap3A_845], %swap3A_848 {strides = array<i32>} : memref<3x80xi32, #tpu.memory_space<vmem>>, vector<1x16xi32>,
      %shift_right_logical3A_849 = arith.constant 16 : i32
      %shift_right_logical3A_850 = vector.broadcast %shift_right_logical3A_849 : i32 to vector<16xi32>
      %shift_right_logical3A_851 = arith.shrui %get3A_841, %shift_right_logical3A_850 : vector<16xi32>
      %swap3A_852 = arith.constant 2 : i32
      %swap3A_853 = arith.index_cast %swap3A_852 : i32 to index
      %swap3A_854 = arith.constant 16 : index
      %swap3A_855 = tpu.vector_load %arg10[%swap3A_853, %swap3A_854] {strides = array<i32>} : memref<3x80xi32, #tpu.memory_space<vmem>>, vector<1x16xi32>,
      %swap3A_856 = vector.shape_cast %swap3A_855 : vector<1x16xi32> to vector<16xi32>
      %swap3A_857 = vector.shape_cast %shift_right_logical3A_851 : vector<16xi32> to vector<1x16xi32>
      tpu.vector_store %arg10[%swap3A_853, %swap3A_854], %swap3A_857 {strides = array<i32>} : memref<3x80xi32, #tpu.memory_space<vmem>>, vector<1x16xi32>,
      %mul3A_858 = arith.constant 80 : i32
      %mul3A_859 = arith.muli %add3A_811, %mul3A_858 : i32
      %add3A_860 = arith.constant 32 : i32
      %add3A_861 = arith.addi %mul3A_859, %add3A_860 : i32
      %get3A_862 = arith.index_cast %add3A_861 : i32 to index
      %get3A_863 = tpu.vector_load %arg5[%get3A_862] {strides = array<i32>} : memref<10000xi32, #tpu.memory_space<vmem>>, vector<16xi32>,
      %get3A_864 = vector.shape_cast %get3A_863 : vector<16xi32> to vector<16xi32>
      %and3A_865 = arith.andi %get3A_864, %broadcast_in_dim3A_28 : vector<16xi32>
      %swap3A_866 = arith.constant 2 : i32
      %swap3A_867 = arith.index_cast %swap3A_866 : i32 to index
      %swap3A_868 = arith.constant 32 : index
      %swap3A_869 = tpu.vector_load %arg9[%swap3A_867, %swap3A_868] {strides = array<i32>} : memref<3x80xi32, #tpu.memory_space<vmem>>, vector<1x16xi32>,
      %swap3A_870 = vector.shape_cast %swap3A_869 : vector<1x16xi32> to vector<16xi32>
      %swap3A_871 = vector.shape_cast %and3A_865 : vector<16xi32> to vector<1x16xi32>
      tpu.vector_store %arg9[%swap3A_867, %swap3A_868], %swap3A_871 {strides = array<i32>} : memref<3x80xi32, #tpu.memory_space<vmem>>, vector<1x16xi32>,
      %shift_right_logical3A_872 = arith.constant 16 : i32
      %shift_right_logical3A_873 = vector.broadcast %shift_right_logical3A_872 : i32 to vector<16xi32>
      %shift_right_logical3A_874 = arith.shrui %get3A_864, %shift_right_logical3A_873 : vector<16xi32>
      %swap3A_875 = arith.constant 2 : i32
      %swap3A_876 = arith.index_cast %swap3A_875 : i32 to index
      %swap3A_877 = arith.constant 32 : index
      %swap3A_878 = tpu.vector_load %arg10[%swap3A_876, %swap3A_877] {strides = array<i32>} : memref<3x80xi32, #tpu.memory_space<vmem>>, vector<1x16xi32>,
      %swap3A_879 = vector.shape_cast %swap3A_878 : vector<1x16xi32> to vector<16xi32>
      %swap3A_880 = vector.shape_cast %shift_right_logical3A_874 : vector<16xi32> to vector<1x16xi32>
      tpu.vector_store %arg10[%swap3A_876, %swap3A_877], %swap3A_880 {strides = array<i32>} : memref<3x80xi32, #tpu.memory_space<vmem>>, vector<1x16xi32>,
      %mul3A_881 = arith.constant 80 : i32
      %mul3A_882 = arith.muli %add3A_811, %mul3A_881 : i32
      %add3A_883 = arith.constant 48 : i32
      %add3A_884 = arith.addi %mul3A_882, %add3A_883 : i32
      %get3A_885 = arith.index_cast %add3A_884 : i32 to index
      %get3A_886 = tpu.vector_load %arg5[%get3A_885] {strides = array<i32>} : memref<10000xi32, #tpu.memory_space<vmem>>, vector<16xi32>,
      %get3A_887 = vector.shape_cast %get3A_886 : vector<16xi32> to vector<16xi32>
      %and3A_888 = arith.andi %get3A_887, %broadcast_in_dim3A_28 : vector<16xi32>
      %swap3A_889 = arith.constant 2 : i32
      %swap3A_890 = arith.index_cast %swap3A_889 : i32 to index
      %swap3A_891 = arith.constant 48 : index
      %swap3A_892 = tpu.vector_load %arg9[%swap3A_890, %swap3A_891] {strides = array<i32>} : memref<3x80xi32, #tpu.memory_space<vmem>>, vector<1x16xi32>,
      %swap3A_893 = vector.shape_cast %swap3A_892 : vector<1x16xi32> to vector<16xi32>
      %swap3A_894 = vector.shape_cast %and3A_888 : vector<16xi32> to vector<1x16xi32>
      tpu.vector_store %arg9[%swap3A_890, %swap3A_891], %swap3A_894 {strides = array<i32>} : memref<3x80xi32, #tpu.memory_space<vmem>>, vector<1x16xi32>,
      %shift_right_logical3A_895 = arith.constant 16 : i32
      %shift_right_logical3A_896 = vector.broadcast %shift_right_logical3A_895 : i32 to vector<16xi32>
      %shift_right_logical3A_897 = arith.shrui %get3A_887, %shift_right_logical3A_896 : vector<16xi32>
      %swap3A_898 = arith.constant 2 : i32
      %swap3A_899 = arith.index_cast %swap3A_898 : i32 to index
      %swap3A_900 = arith.constant 48 : index
      %swap3A_901 = tpu.vector_load %arg10[%swap3A_899, %swap3A_900] {strides = array<i32>} : memref<3x80xi32, #tpu.memory_space<vmem>>, vector<1x16xi32>,
      %swap3A_902 = vector.shape_cast %swap3A_901 : vector<1x16xi32> to vector<16xi32>
      %swap3A_903 = vector.shape_cast %shift_right_logical3A_897 : vector<16xi32> to vector<1x16xi32>
      tpu.vector_store %arg10[%swap3A_899, %swap3A_900], %swap3A_903 {strides = array<i32>} : memref<3x80xi32, #tpu.memory_space<vmem>>, vector<1x16xi32>,
      %mul3A_904 = arith.constant 80 : i32
      %mul3A_905 = arith.muli %add3A_811, %mul3A_904 : i32
      %add3A_906 = arith.constant 64 : i32
      %add3A_907 = arith.addi %mul3A_905, %add3A_906 : i32
      %get3A_908 = arith.index_cast %add3A_907 : i32 to index
      %get3A_909 = tpu.vector_load %arg5[%get3A_908] {strides = array<i32>} : memref<10000xi32, #tpu.memory_space<vmem>>, vector<16xi32>,
      %get3A_910 = vector.shape_cast %get3A_909 : vector<16xi32> to vector<16xi32>
      %and3A_911 = arith.andi %get3A_910, %broadcast_in_dim3A_28 : vector<16xi32>
      %swap3A_912 = arith.constant 2 : i32
      %swap3A_913 = arith.index_cast %swap3A_912 : i32 to index
      %swap3A_914 = arith.constant 64 : index
      %swap3A_915 = tpu.vector_load %arg9[%swap3A_913, %swap3A_914] {strides = array<i32>} : memref<3x80xi32, #tpu.memory_space<vmem>>, vector<1x16xi32>,
      %swap3A_916 = vector.shape_cast %swap3A_915 : vector<1x16xi32> to vector<16xi32>
      %swap3A_917 = vector.shape_cast %and3A_911 : vector<16xi32> to vector<1x16xi32>
      tpu.vector_store %arg9[%swap3A_913, %swap3A_914], %swap3A_917 {strides = array<i32>} : memref<3x80xi32, #tpu.memory_space<vmem>>, vector<1x16xi32>,
      %shift_right_logical3A_918 = arith.constant 16 : i32
      %shift_right_logical3A_919 = vector.broadcast %shift_right_logical3A_918 : i32 to vector<16xi32>
      %shift_right_logical3A_920 = arith.shrui %get3A_910, %shift_right_logical3A_919 : vector<16xi32>
      %swap3A_921 = arith.constant 2 : i32
      %swap3A_922 = arith.index_cast %swap3A_921 : i32 to index
      %swap3A_923 = arith.constant 64 : index
      %swap3A_924 = tpu.vector_load %arg10[%swap3A_922, %swap3A_923] {strides = array<i32>} : memref<3x80xi32, #tpu.memory_space<vmem>>, vector<1x16xi32>,
      %swap3A_925 = vector.shape_cast %swap3A_924 : vector<1x16xi32> to vector<16xi32>
      %swap3A_926 = vector.shape_cast %shift_right_logical3A_920 : vector<16xi32> to vector<1x16xi32>
      tpu.vector_store %arg10[%swap3A_922, %swap3A_923], %swap3A_926 {strides = array<i32>} : memref<3x80xi32, #tpu.memory_space<vmem>>, vector<1x16xi32>,
      %add3A_927 = arith.constant 1 : i32
      %add3A_928 = arith.addi %add3A_635, %add3A_927 : i32
      %add3A_929 = arith.constant 2 : i32
      %add3A_930 = arith.addi %add3A_928, %add3A_929 : i32
      %dma_start3A_931 = arith.constant 2 : i32
      %dma_start3A_932 = arith.constant 0 : i32
      %dma_start3A_933 = tpu.memref_slice %arg9[%dma_start3A_931, %dma_start3A_932] : memref<3x80xi32, #tpu.memory_space<vmem>> -> memref<1x80xi32, #tpu.memory_space<vmem>>
      %dma_start3A_934 = tpu.memref_squeeze %dma_start3A_933 : memref<1x80xi32, #tpu.memory_space<vmem>> -> memref<80xi32, #tpu.memory_space<vmem>>
      %dma_start3A_935 = arith.constant 0 : i32
      %dma_start3A_936 = arith.constant 0 : i32
      %dma_start3A_937 = tpu.memref_slice %arg2[%dma_start3A_935, %dma_start3A_936] : memref<10000x128xf32, #tpu.memory_space<hbm>> -> memref<10000x128xf32, #tpu.memory_space<hbm>>
      tpu.enqueue_indirect_dma source(%dma_start3A_937 : memref<10000x128xf32, #tpu.memory_space<hbm>>) target(%arg8 : memref<80x128xf32, #tpu.memory_space<vmem>>) offsets(%dma_start3A_934 : memref<80xi32, #tpu.memory_space<vmem>>) semaphore(%arg14 : memref<!tpu.dma_semaphore, #tpu.memory_space<semaphore_mem>>)
      %dma_wait3A_938 = arith.constant 1 : i32
      %dma_wait3A_939 = arith.constant 0 : i32
      %dma_wait3A_940 = tpu.memref_slice %arg9[%dma_wait3A_938, %dma_wait3A_939] : memref<3x80xi32, #tpu.memory_space<vmem>> -> memref<1x80xi32, #tpu.memory_space<vmem>>
      %dma_wait3A_941 = tpu.memref_squeeze %dma_wait3A_940 : memref<1x80xi32, #tpu.memory_space<vmem>> -> memref<80xi32, #tpu.memory_space<vmem>>
      %dma_wait3A_942 = arith.constant 0 : i32
      %dma_wait3A_943 = arith.constant 0 : i32
      %dma_wait3A_944 = tpu.memref_slice %arg2[%dma_wait3A_942, %dma_wait3A_943] : memref<10000x128xf32, #tpu.memory_space<hbm>> -> memref<10000x128xf32, #tpu.memory_space<hbm>>
      tpu.wait_indirect_dma semaphore(%arg13 : memref<!tpu.dma_semaphore, #tpu.memory_space<semaphore_mem>>) src(%dma_wait3A_944 : memref<10000x128xf32, #tpu.memory_space<hbm>>) dst(%arg7 : memref<80x128xf32, #tpu.memory_space<vmem>>)
      %dma_start3A_945 = arith.constant 1 : i32
      %dma_start3A_946 = arith.constant 0 : i32
      %dma_start3A_947 = tpu.memref_slice %arg10[%dma_start3A_945, %dma_start3A_946] : memref<3x80xi32, #tpu.memory_space<vmem>> -> memref<1x80xi32, #tpu.memory_space<vmem>>
      %dma_start3A_948 = tpu.memref_squeeze %dma_start3A_947 : memref<1x80xi32, #tpu.memory_space<vmem>> -> memref<80xi32, #tpu.memory_space<vmem>>
      %dma_start3A_949 = arith.constant 0 : i32
      %dma_start3A_950 = arith.constant 0 : i32
      %dma_start3A_951 = tpu.memref_slice %arg11[%dma_start3A_949, %dma_start3A_950] : memref<10240x128xf32, #tpu.memory_space<vmem_shared>> -> memref<10240x128xf32, #tpu.memory_space<vmem_shared>>
      tpu.enqueue_indirect_dma source(%arg7 : memref<80x128xf32, #tpu.memory_space<vmem>>) target(%dma_start3A_951 : memref<10240x128xf32, #tpu.memory_space<vmem_shared>>) offsets(%dma_start3A_948 : memref<80xi32, #tpu.memory_space<vmem>>) semaphore(%arg16 : memref<!tpu.dma_semaphore, #tpu.memory_space<semaphore_mem>>) {add = true}
      %dma_wait3A_952 = arith.constant 0 : i32
      %dma_wait3A_953 = arith.constant 0 : i32
      %dma_wait3A_954 = tpu.memref_slice %arg10[%dma_wait3A_952, %dma_wait3A_953] : memref<3x80xi32, #tpu.memory_space<vmem>> -> memref<1x80xi32, #tpu.memory_space<vmem>>
      %dma_wait3A_955 = tpu.memref_squeeze %dma_wait3A_954 : memref<1x80xi32, #tpu.memory_space<vmem>> -> memref<80xi32, #tpu.memory_space<vmem>>
      %dma_wait3A_956 = arith.constant 0 : i32
      %dma_wait3A_957 = arith.constant 0 : i32
      %dma_wait3A_958 = tpu.memref_slice %arg11[%dma_wait3A_956, %dma_wait3A_957] : memref<10240x128xf32, #tpu.memory_space<vmem_shared>> -> memref<10240x128xf32, #tpu.memory_space<vmem_shared>>
      tpu.wait_indirect_dma semaphore(%arg15 : memref<!tpu.dma_semaphore, #tpu.memory_space<semaphore_mem>>) src(%arg6 : memref<80x128xf32, #tpu.memory_space<vmem>>) dst(%dma_wait3A_958 : memref<10240x128xf32, #tpu.memory_space<vmem_shared>>)
      %add3A_959 = arith.constant 2 : i32
      %add3A_960 = arith.addi %add3A_635, %add3A_959 : i32
      %add3A_961 = arith.constant 2 : i32
      %add3A_962 = arith.addi %add3A_960, %add3A_961 : i32
      %mul3A_963 = arith.constant 80 : i32
      %mul3A_964 = arith.muli %add3A_962, %mul3A_963 : i32
      %add3A_965 = arith.constant 0 : i32
      %add3A_966 = arith.addi %mul3A_964, %add3A_965 : i32
      %get3A_967 = arith.index_cast %add3A_966 : i32 to index
      %get3A_968 = tpu.vector_load %arg5[%get3A_967] {strides = array<i32>} : memref<10000xi32, #tpu.memory_space<vmem>>, vector<16xi32>,
      %get3A_969 = vector.shape_cast %get3A_968 : vector<16xi32> to vector<16xi32>
      %and3A_970 = arith.andi %get3A_969, %broadcast_in_dim3A_28 : vector<16xi32>
      %swap3A_971 = arith.constant 0 : i32
      %swap3A_972 = arith.index_cast %swap3A_971 : i32 to index
      %swap3A_973 = arith.constant 0 : index
      %swap3A_974 = tpu.vector_load %arg9[%swap3A_972, %swap3A_973] {strides = array<i32>} : memref<3x80xi32, #tpu.memory_space<vmem>>, vector<1x16xi32>,
      %swap3A_975 = vector.shape_cast %swap3A_974 : vector<1x16xi32> to vector<16xi32>
      %swap3A_976 = vector.shape_cast %and3A_970 : vector<16xi32> to vector<1x16xi32>
      tpu.vector_store %arg9[%swap3A_972, %swap3A_973], %swap3A_976 {strides = array<i32>} : memref<3x80xi32, #tpu.memory_space<vmem>>, vector<1x16xi32>,
      %shift_right_logical3A_977 = arith.constant 16 : i32
      %shift_right_logical3A_978 = vector.broadcast %shift_right_logical3A_977 : i32 to vector<16xi32>
      %shift_right_logical3A_979 = arith.shrui %get3A_969, %shift_right_logical3A_978 : vector<16xi32>
      %swap3A_980 = arith.constant 0 : i32
      %swap3A_981 = arith.index_cast %swap3A_980 : i32 to index
      %swap3A_982 = arith.constant 0 : index
      %swap3A_983 = tpu.vector_load %arg10[%swap3A_981, %swap3A_982] {strides = array<i32>} : memref<3x80xi32, #tpu.memory_space<vmem>>, vector<1x16xi32>,
      %swap3A_984 = vector.shape_cast %swap3A_983 : vector<1x16xi32> to vector<16xi32>
      %swap3A_985 = vector.shape_cast %shift_right_logical3A_979 : vector<16xi32> to vector<1x16xi32>
      tpu.vector_store %arg10[%swap3A_981, %swap3A_982], %swap3A_985 {strides = array<i32>} : memref<3x80xi32, #tpu.memory_space<vmem>>, vector<1x16xi32>,
      %mul3A_986 = arith.constant 80 : i32
      %mul3A_987 = arith.muli %add3A_962, %mul3A_986 : i32
      %add3A_988 = arith.constant 16 : i32
      %add3A_989 = arith.addi %mul3A_987, %add3A_988 : i32
      %get3A_990 = arith.index_cast %add3A_989 : i32 to index
      %get3A_991 = tpu.vector_load %arg5[%get3A_990] {strides = array<i32>} : memref<10000xi32, #tpu.memory_space<vmem>>, vector<16xi32>,
      %get3A_992 = vector.shape_cast %get3A_991 : vector<16xi32> to vector<16xi32>
      %and3A_993 = arith.andi %get3A_992, %broadcast_in_dim3A_28 : vector<16xi32>
      %swap3A_994 = arith.constant 0 : i32
      %swap3A_995 = arith.index_cast %swap3A_994 : i32 to index
      %swap3A_996 = arith.constant 16 : index
      %swap3A_997 = tpu.vector_load %arg9[%swap3A_995, %swap3A_996] {strides = array<i32>} : memref<3x80xi32, #tpu.memory_space<vmem>>, vector<1x16xi32>,
      %swap3A_998 = vector.shape_cast %swap3A_997 : vector<1x16xi32> to vector<16xi32>
      %swap3A_999 = vector.shape_cast %and3A_993 : vector<16xi32> to vector<1x16xi32>
      tpu.vector_store %arg9[%swap3A_995, %swap3A_996], %swap3A_999 {strides = array<i32>} : memref<3x80xi32, #tpu.memory_space<vmem>>, vector<1x16xi32>,
      %shift_right_logical3A_1000 = arith.constant 16 : i32
      %shift_right_logical3A_1001 = vector.broadcast %shift_right_logical3A_1000 : i32 to vector<16xi32>
      %shift_right_logical3A_1002 = arith.shrui %get3A_992, %shift_right_logical3A_1001 : vector<16xi32>
      %swap3A_1003 = arith.constant 0 : i32
      %swap3A_1004 = arith.index_cast %swap3A_1003 : i32 to index
      %swap3A_1005 = arith.constant 16 : index
      %swap3A_1006 = tpu.vector_load %arg10[%swap3A_1004, %swap3A_1005] {strides = array<i32>} : memref<3x80xi32, #tpu.memory_space<vmem>>, vector<1x16xi32>,
      %swap3A_1007 = vector.shape_cast %swap3A_1006 : vector<1x16xi32> to vector<16xi32>
      %swap3A_1008 = vector.shape_cast %shift_right_logical3A_1002 : vector<16xi32> to vector<1x16xi32>
      tpu.vector_store %arg10[%swap3A_1004, %swap3A_1005], %swap3A_1008 {strides = array<i32>} : memref<3x80xi32, #tpu.memory_space<vmem>>, vector<1x16xi32>,
      %mul3A_1009 = arith.constant 80 : i32
      %mul3A_1010 = arith.muli %add3A_962, %mul3A_1009 : i32
      %add3A_1011 = arith.constant 32 : i32
      %add3A_1012 = arith.addi %mul3A_1010, %add3A_1011 : i32
      %get3A_1013 = arith.index_cast %add3A_1012 : i32 to index
      %get3A_1014 = tpu.vector_load %arg5[%get3A_1013] {strides = array<i32>} : memref<10000xi32, #tpu.memory_space<vmem>>, vector<16xi32>,
      %get3A_1015 = vector.shape_cast %get3A_1014 : vector<16xi32> to vector<16xi32>
      %and3A_1016 = arith.andi %get3A_1015, %broadcast_in_dim3A_28 : vector<16xi32>
      %swap3A_1017 = arith.constant 0 : i32
      %swap3A_1018 = arith.index_cast %swap3A_1017 : i32 to index
      %swap3A_1019 = arith.constant 32 : index
      %swap3A_1020 = tpu.vector_load %arg9[%swap3A_1018, %swap3A_1019] {strides = array<i32>} : memref<3x80xi32, #tpu.memory_space<vmem>>, vector<1x16xi32>,
      %swap3A_1021 = vector.shape_cast %swap3A_1020 : vector<1x16xi32> to vector<16xi32>
      %swap3A_1022 = vector.shape_cast %and3A_1016 : vector<16xi32> to vector<1x16xi32>
      tpu.vector_store %arg9[%swap3A_1018, %swap3A_1019], %swap3A_1022 {strides = array<i32>} : memref<3x80xi32, #tpu.memory_space<vmem>>, vector<1x16xi32>,
      %shift_right_logical3A_1023 = arith.constant 16 : i32
      %shift_right_logical3A_1024 = vector.broadcast %shift_right_logical3A_1023 : i32 to vector<16xi32>
      %shift_right_logical3A_1025 = arith.shrui %get3A_1015, %shift_right_logical3A_1024 : vector<16xi32>
      %swap3A_1026 = arith.constant 0 : i32
      %swap3A_1027 = arith.index_cast %swap3A_1026 : i32 to index
      %swap3A_1028 = arith.constant 32 : index
      %swap3A_1029 = tpu.vector_load %arg10[%swap3A_1027, %swap3A_1028] {strides = array<i32>} : memref<3x80xi32, #tpu.memory_space<vmem>>, vector<1x16xi32>,
      %swap3A_1030 = vector.shape_cast %swap3A_1029 : vector<1x16xi32> to vector<16xi32>
      %swap3A_1031 = vector.shape_cast %shift_right_logical3A_1025 : vector<16xi32> to vector<1x16xi32>
      tpu.vector_store %arg10[%swap3A_1027, %swap3A_1028], %swap3A_1031 {strides = array<i32>} : memref<3x80xi32, #tpu.memory_space<vmem>>, vector<1x16xi32>,
      %mul3A_1032 = arith.constant 80 : i32
      %mul3A_1033 = arith.muli %add3A_962, %mul3A_1032 : i32
      %add3A_1034 = arith.constant 48 : i32
      %add3A_1035 = arith.addi %mul3A_1033, %add3A_1034 : i32
      %get3A_1036 = arith.index_cast %add3A_1035 : i32 to index
      %get3A_1037 = tpu.vector_load %arg5[%get3A_1036] {strides = array<i32>} : memref<10000xi32, #tpu.memory_space<vmem>>, vector<16xi32>,
      %get3A_1038 = vector.shape_cast %get3A_1037 : vector<16xi32> to vector<16xi32>
      %and3A_1039 = arith.andi %get3A_1038, %broadcast_in_dim3A_28 : vector<16xi32>
      %swap3A_1040 = arith.constant 0 : i32
      %swap3A_1041 = arith.index_cast %swap3A_1040 : i32 to index
      %swap3A_1042 = arith.constant 48 : index
      %swap3A_1043 = tpu.vector_load %arg9[%swap3A_1041, %swap3A_1042] {strides = array<i32>} : memref<3x80xi32, #tpu.memory_space<vmem>>, vector<1x16xi32>,
      %swap3A_1044 = vector.shape_cast %swap3A_1043 : vector<1x16xi32> to vector<16xi32>
      %swap3A_1045 = vector.shape_cast %and3A_1039 : vector<16xi32> to vector<1x16xi32>
      tpu.vector_store %arg9[%swap3A_1041, %swap3A_1042], %swap3A_1045 {strides = array<i32>} : memref<3x80xi32, #tpu.memory_space<vmem>>, vector<1x16xi32>,
      %shift_right_logical3A_1046 = arith.constant 16 : i32
      %shift_right_logical3A_1047 = vector.broadcast %shift_right_logical3A_1046 : i32 to vector<16xi32>
      %shift_right_logical3A_1048 = arith.shrui %get3A_1038, %shift_right_logical3A_1047 : vector<16xi32>
      %swap3A_1049 = arith.constant 0 : i32
      %swap3A_1050 = arith.index_cast %swap3A_1049 : i32 to index
      %swap3A_1051 = arith.constant 48 : index
      %swap3A_1052 = tpu.vector_load %arg10[%swap3A_1050, %swap3A_1051] {strides = array<i32>} : memref<3x80xi32, #tpu.memory_space<vmem>>, vector<1x16xi32>,
      %swap3A_1053 = vector.shape_cast %swap3A_1052 : vector<1x16xi32> to vector<16xi32>
      %swap3A_1054 = vector.shape_cast %shift_right_logical3A_1048 : vector<16xi32> to vector<1x16xi32>
      tpu.vector_store %arg10[%swap3A_1050, %swap3A_1051], %swap3A_1054 {strides = array<i32>} : memref<3x80xi32, #tpu.memory_space<vmem>>, vector<1x16xi32>,
      %mul3A_1055 = arith.constant 80 : i32
      %mul3A_1056 = arith.muli %add3A_962, %mul3A_1055 : i32
      %add3A_1057 = arith.constant 64 : i32
      %add3A_1058 = arith.addi %mul3A_1056, %add3A_1057 : i32
      %get3A_1059 = arith.index_cast %add3A_1058 : i32 to index
      %get3A_1060 = tpu.vector_load %arg5[%get3A_1059] {strides = array<i32>} : memref<10000xi32, #tpu.memory_space<vmem>>, vector<16xi32>,
      %get3A_1061 = vector.shape_cast %get3A_1060 : vector<16xi32> to vector<16xi32>
      %and3A_1062 = arith.andi %get3A_1061, %broadcast_in_dim3A_28 : vector<16xi32>
      %swap3A_1063 = arith.constant 0 : i32
      %swap3A_1064 = arith.index_cast %swap3A_1063 : i32 to index
      %swap3A_1065 = arith.constant 64 : index
      %swap3A_1066 = tpu.vector_load %arg9[%swap3A_1064, %swap3A_1065] {strides = array<i32>} : memref<3x80xi32, #tpu.memory_space<vmem>>, vector<1x16xi32>,
      %swap3A_1067 = vector.shape_cast %swap3A_1066 : vector<1x16xi32> to vector<16xi32>
      %swap3A_1068 = vector.shape_cast %and3A_1062 : vector<16xi32> to vector<1x16xi32>
      tpu.vector_store %arg9[%swap3A_1064, %swap3A_1065], %swap3A_1068 {strides = array<i32>} : memref<3x80xi32, #tpu.memory_space<vmem>>, vector<1x16xi32>,
      %shift_right_logical3A_1069 = arith.constant 16 : i32
      %shift_right_logical3A_1070 = vector.broadcast %shift_right_logical3A_1069 : i32 to vector<16xi32>
      %shift_right_logical3A_1071 = arith.shrui %get3A_1061, %shift_right_logical3A_1070 : vector<16xi32>
      %swap3A_1072 = arith.constant 0 : i32
      %swap3A_1073 = arith.index_cast %swap3A_1072 : i32 to index
      %swap3A_1074 = arith.constant 64 : index
      %swap3A_1075 = tpu.vector_load %arg10[%swap3A_1073, %swap3A_1074] {strides = array<i32>} : memref<3x80xi32, #tpu.memory_space<vmem>>, vector<1x16xi32>,
      %swap3A_1076 = vector.shape_cast %swap3A_1075 : vector<1x16xi32> to vector<16xi32>
      %swap3A_1077 = vector.shape_cast %shift_right_logical3A_1071 : vector<16xi32> to vector<1x16xi32>
      tpu.vector_store %arg10[%swap3A_1073, %swap3A_1074], %swap3A_1077 {strides = array<i32>} : memref<3x80xi32, #tpu.memory_space<vmem>>, vector<1x16xi32>,
      %add3A_1078 = arith.constant 2 : i32
      %add3A_1079 = arith.addi %add3A_635, %add3A_1078 : i32
      %add3A_1080 = arith.constant 2 : i32
      %add3A_1081 = arith.addi %add3A_1079, %add3A_1080 : i32
      %dma_start3A_1082 = arith.constant 0 : i32
      %dma_start3A_1083 = arith.constant 0 : i32
      %dma_start3A_1084 = tpu.memref_slice %arg9[%dma_start3A_1082, %dma_start3A_1083] : memref<3x80xi32, #tpu.memory_space<vmem>> -> memref<1x80xi32, #tpu.memory_space<vmem>>
      %dma_start3A_1085 = tpu.memref_squeeze %dma_start3A_1084 : memref<1x80xi32, #tpu.memory_space<vmem>> -> memref<80xi32, #tpu.memory_space<vmem>>
      %dma_start3A_1086 = arith.constant 0 : i32
      %dma_start3A_1087 = arith.constant 0 : i32
      %dma_start3A_1088 = tpu.memref_slice %arg2[%dma_start3A_1086, %dma_start3A_1087] : memref<10000x128xf32, #tpu.memory_space<hbm>> -> memref<10000x128xf32, #tpu.memory_space<hbm>>
      tpu.enqueue_indirect_dma source(%dma_start3A_1088 : memref<10000x128xf32, #tpu.memory_space<hbm>>) target(%arg6 : memref<80x128xf32, #tpu.memory_space<vmem>>) offsets(%dma_start3A_1085 : memref<80xi32, #tpu.memory_space<vmem>>) semaphore(%arg12 : memref<!tpu.dma_semaphore, #tpu.memory_space<semaphore_mem>>)
    }
    %scan3A_471 = arith.constant 40 : i32
    %dma_wait3A_472 = arith.constant 2 : i32
    %dma_wait3A_473 = arith.constant 0 : i32
    %dma_wait3A_474 = tpu.memref_slice %arg9[%dma_wait3A_472, %dma_wait3A_473] : memref<3x80xi32, #tpu.memory_space<vmem>> -> memref<1x80xi32, #tpu.memory_space<vmem>>
    %dma_wait3A_475 = tpu.memref_squeeze %dma_wait3A_474 : memref<1x80xi32, #tpu.memory_space<vmem>> -> memref<80xi32, #tpu.memory_space<vmem>>
    %dma_wait3A_476 = arith.constant 0 : i32
    %dma_wait3A_477 = arith.constant 0 : i32
    %dma_wait3A_478 = tpu.memref_slice %arg2[%dma_wait3A_476, %dma_wait3A_477] : memref<10000x128xf32, #tpu.memory_space<hbm>> -> memref<10000x128xf32, #tpu.memory_space<hbm>>
    tpu.wait_indirect_dma semaphore(%arg14 : memref<!tpu.dma_semaphore, #tpu.memory_space<semaphore_mem>>) src(%dma_wait3A_478 : memref<10000x128xf32, #tpu.memory_space<hbm>>) dst(%arg8 : memref<80x128xf32, #tpu.memory_space<vmem>>)
    %dma_start3A_479 = arith.constant 2 : i32
    %dma_start3A_480 = arith.constant 0 : i32
    %dma_start3A_481 = tpu.memref_slice %arg10[%dma_start3A_479, %dma_start3A_480] : memref<3x80xi32, #tpu.memory_space<vmem>> -> memref<1x80xi32, #tpu.memory_space<vmem>>
    %dma_start3A_482 = tpu.memref_squeeze %dma_start3A_481 : memref<1x80xi32, #tpu.memory_space<vmem>> -> memref<80xi32, #tpu.memory_space<vmem>>
    %dma_start3A_483 = arith.constant 0 : i32
    %dma_start3A_484 = arith.constant 0 : i32
    %dma_start3A_485 = tpu.memref_slice %arg11[%dma_start3A_483, %dma_start3A_484] : memref<10240x128xf32, #tpu.memory_space<vmem_shared>> -> memref<10240x128xf32, #tpu.memory_space<vmem_shared>>
    tpu.enqueue_indirect_dma source(%arg8 : memref<80x128xf32, #tpu.memory_space<vmem>>) target(%dma_start3A_485 : memref<10240x128xf32, #tpu.memory_space<vmem_shared>>) offsets(%dma_start3A_482 : memref<80xi32, #tpu.memory_space<vmem>>) semaphore(%arg17 : memref<!tpu.dma_semaphore, #tpu.memory_space<semaphore_mem>>) {add = true}
    %dma_wait3A_486 = arith.constant 1 : i32
    %dma_wait3A_487 = arith.constant 0 : i32
    %dma_wait3A_488 = tpu.memref_slice %arg10[%dma_wait3A_486, %dma_wait3A_487] : memref<3x80xi32, #tpu.memory_space<vmem>> -> memref<1x80xi32, #tpu.memory_space<vmem>>
    %dma_wait3A_489 = tpu.memref_squeeze %dma_wait3A_488 : memref<1x80xi32, #tpu.memory_space<vmem>> -> memref<80xi32, #tpu.memory_space<vmem>>
    %dma_wait3A_490 = arith.constant 0 : i32
    %dma_wait3A_491 = arith.constant 0 : i32
    %dma_wait3A_492 = tpu.memref_slice %arg11[%dma_wait3A_490, %dma_wait3A_491] : memref<10240x128xf32, #tpu.memory_space<vmem_shared>> -> memref<10240x128xf32, #tpu.memory_space<vmem_shared>>
    tpu.wait_indirect_dma semaphore(%arg16 : memref<!tpu.dma_semaphore, #tpu.memory_space<semaphore_mem>>) src(%arg7 : memref<80x128xf32, #tpu.memory_space<vmem>>) dst(%dma_wait3A_492 : memref<10240x128xf32, #tpu.memory_space<vmem_shared>>)
    %get3A_493 = arith.constant 9920 : index
    %get3A_494 = tpu.vector_load %arg5[%get3A_493] {strides = array<i32>} : memref<10000xi32, #tpu.memory_space<vmem>>, vector<16xi32>,
    %get3A_495 = vector.shape_cast %get3A_494 : vector<16xi32> to vector<16xi32>
    %and3A_496 = arith.andi %get3A_495, %broadcast_in_dim3A_28 : vector<16xi32>
    %swap3A_497 = arith.constant 1 : i32
    %swap3A_498 = arith.index_cast %swap3A_497 : i32 to index
    %swap3A_499 = arith.constant 0 : index
    %swap3A_500 = tpu.vector_load %arg9[%swap3A_498, %swap3A_499] {strides = array<i32>} : memref<3x80xi32, #tpu.memory_space<vmem>>, vector<1x16xi32>,
    %swap3A_501 = vector.shape_cast %swap3A_500 : vector<1x16xi32> to vector<16xi32>
    %swap3A_502 = vector.shape_cast %and3A_496 : vector<16xi32> to vector<1x16xi32>
    tpu.vector_store %arg9[%swap3A_498, %swap3A_499], %swap3A_502 {strides = array<i32>} : memref<3x80xi32, #tpu.memory_space<vmem>>, vector<1x16xi32>,
    %shift_right_logical3A_503 = arith.constant 16 : i32
    %shift_right_logical3A_504 = vector.broadcast %shift_right_logical3A_503 : i32 to vector<16xi32>
    %shift_right_logical3A_505 = arith.shrui %get3A_495, %shift_right_logical3A_504 : vector<16xi32>
    %swap3A_506 = arith.constant 1 : i32
    %swap3A_507 = arith.index_cast %swap3A_506 : i32 to index
    %swap3A_508 = arith.constant 0 : index
    %swap3A_509 = tpu.vector_load %arg10[%swap3A_507, %swap3A_508] {strides = array<i32>} : memref<3x80xi32, #tpu.memory_space<vmem>>, vector<1x16xi32>,
    %swap3A_510 = vector.shape_cast %swap3A_509 : vector<1x16xi32> to vector<16xi32>
    %swap3A_511 = vector.shape_cast %shift_right_logical3A_505 : vector<16xi32> to vector<1x16xi32>
    tpu.vector_store %arg10[%swap3A_507, %swap3A_508], %swap3A_511 {strides = array<i32>} : memref<3x80xi32, #tpu.memory_space<vmem>>, vector<1x16xi32>,
    %get3A_512 = arith.constant 9936 : index
    %get3A_513 = tpu.vector_load %arg5[%get3A_512] {strides = array<i32>} : memref<10000xi32, #tpu.memory_space<vmem>>, vector<16xi32>,
    %get3A_514 = vector.shape_cast %get3A_513 : vector<16xi32> to vector<16xi32>
    %and3A_515 = arith.andi %get3A_514, %broadcast_in_dim3A_28 : vector<16xi32>
    %swap3A_516 = arith.constant 1 : i32
    %swap3A_517 = arith.index_cast %swap3A_516 : i32 to index
    %swap3A_518 = arith.constant 16 : index
    %swap3A_519 = tpu.vector_load %arg9[%swap3A_517, %swap3A_518] {strides = array<i32>} : memref<3x80xi32, #tpu.memory_space<vmem>>, vector<1x16xi32>,
    %swap3A_520 = vector.shape_cast %swap3A_519 : vector<1x16xi32> to vector<16xi32>
    %swap3A_521 = vector.shape_cast %and3A_515 : vector<16xi32> to vector<1x16xi32>
    tpu.vector_store %arg9[%swap3A_517, %swap3A_518], %swap3A_521 {strides = array<i32>} : memref<3x80xi32, #tpu.memory_space<vmem>>, vector<1x16xi32>,
    %shift_right_logical3A_522 = arith.constant 16 : i32
    %shift_right_logical3A_523 = vector.broadcast %shift_right_logical3A_522 : i32 to vector<16xi32>
    %shift_right_logical3A_524 = arith.shrui %get3A_514, %shift_right_logical3A_523 : vector<16xi32>
    %swap3A_525 = arith.constant 1 : i32
    %swap3A_526 = arith.index_cast %swap3A_525 : i32 to index
    %swap3A_527 = arith.constant 16 : index
    %swap3A_528 = tpu.vector_load %arg10[%swap3A_526, %swap3A_527] {strides = array<i32>} : memref<3x80xi32, #tpu.memory_space<vmem>>, vector<1x16xi32>,
    %swap3A_529 = vector.shape_cast %swap3A_528 : vector<1x16xi32> to vector<16xi32>
    %swap3A_530 = vector.shape_cast %shift_right_logical3A_524 : vector<16xi32> to vector<1x16xi32>
    tpu.vector_store %arg10[%swap3A_526, %swap3A_527], %swap3A_530 {strides = array<i32>} : memref<3x80xi32, #tpu.memory_space<vmem>>, vector<1x16xi32>,
    %get3A_531 = arith.constant 9952 : index
    %get3A_532 = tpu.vector_load %arg5[%get3A_531] {strides = array<i32>} : memref<10000xi32, #tpu.memory_space<vmem>>, vector<16xi32>,
    %get3A_533 = vector.shape_cast %get3A_532 : vector<16xi32> to vector<16xi32>
    %and3A_534 = arith.andi %get3A_533, %broadcast_in_dim3A_28 : vector<16xi32>
    %swap3A_535 = arith.constant 1 : i32
    %swap3A_536 = arith.index_cast %swap3A_535 : i32 to index
    %swap3A_537 = arith.constant 32 : index
    %swap3A_538 = tpu.vector_load %arg9[%swap3A_536, %swap3A_537] {strides = array<i32>} : memref<3x80xi32, #tpu.memory_space<vmem>>, vector<1x16xi32>,
    %swap3A_539 = vector.shape_cast %swap3A_538 : vector<1x16xi32> to vector<16xi32>
    %swap3A_540 = vector.shape_cast %and3A_534 : vector<16xi32> to vector<1x16xi32>
    tpu.vector_store %arg9[%swap3A_536, %swap3A_537], %swap3A_540 {strides = array<i32>} : memref<3x80xi32, #tpu.memory_space<vmem>>, vector<1x16xi32>,
    %shift_right_logical3A_541 = arith.constant 16 : i32
    %shift_right_logical3A_542 = vector.broadcast %shift_right_logical3A_541 : i32 to vector<16xi32>
    %shift_right_logical3A_543 = arith.shrui %get3A_533, %shift_right_logical3A_542 : vector<16xi32>
    %swap3A_544 = arith.constant 1 : i32
    %swap3A_545 = arith.index_cast %swap3A_544 : i32 to index
    %swap3A_546 = arith.constant 32 : index
    %swap3A_547 = tpu.vector_load %arg10[%swap3A_545, %swap3A_546] {strides = array<i32>} : memref<3x80xi32, #tpu.memory_space<vmem>>, vector<1x16xi32>,
    %swap3A_548 = vector.shape_cast %swap3A_547 : vector<1x16xi32> to vector<16xi32>
    %swap3A_549 = vector.shape_cast %shift_right_logical3A_543 : vector<16xi32> to vector<1x16xi32>
    tpu.vector_store %arg10[%swap3A_545, %swap3A_546], %swap3A_549 {strides = array<i32>} : memref<3x80xi32, #tpu.memory_space<vmem>>, vector<1x16xi32>,
    %get3A_550 = arith.constant 9968 : index
    %get3A_551 = tpu.vector_load %arg5[%get3A_550] {strides = array<i32>} : memref<10000xi32, #tpu.memory_space<vmem>>, vector<16xi32>,
    %get3A_552 = vector.shape_cast %get3A_551 : vector<16xi32> to vector<16xi32>
    %and3A_553 = arith.andi %get3A_552, %broadcast_in_dim3A_28 : vector<16xi32>
    %swap3A_554 = arith.constant 1 : i32
    %swap3A_555 = arith.index_cast %swap3A_554 : i32 to index
    %swap3A_556 = arith.constant 48 : index
    %swap3A_557 = tpu.vector_load %arg9[%swap3A_555, %swap3A_556] {strides = array<i32>} : memref<3x80xi32, #tpu.memory_space<vmem>>, vector<1x16xi32>,
    %swap3A_558 = vector.shape_cast %swap3A_557 : vector<1x16xi32> to vector<16xi32>
    %swap3A_559 = vector.shape_cast %and3A_553 : vector<16xi32> to vector<1x16xi32>
    tpu.vector_store %arg9[%swap3A_555, %swap3A_556], %swap3A_559 {strides = array<i32>} : memref<3x80xi32, #tpu.memory_space<vmem>>, vector<1x16xi32>,
    %shift_right_logical3A_560 = arith.constant 16 : i32
    %shift_right_logical3A_561 = vector.broadcast %shift_right_logical3A_560 : i32 to vector<16xi32>
    %shift_right_logical3A_562 = arith.shrui %get3A_552, %shift_right_logical3A_561 : vector<16xi32>
    %swap3A_563 = arith.constant 1 : i32
    %swap3A_564 = arith.index_cast %swap3A_563 : i32 to index
    %swap3A_565 = arith.constant 48 : index
    %swap3A_566 = tpu.vector_load %arg10[%swap3A_564, %swap3A_565] {strides = array<i32>} : memref<3x80xi32, #tpu.memory_space<vmem>>, vector<1x16xi32>,
    %swap3A_567 = vector.shape_cast %swap3A_566 : vector<1x16xi32> to vector<16xi32>
    %swap3A_568 = vector.shape_cast %shift_right_logical3A_562 : vector<16xi32> to vector<1x16xi32>
    tpu.vector_store %arg10[%swap3A_564, %swap3A_565], %swap3A_568 {strides = array<i32>} : memref<3x80xi32, #tpu.memory_space<vmem>>, vector<1x16xi32>,
    %get3A_569 = arith.constant 9984 : index
    %get3A_570 = tpu.vector_load %arg5[%get3A_569] {strides = array<i32>} : memref<10000xi32, #tpu.memory_space<vmem>>, vector<16xi32>,
    %get3A_571 = vector.shape_cast %get3A_570 : vector<16xi32> to vector<16xi32>
    %and3A_572 = arith.andi %get3A_571, %broadcast_in_dim3A_28 : vector<16xi32>
    %swap3A_573 = arith.constant 1 : i32
    %swap3A_574 = arith.index_cast %swap3A_573 : i32 to index
    %swap3A_575 = arith.constant 64 : index
    %swap3A_576 = tpu.vector_load %arg9[%swap3A_574, %swap3A_575] {strides = array<i32>} : memref<3x80xi32, #tpu.memory_space<vmem>>, vector<1x16xi32>,
    %swap3A_577 = vector.shape_cast %swap3A_576 : vector<1x16xi32> to vector<16xi32>
    %swap3A_578 = vector.shape_cast %and3A_572 : vector<16xi32> to vector<1x16xi32>
    tpu.vector_store %arg9[%swap3A_574, %swap3A_575], %swap3A_578 {strides = array<i32>} : memref<3x80xi32, #tpu.memory_space<vmem>>, vector<1x16xi32>,
    %shift_right_logical3A_579 = arith.constant 16 : i32
    %shift_right_logical3A_580 = vector.broadcast %shift_right_logical3A_579 : i32 to vector<16xi32>
    %shift_right_logical3A_581 = arith.shrui %get3A_571, %shift_right_logical3A_580 : vector<16xi32>
    %swap3A_582 = arith.constant 1 : i32
    %swap3A_583 = arith.index_cast %swap3A_582 : i32 to index
    %swap3A_584 = arith.constant 64 : index
    %swap3A_585 = tpu.vector_load %arg10[%swap3A_583, %swap3A_584] {strides = array<i32>} : memref<3x80xi32, #tpu.memory_space<vmem>>, vector<1x16xi32>,
    %swap3A_586 = vector.shape_cast %swap3A_585 : vector<1x16xi32> to vector<16xi32>
    %swap3A_587 = vector.shape_cast %shift_right_logical3A_581 : vector<16xi32> to vector<1x16xi32>
    tpu.vector_store %arg10[%swap3A_583, %swap3A_584], %swap3A_587 {strides = array<i32>} : memref<3x80xi32, #tpu.memory_space<vmem>>, vector<1x16xi32>,
    %dma_start3A_588 = arith.constant 1 : i32
    %dma_start3A_589 = arith.constant 0 : i32
    %dma_start3A_590 = tpu.memref_slice %arg9[%dma_start3A_588, %dma_start3A_589] : memref<3x80xi32, #tpu.memory_space<vmem>> -> memref<1x80xi32, #tpu.memory_space<vmem>>
    %dma_start3A_591 = tpu.memref_squeeze %dma_start3A_590 : memref<1x80xi32, #tpu.memory_space<vmem>> -> memref<80xi32, #tpu.memory_space<vmem>>
    %dma_start3A_592 = arith.constant 0 : i32
    %dma_start3A_593 = arith.constant 0 : i32
    %dma_start3A_594 = tpu.memref_slice %arg2[%dma_start3A_592, %dma_start3A_593] : memref<10000x128xf32, #tpu.memory_space<hbm>> -> memref<10000x128xf32, #tpu.memory_space<hbm>>
    tpu.enqueue_indirect_dma source(%dma_start3A_594 : memref<10000x128xf32, #tpu.memory_space<hbm>>) target(%arg7 : memref<80x128xf32, #tpu.memory_space<vmem>>) offsets(%dma_start3A_591 : memref<80xi32, #tpu.memory_space<vmem>>) semaphore(%arg13 : memref<!tpu.dma_semaphore, #tpu.memory_space<semaphore_mem>>)
    %dma_wait3A_595 = arith.constant 0 : i32
    %dma_wait3A_596 = arith.constant 0 : i32
    %dma_wait3A_597 = tpu.memref_slice %arg9[%dma_wait3A_595, %dma_wait3A_596] : memref<3x80xi32, #tpu.memory_space<vmem>> -> memref<1x80xi32, #tpu.memory_space<vmem>>
    %dma_wait3A_598 = tpu.memref_squeeze %dma_wait3A_597 : memref<1x80xi32, #tpu.memory_space<vmem>> -> memref<80xi32, #tpu.memory_space<vmem>>
    %dma_wait3A_599 = arith.constant 0 : i32
    %dma_wait3A_600 = arith.constant 0 : i32
    %dma_wait3A_601 = tpu.memref_slice %arg2[%dma_wait3A_599, %dma_wait3A_600] : memref<10000x128xf32, #tpu.memory_space<hbm>> -> memref<10000x128xf32, #tpu.memory_space<hbm>>
    tpu.wait_indirect_dma semaphore(%arg12 : memref<!tpu.dma_semaphore, #tpu.memory_space<semaphore_mem>>) src(%dma_wait3A_601 : memref<10000x128xf32, #tpu.memory_space<hbm>>) dst(%arg6 : memref<80x128xf32, #tpu.memory_space<vmem>>)
    %dma_start3A_602 = arith.constant 0 : i32
    %dma_start3A_603 = arith.constant 0 : i32
    %dma_start3A_604 = tpu.memref_slice %arg10[%dma_start3A_602, %dma_start3A_603] : memref<3x80xi32, #tpu.memory_space<vmem>> -> memref<1x80xi32, #tpu.memory_space<vmem>>
    %dma_start3A_605 = tpu.memref_squeeze %dma_start3A_604 : memref<1x80xi32, #tpu.memory_space<vmem>> -> memref<80xi32, #tpu.memory_space<vmem>>
    %dma_start3A_606 = arith.constant 0 : i32
    %dma_start3A_607 = arith.constant 0 : i32
    %dma_start3A_608 = tpu.memref_slice %arg11[%dma_start3A_606, %dma_start3A_607] : memref<10240x128xf32, #tpu.memory_space<vmem_shared>> -> memref<10240x128xf32, #tpu.memory_space<vmem_shared>>
    tpu.enqueue_indirect_dma source(%arg6 : memref<80x128xf32, #tpu.memory_space<vmem>>) target(%dma_start3A_608 : memref<10240x128xf32, #tpu.memory_space<vmem_shared>>) offsets(%dma_start3A_605 : memref<80xi32, #tpu.memory_space<vmem>>) semaphore(%arg15 : memref<!tpu.dma_semaphore, #tpu.memory_space<semaphore_mem>>) {add = true}
    %dma_wait3A_609 = arith.constant 2 : i32
    %dma_wait3A_610 = arith.constant 0 : i32
    %dma_wait3A_611 = tpu.memref_slice %arg10[%dma_wait3A_609, %dma_wait3A_610] : memref<3x80xi32, #tpu.memory_space<vmem>> -> memref<1x80xi32, #tpu.memory_space<vmem>>
    %dma_wait3A_612 = tpu.memref_squeeze %dma_wait3A_611 : memref<1x80xi32, #tpu.memory_space<vmem>> -> memref<80xi32, #tpu.memory_space<vmem>>
    %dma_wait3A_613 = arith.constant 0 : i32
    %dma_wait3A_614 = arith.constant 0 : i32
    %dma_wait3A_615 = tpu.memref_slice %arg11[%dma_wait3A_613, %dma_wait3A_614] : memref<10240x128xf32, #tpu.memory_space<vmem_shared>> -> memref<10240x128xf32, #tpu.memory_space<vmem_shared>>
    tpu.wait_indirect_dma semaphore(%arg17 : memref<!tpu.dma_semaphore, #tpu.memory_space<semaphore_mem>>) src(%arg8 : memref<80x128xf32, #tpu.memory_space<vmem>>) dst(%dma_wait3A_615 : memref<10240x128xf32, #tpu.memory_space<vmem_shared>>)
    %dma_wait3A_616 = arith.constant 1 : i32
    %dma_wait3A_617 = arith.constant 0 : i32
    %dma_wait3A_618 = tpu.memref_slice %arg9[%dma_wait3A_616, %dma_wait3A_617] : memref<3x80xi32, #tpu.memory_space<vmem>> -> memref<1x80xi32, #tpu.memory_space<vmem>>
    %dma_wait3A_619 = tpu.memref_squeeze %dma_wait3A_618 : memref<1x80xi32, #tpu.memory_space<vmem>> -> memref<80xi32, #tpu.memory_space<vmem>>
    %dma_wait3A_620 = arith.constant 0 : i32
    %dma_wait3A_621 = arith.constant 0 : i32
    %dma_wait3A_622 = tpu.memref_slice %arg2[%dma_wait3A_620, %dma_wait3A_621] : memref<10000x128xf32, #tpu.memory_space<hbm>> -> memref<10000x128xf32, #tpu.memory_space<hbm>>
    tpu.wait_indirect_dma semaphore(%arg13 : memref<!tpu.dma_semaphore, #tpu.memory_space<semaphore_mem>>) src(%dma_wait3A_622 : memref<10000x128xf32, #tpu.memory_space<hbm>>) dst(%arg7 : memref<80x128xf32, #tpu.memory_space<vmem>>)
    %run_scoped3A = arith.constant 1 : i32
    "tpu.region"() ({
      %run_scoped3A_631 = tpu.sem_alloc : memref<!tpu.dma_semaphore, #tpu.memory_space<semaphore_mem>>
      %dma_start3A_632 = arith.constant 0 : i32
      %dma_start3A_633 = tpu.memref_slice %arg10[%run_scoped3A, %dma_start3A_632] : memref<3x80xi32, #tpu.memory_space<vmem>> -> memref<1x80xi32, #tpu.memory_space<vmem>>
      %dma_start3A_634 = tpu.memref_squeeze %dma_start3A_633 : memref<1x80xi32, #tpu.memory_space<vmem>> -> memref<80xi32, #tpu.memory_space<vmem>>
      %dma_start3A_635 = arith.constant 0 : i32
      %dma_start3A_636 = arith.constant 0 : i32
      %dma_start3A_637 = tpu.memref_slice %arg11[%dma_start3A_635, %dma_start3A_636] : memref<10240x128xf32, #tpu.memory_space<vmem_shared>> -> memref<10240x128xf32, #tpu.memory_space<vmem_shared>>
      tpu.enqueue_indirect_dma source(%arg7 : memref<80x128xf32, #tpu.memory_space<vmem>>) target(%dma_start3A_637 : memref<10240x128xf32, #tpu.memory_space<vmem_shared>>) offsets(%dma_start3A_634 : memref<80xi32, #tpu.memory_space<vmem>>) semaphore(%run_scoped3A_631 : memref<!tpu.dma_semaphore, #tpu.memory_space<semaphore_mem>>) {add = true}
      %dma_wait3A_638 = arith.constant 0 : i32
      %dma_wait3A_639 = tpu.memref_slice %arg10[%run_scoped3A, %dma_wait3A_638] : memref<3x80xi32, #tpu.memory_space<vmem>> -> memref<1x80xi32, #tpu.memory_space<vmem>>
      %dma_wait3A_640 = tpu.memref_squeeze %dma_wait3A_639 : memref<1x80xi32, #tpu.memory_space<vmem>> -> memref<80xi32, #tpu.memory_space<vmem>>
      %dma_wait3A_641 = arith.constant 0 : i32
      %dma_wait3A_642 = arith.constant 0 : i32
      %dma_wait3A_643 = tpu.memref_slice %arg11[%dma_wait3A_641, %dma_wait3A_642] : memref<10240x128xf32, #tpu.memory_space<vmem_shared>> -> memref<10240x128xf32, #tpu.memory_space<vmem_shared>>
      tpu.wait_indirect_dma semaphore(%run_scoped3A_631 : memref<!tpu.dma_semaphore, #tpu.memory_space<semaphore_mem>>) src(%arg7 : memref<80x128xf32, #tpu.memory_space<vmem>>) dst(%dma_wait3A_643 : memref<10240x128xf32, #tpu.memory_space<vmem_shared>>)
      tpu.yield
    }) : () -> ()
    %dma_wait3A_623 = arith.constant 0 : i32
    %dma_wait3A_624 = arith.constant 0 : i32
    %dma_wait3A_625 = tpu.memref_slice %arg10[%dma_wait3A_623, %dma_wait3A_624] : memref<3x80xi32, #tpu.memory_space<vmem>> -> memref<1x80xi32, #tpu.memory_space<vmem>>
    %dma_wait3A_626 = tpu.memref_squeeze %dma_wait3A_625 : memref<1x80xi32, #tpu.memory_space<vmem>> -> memref<80xi32, #tpu.memory_space<vmem>>
    %dma_wait3A_627 = arith.constant 0 : i32
    %dma_wait3A_628 = arith.constant 0 : i32
    %dma_wait3A_629 = tpu.memref_slice %arg11[%dma_wait3A_627, %dma_wait3A_628] : memref<10240x128xf32, #tpu.memory_space<vmem_shared>> -> memref<10240x128xf32, #tpu.memory_space<vmem_shared>>
    tpu.wait_indirect_dma semaphore(%arg15 : memref<!tpu.dma_semaphore, #tpu.memory_space<semaphore_mem>>) src(%arg6 : memref<80x128xf32, #tpu.memory_space<vmem>>) dst(%dma_wait3A_629 : memref<10240x128xf32, #tpu.memory_space<vmem_shared>>)
    %barrier3A_630 = arith.constant 0 : index
    tpu.barrier barrier_id(%barrier3A_630)
    "tpu.region"() ({
      %run_scoped3A_631 = tpu.sem_alloc : memref<!tpu.dma_semaphore, #tpu.memory_space<semaphore_mem>>
      %dma_start3A_632 = arith.constant 0 : i32
      %dma_start3A_633 = tpu.memref_slice %arg4[%arg0, %mul3A_8, %dma_start3A_632] : memref<2x10240x128xf32, #tpu.memory_space<hbm>> -> memref<1x640x128xf32, #tpu.memory_space<hbm>>
      %dma_start3A_634 = tpu.memref_squeeze %dma_start3A_633 : memref<1x640x128xf32, #tpu.memory_space<hbm>> -> memref<640x128xf32, #tpu.memory_space<hbm>>
      %dma_start3A_635 = arith.constant 0 : i32
      %dma_start3A_636 = tpu.memref_slice %arg11[%mul3A_8, %dma_start3A_635] : memref<10240x128xf32, #tpu.memory_space<vmem_shared>> -> memref<640x128xf32, #tpu.memory_space<vmem_shared>>
      tpu.enqueue_dma source(%dma_start3A_636 : memref<640x128xf32, #tpu.memory_space<vmem_shared>>) target(%dma_start3A_634 : memref<640x128xf32, #tpu.memory_space<hbm>>) target_semaphore(%run_scoped3A_631 : memref<!tpu.dma_semaphore, #tpu.memory_space<semaphore_mem>>)
      %dma_wait3A_637 = arith.constant 0 : i32
      %dma_wait3A_638 = tpu.memref_slice %arg4[%arg0, %mul3A_8, %dma_wait3A_637] : memref<2x10240x128xf32, #tpu.memory_space<hbm>> -> memref<1x640x128xf32, #tpu.memory_space<hbm>>
      %dma_wait3A_639 = tpu.memref_squeeze %dma_wait3A_638 : memref<1x640x128xf32, #tpu.memory_space<hbm>> -> memref<640x128xf32, #tpu.memory_space<hbm>>
      %dma_wait3A_640 = arith.constant 0 : i32
      %dma_wait3A_641 = tpu.memref_slice %arg11[%mul3A_8, %dma_wait3A_640] : memref<10240x128xf32, #tpu.memory_space<vmem_shared>> -> memref<640x128xf32, #tpu.memory_space<vmem_shared>>
      tpu.wait_dma2 semaphore(%run_scoped3A_631 : memref<!tpu.dma_semaphore, #tpu.memory_space<semaphore_mem>>) src(%dma_wait3A_641 : memref<640x128xf32, #tpu.memory_space<vmem_shared>>) dst(%dma_wait3A_639 : memref<640x128xf32, #tpu.memory_space<hbm>>)
      tpu.yield
    }) : () -> ()
    return
  }
}

#map = affine_map<(d0, d1) -> (0)>
#map1 = affine_map<(d0, d1) -> (0, 0, 0)>
module attributes {stable_mosaic.version = 14 : i64} {
  func.func @_sc_cnt_body(%arg0: i32, %arg1: i32, %arg2: memref<320000xi32, #tpu.memory_space<hbm>>, %arg3: memref<2x10240x16xf32, #tpu.memory_space<hbm>>, %arg4: memref<10000xi32, #tpu.memory_space<vmem>>, %arg5: memref<80x16xf32, #tpu.memory_space<vmem>>, %arg6: memref<128x16xf32, #tpu.memory_space<vmem>>, %arg7: memref<3x80xi32, #tpu.memory_space<vmem>>, %arg8: memref<10240x16xf32, #tpu.memory_space<vmem_shared>>, %arg9: memref<!tpu.dma_semaphore, #tpu.memory_space<semaphore_mem>>, %arg10: memref<!tpu.dma_semaphore, #tpu.memory_space<semaphore_mem>>, %arg11: memref<!tpu.dma_semaphore, #tpu.memory_space<semaphore_mem>>) attributes {dimension_semantics = [#tpu.dimension_semantics<core_parallel>, #tpu.dimension_semantics<subcore_parallel>], iteration_bounds = array<i64: 2, 16>, scalar_prefetch = 0 : i64, scratch_operands = 8 : i64, tpu.core_type = #tpu.core_type<sc_vector_subcore>, window_params = [{transform_indices = #map}, {transform_indices = #map1}]} {
    %mul3A = arith.constant 2 : i32
    %mul3A_0 = arith.muli %arg1, %mul3A : i32
    %add3A = arith.addi %mul3A_0, %arg0 : i32
    %broadcast_in_dim3A = arith.constant 0.000000e+00 : f32
    %broadcast_in_dim3A_1 = vector.broadcast %broadcast_in_dim3A : f32 to vector<16xf32>
    %iota3A = tpu.iota {dimensions = array<i32: 0>} : vector<16xi32>
    %eq3A = arith.constant 0 : i32
    %eq3A_2 = vector.broadcast %eq3A : i32 to vector<16xi32>
    %eq3A_3 = arith.cmpi eq, %iota3A, %eq3A_2 : vector<16xi32>
    %jit3A = arith.constant 1.000000e+00 : f32
    %jit3A_4 = arith.constant 0.000000e+00 : f32
    %broadcast_in_dim3A_5 = vector.broadcast %jit3A : f32 to vector<16xf32>
    %broadcast_in_dim3A_6 = vector.broadcast %jit3A_4 : f32 to vector<16xf32>
    %select_n3A = arith.select %eq3A_3, %broadcast_in_dim3A_5, %broadcast_in_dim3A_6 : vector<16xi1>, vector<16xf32>
    %scan3A = arith.constant 0 : i32
    %scan3A_7 = arith.constant 0 : i32
    %scan3A_8 = arith.constant 128 : i32
    %scan3A_9 = arith.addi %scan3A_7, %scan3A_8 : i32
    %scan3A_10 = arith.constant 1 : i32
    scf.for %scan3A_182 = %scan3A_7 to %scan3A_9 step %scan3A_10  : i32 {
      %swap3A_183 = arith.index_cast %scan3A_182 : i32 to index
      %swap3A_184 = arith.constant 0 : index
      %swap3A_185 = tpu.vector_load %arg6[%swap3A_183, %swap3A_184] {strides = array<i32>} : memref<128x16xf32, #tpu.memory_space<vmem>>, vector<1x16xf32>,
      %swap3A_186 = vector.shape_cast %swap3A_185 : vector<1x16xf32> to vector<16xf32>
      %swap3A_187 = vector.shape_cast %broadcast_in_dim3A_1 : vector<16xf32> to vector<1x16xf32>
      tpu.vector_store %arg6[%swap3A_183, %swap3A_184], %swap3A_187 {strides = array<i32>} : memref<128x16xf32, #tpu.memory_space<vmem>>, vector<1x16xf32>,
    }
    %scan3A_11 = arith.constant 128 : i32
    %scan3A_12 = arith.constant 0 : i32
    %scan3A_13 = arith.constant 0 : i32
    %scan3A_14 = arith.constant 80 : i32
    %scan3A_15 = arith.addi %scan3A_13, %scan3A_14 : i32
    %scan3A_16 = arith.constant 1 : i32
    scf.for %scan3A_182 = %scan3A_13 to %scan3A_15 step %scan3A_16  : i32 {
      %swap3A_183 = arith.index_cast %scan3A_182 : i32 to index
      %swap3A_184 = arith.constant 0 : index
      %swap3A_185 = tpu.vector_load %arg5[%swap3A_183, %swap3A_184] {strides = array<i32>} : memref<80x16xf32, #tpu.memory_space<vmem>>, vector<1x16xf32>,
      %swap3A_186 = vector.shape_cast %swap3A_185 : vector<1x16xf32> to vector<16xf32>
      %swap3A_187 = vector.shape_cast %select_n3A : vector<16xf32> to vector<1x16xf32>
      tpu.vector_store %arg5[%swap3A_183, %swap3A_184], %swap3A_187 {strides = array<i32>} : memref<80x16xf32, #tpu.memory_space<vmem>>, vector<1x16xf32>,
    }
    %scan3A_17 = arith.constant 80 : i32
    %mul3A_18 = arith.constant 640 : i32
    %mul3A_19 = arith.muli %arg1, %mul3A_18 : i32
    %add3A_20 = arith.constant 0 : i32
    %add3A_21 = arith.addi %mul3A_19, %add3A_20 : i32
    "tpu.region"() ({
      %run_scoped3A = tpu.sem_alloc : memref<!tpu.dma_semaphore, #tpu.memory_space<semaphore_mem>>
      %dma_start3A_182 = arith.constant 0 : i32
      %dma_start3A_183 = tpu.memref_slice %arg8[%add3A_21, %dma_start3A_182] : memref<10240x16xf32, #tpu.memory_space<vmem_shared>> -> memref<128x16xf32, #tpu.memory_space<vmem_shared>>
      %dma_start3A_184 = arith.constant 0 : i32
      %dma_start3A_185 = tpu.memref_slice %arg8[%add3A_21, %dma_start3A_184] : memref<10240x16xf32, #tpu.memory_space<vmem_shared>> -> memref<128x16xf32, #tpu.memory_space<vmem_shared>>
      tpu.enqueue_dma source(%arg6 : memref<128x16xf32, #tpu.memory_space<vmem>>) target(%dma_start3A_185 : memref<128x16xf32, #tpu.memory_space<vmem_shared>>) target_semaphore(%run_scoped3A : memref<!tpu.dma_semaphore, #tpu.memory_space<semaphore_mem>>)
      %dma_wait3A_186 = arith.constant 0 : i32
      %dma_wait3A_187 = tpu.memref_slice %arg8[%add3A_21, %dma_wait3A_186] : memref<10240x16xf32, #tpu.memory_space<vmem_shared>> -> memref<128x16xf32, #tpu.memory_space<vmem_shared>>
      %dma_wait3A_188 = arith.constant 0 : i32
      %dma_wait3A_189 = tpu.memref_slice %arg8[%add3A_21, %dma_wait3A_188] : memref<10240x16xf32, #tpu.memory_space<vmem_shared>> -> memref<128x16xf32, #tpu.memory_space<vmem_shared>>
      tpu.wait_dma2 semaphore(%run_scoped3A : memref<!tpu.dma_semaphore, #tpu.memory_space<semaphore_mem>>) src(%arg6 : memref<128x16xf32, #tpu.memory_space<vmem>>) dst(%dma_wait3A_189 : memref<128x16xf32, #tpu.memory_space<vmem_shared>>)
      tpu.yield
    }) : () -> ()
    %add3A_22 = arith.constant 128 : i32
    %add3A_23 = arith.addi %mul3A_19, %add3A_22 : i32
    "tpu.region"() ({
      %run_scoped3A = tpu.sem_alloc : memref<!tpu.dma_semaphore, #tpu.memory_space<semaphore_mem>>
      %dma_start3A_182 = arith.constant 0 : i32
      %dma_start3A_183 = tpu.memref_slice %arg8[%add3A_23, %dma_start3A_182] : memref<10240x16xf32, #tpu.memory_space<vmem_shared>> -> memref<128x16xf32, #tpu.memory_space<vmem_shared>>
      %dma_start3A_184 = arith.constant 0 : i32
      %dma_start3A_185 = tpu.memref_slice %arg8[%add3A_23, %dma_start3A_184] : memref<10240x16xf32, #tpu.memory_space<vmem_shared>> -> memref<128x16xf32, #tpu.memory_space<vmem_shared>>
      tpu.enqueue_dma source(%arg6 : memref<128x16xf32, #tpu.memory_space<vmem>>) target(%dma_start3A_185 : memref<128x16xf32, #tpu.memory_space<vmem_shared>>) target_semaphore(%run_scoped3A : memref<!tpu.dma_semaphore, #tpu.memory_space<semaphore_mem>>)
      %dma_wait3A_186 = arith.constant 0 : i32
      %dma_wait3A_187 = tpu.memref_slice %arg8[%add3A_23, %dma_wait3A_186] : memref<10240x16xf32, #tpu.memory_space<vmem_shared>> -> memref<128x16xf32, #tpu.memory_space<vmem_shared>>
      %dma_wait3A_188 = arith.constant 0 : i32
      %dma_wait3A_189 = tpu.memref_slice %arg8[%add3A_23, %dma_wait3A_188] : memref<10240x16xf32, #tpu.memory_space<vmem_shared>> -> memref<128x16xf32, #tpu.memory_space<vmem_shared>>
      tpu.wait_dma2 semaphore(%run_scoped3A : memref<!tpu.dma_semaphore, #tpu.memory_space<semaphore_mem>>) src(%arg6 : memref<128x16xf32, #tpu.memory_space<vmem>>) dst(%dma_wait3A_189 : memref<128x16xf32, #tpu.memory_space<vmem_shared>>)
      tpu.yield
    }) : () -> ()
    %add3A_24 = arith.constant 256 : i32
    %add3A_25 = arith.addi %mul3A_19, %add3A_24 : i32
    "tpu.region"() ({
      %run_scoped3A = tpu.sem_alloc : memref<!tpu.dma_semaphore, #tpu.memory_space<semaphore_mem>>
      %dma_start3A_182 = arith.constant 0 : i32
      %dma_start3A_183 = tpu.memref_slice %arg8[%add3A_25, %dma_start3A_182] : memref<10240x16xf32, #tpu.memory_space<vmem_shared>> -> memref<128x16xf32, #tpu.memory_space<vmem_shared>>
      %dma_start3A_184 = arith.constant 0 : i32
      %dma_start3A_185 = tpu.memref_slice %arg8[%add3A_25, %dma_start3A_184] : memref<10240x16xf32, #tpu.memory_space<vmem_shared>> -> memref<128x16xf32, #tpu.memory_space<vmem_shared>>
      tpu.enqueue_dma source(%arg6 : memref<128x16xf32, #tpu.memory_space<vmem>>) target(%dma_start3A_185 : memref<128x16xf32, #tpu.memory_space<vmem_shared>>) target_semaphore(%run_scoped3A : memref<!tpu.dma_semaphore, #tpu.memory_space<semaphore_mem>>)
      %dma_wait3A_186 = arith.constant 0 : i32
      %dma_wait3A_187 = tpu.memref_slice %arg8[%add3A_25, %dma_wait3A_186] : memref<10240x16xf32, #tpu.memory_space<vmem_shared>> -> memref<128x16xf32, #tpu.memory_space<vmem_shared>>
      %dma_wait3A_188 = arith.constant 0 : i32
      %dma_wait3A_189 = tpu.memref_slice %arg8[%add3A_25, %dma_wait3A_188] : memref<10240x16xf32, #tpu.memory_space<vmem_shared>> -> memref<128x16xf32, #tpu.memory_space<vmem_shared>>
      tpu.wait_dma2 semaphore(%run_scoped3A : memref<!tpu.dma_semaphore, #tpu.memory_space<semaphore_mem>>) src(%arg6 : memref<128x16xf32, #tpu.memory_space<vmem>>) dst(%dma_wait3A_189 : memref<128x16xf32, #tpu.memory_space<vmem_shared>>)
      tpu.yield
    }) : () -> ()
    %add3A_26 = arith.constant 384 : i32
    %add3A_27 = arith.addi %mul3A_19, %add3A_26 : i32
    "tpu.region"() ({
      %run_scoped3A = tpu.sem_alloc : memref<!tpu.dma_semaphore, #tpu.memory_space<semaphore_mem>>
      %dma_start3A_182 = arith.constant 0 : i32
      %dma_start3A_183 = tpu.memref_slice %arg8[%add3A_27, %dma_start3A_182] : memref<10240x16xf32, #tpu.memory_space<vmem_shared>> -> memref<128x16xf32, #tpu.memory_space<vmem_shared>>
      %dma_start3A_184 = arith.constant 0 : i32
      %dma_start3A_185 = tpu.memref_slice %arg8[%add3A_27, %dma_start3A_184] : memref<10240x16xf32, #tpu.memory_space<vmem_shared>> -> memref<128x16xf32, #tpu.memory_space<vmem_shared>>
      tpu.enqueue_dma source(%arg6 : memref<128x16xf32, #tpu.memory_space<vmem>>) target(%dma_start3A_185 : memref<128x16xf32, #tpu.memory_space<vmem_shared>>) target_semaphore(%run_scoped3A : memref<!tpu.dma_semaphore, #tpu.memory_space<semaphore_mem>>)
      %dma_wait3A_186 = arith.constant 0 : i32
      %dma_wait3A_187 = tpu.memref_slice %arg8[%add3A_27, %dma_wait3A_186] : memref<10240x16xf32, #tpu.memory_space<vmem_shared>> -> memref<128x16xf32, #tpu.memory_space<vmem_shared>>
      %dma_wait3A_188 = arith.constant 0 : i32
      %dma_wait3A_189 = tpu.memref_slice %arg8[%add3A_27, %dma_wait3A_188] : memref<10240x16xf32, #tpu.memory_space<vmem_shared>> -> memref<128x16xf32, #tpu.memory_space<vmem_shared>>
      tpu.wait_dma2 semaphore(%run_scoped3A : memref<!tpu.dma_semaphore, #tpu.memory_space<semaphore_mem>>) src(%arg6 : memref<128x16xf32, #tpu.memory_space<vmem>>) dst(%dma_wait3A_189 : memref<128x16xf32, #tpu.memory_space<vmem_shared>>)
      tpu.yield
    }) : () -> ()
    %add3A_28 = arith.constant 512 : i32
    %add3A_29 = arith.addi %mul3A_19, %add3A_28 : i32
    "tpu.region"() ({
      %run_scoped3A = tpu.sem_alloc : memref<!tpu.dma_semaphore, #tpu.memory_space<semaphore_mem>>
      %dma_start3A_182 = arith.constant 0 : i32
      %dma_start3A_183 = tpu.memref_slice %arg8[%add3A_29, %dma_start3A_182] : memref<10240x16xf32, #tpu.memory_space<vmem_shared>> -> memref<128x16xf32, #tpu.memory_space<vmem_shared>>
      %dma_start3A_184 = arith.constant 0 : i32
      %dma_start3A_185 = tpu.memref_slice %arg8[%add3A_29, %dma_start3A_184] : memref<10240x16xf32, #tpu.memory_space<vmem_shared>> -> memref<128x16xf32, #tpu.memory_space<vmem_shared>>
      tpu.enqueue_dma source(%arg6 : memref<128x16xf32, #tpu.memory_space<vmem>>) target(%dma_start3A_185 : memref<128x16xf32, #tpu.memory_space<vmem_shared>>) target_semaphore(%run_scoped3A : memref<!tpu.dma_semaphore, #tpu.memory_space<semaphore_mem>>)
      %dma_wait3A_186 = arith.constant 0 : i32
      %dma_wait3A_187 = tpu.memref_slice %arg8[%add3A_29, %dma_wait3A_186] : memref<10240x16xf32, #tpu.memory_space<vmem_shared>> -> memref<128x16xf32, #tpu.memory_space<vmem_shared>>
      %dma_wait3A_188 = arith.constant 0 : i32
      %dma_wait3A_189 = tpu.memref_slice %arg8[%add3A_29, %dma_wait3A_188] : memref<10240x16xf32, #tpu.memory_space<vmem_shared>> -> memref<128x16xf32, #tpu.memory_space<vmem_shared>>
      tpu.wait_dma2 semaphore(%run_scoped3A : memref<!tpu.dma_semaphore, #tpu.memory_space<semaphore_mem>>) src(%arg6 : memref<128x16xf32, #tpu.memory_space<vmem>>) dst(%dma_wait3A_189 : memref<128x16xf32, #tpu.memory_space<vmem_shared>>)
      tpu.yield
    }) : () -> ()
    %mul3A_30 = arith.constant 10000 : i32
    %mul3A_31 = arith.muli %add3A, %mul3A_30 : i32
    "tpu.region"() ({
      %run_scoped3A = tpu.sem_alloc : memref<!tpu.dma_semaphore, #tpu.memory_space<semaphore_mem>>
      %dma_start3A_182 = tpu.memref_slice %arg2[%mul3A_31] : memref<320000xi32, #tpu.memory_space<hbm>> -> memref<10000xi32, #tpu.memory_space<hbm>>
      %dma_start3A_183 = tpu.memref_slice %arg2[%mul3A_31] : memref<320000xi32, #tpu.memory_space<hbm>> -> memref<10000xi32, #tpu.memory_space<hbm>>
      tpu.enqueue_dma source(%dma_start3A_183 : memref<10000xi32, #tpu.memory_space<hbm>>) target(%arg4 : memref<10000xi32, #tpu.memory_space<vmem>>) target_semaphore(%run_scoped3A : memref<!tpu.dma_semaphore, #tpu.memory_space<semaphore_mem>>)
      %dma_wait3A_184 = tpu.memref_slice %arg2[%mul3A_31] : memref<320000xi32, #tpu.memory_space<hbm>> -> memref<10000xi32, #tpu.memory_space<hbm>>
      %dma_wait3A_185 = tpu.memref_slice %arg2[%mul3A_31] : memref<320000xi32, #tpu.memory_space<hbm>> -> memref<10000xi32, #tpu.memory_space<hbm>>
      tpu.wait_dma2 semaphore(%run_scoped3A : memref<!tpu.dma_semaphore, #tpu.memory_space<semaphore_mem>>) src(%dma_wait3A_185 : memref<10000xi32, #tpu.memory_space<hbm>>) dst(%arg4 : memref<10000xi32, #tpu.memory_space<vmem>>)
      tpu.yield
    }) : () -> ()
    %barrier3A = arith.constant 0 : index
    tpu.barrier barrier_id(%barrier3A)
    %get3A = arith.constant 0 : index
    %get3A_32 = tpu.vector_load %arg4[%get3A] {strides = array<i32>} : memref<10000xi32, #tpu.memory_space<vmem>>, vector<16xi32>,
    %get3A_33 = vector.shape_cast %get3A_32 : vector<16xi32> to vector<16xi32>
    %shift_right_logical3A = arith.constant 16 : i32
    %shift_right_logical3A_34 = vector.broadcast %shift_right_logical3A : i32 to vector<16xi32>
    %shift_right_logical3A_35 = arith.shrui %get3A_33, %shift_right_logical3A_34 : vector<16xi32>
    %swap3A = arith.constant 0 : i32
    %swap3A_36 = arith.index_cast %swap3A : i32 to index
    %swap3A_37 = arith.constant 0 : index
    %swap3A_38 = tpu.vector_load %arg7[%swap3A_36, %swap3A_37] {strides = array<i32>} : memref<3x80xi32, #tpu.memory_space<vmem>>, vector<1x16xi32>,
    %swap3A_39 = vector.shape_cast %swap3A_38 : vector<1x16xi32> to vector<16xi32>
    %swap3A_40 = vector.shape_cast %shift_right_logical3A_35 : vector<16xi32> to vector<1x16xi32>
    tpu.vector_store %arg7[%swap3A_36, %swap3A_37], %swap3A_40 {strides = array<i32>} : memref<3x80xi32, #tpu.memory_space<vmem>>, vector<1x16xi32>,
    %get3A_41 = arith.constant 16 : index
    %get3A_42 = tpu.vector_load %arg4[%get3A_41] {strides = array<i32>} : memref<10000xi32, #tpu.memory_space<vmem>>, vector<16xi32>,
    %get3A_43 = vector.shape_cast %get3A_42 : vector<16xi32> to vector<16xi32>
    %shift_right_logical3A_44 = arith.constant 16 : i32
    %shift_right_logical3A_45 = vector.broadcast %shift_right_logical3A_44 : i32 to vector<16xi32>
    %shift_right_logical3A_46 = arith.shrui %get3A_43, %shift_right_logical3A_45 : vector<16xi32>
    %swap3A_47 = arith.constant 0 : i32
    %swap3A_48 = arith.index_cast %swap3A_47 : i32 to index
    %swap3A_49 = arith.constant 16 : index
    %swap3A_50 = tpu.vector_load %arg7[%swap3A_48, %swap3A_49] {strides = array<i32>} : memref<3x80xi32, #tpu.memory_space<vmem>>, vector<1x16xi32>,
    %swap3A_51 = vector.shape_cast %swap3A_50 : vector<1x16xi32> to vector<16xi32>
    %swap3A_52 = vector.shape_cast %shift_right_logical3A_46 : vector<16xi32> to vector<1x16xi32>
    tpu.vector_store %arg7[%swap3A_48, %swap3A_49], %swap3A_52 {strides = array<i32>} : memref<3x80xi32, #tpu.memory_space<vmem>>, vector<1x16xi32>,
    %get3A_53 = arith.constant 32 : index
    %get3A_54 = tpu.vector_load %arg4[%get3A_53] {strides = array<i32>} : memref<10000xi32, #tpu.memory_space<vmem>>, vector<16xi32>,
    %get3A_55 = vector.shape_cast %get3A_54 : vector<16xi32> to vector<16xi32>
    %shift_right_logical3A_56 = arith.constant 16 : i32
    %shift_right_logical3A_57 = vector.broadcast %shift_right_logical3A_56 : i32 to vector<16xi32>
    %shift_right_logical3A_58 = arith.shrui %get3A_55, %shift_right_logical3A_57 : vector<16xi32>
    %swap3A_59 = arith.constant 0 : i32
    %swap3A_60 = arith.index_cast %swap3A_59 : i32 to index
    %swap3A_61 = arith.constant 32 : index
    %swap3A_62 = tpu.vector_load %arg7[%swap3A_60, %swap3A_61] {strides = array<i32>} : memref<3x80xi32, #tpu.memory_space<vmem>>, vector<1x16xi32>,
    %swap3A_63 = vector.shape_cast %swap3A_62 : vector<1x16xi32> to vector<16xi32>
    %swap3A_64 = vector.shape_cast %shift_right_logical3A_58 : vector<16xi32> to vector<1x16xi32>
    tpu.vector_store %arg7[%swap3A_60, %swap3A_61], %swap3A_64 {strides = array<i32>} : memref<3x80xi32, #tpu.memory_space<vmem>>, vector<1x16xi32>,
    %get3A_65 = arith.constant 48 : index
    %get3A_66 = tpu.vector_load %arg4[%get3A_65] {strides = array<i32>} : memref<10000xi32, #tpu.memory_space<vmem>>, vector<16xi32>,
    %get3A_67 = vector.shape_cast %get3A_66 : vector<16xi32> to vector<16xi32>
    %shift_right_logical3A_68 = arith.constant 16 : i32
    %shift_right_logical3A_69 = vector.broadcast %shift_right_logical3A_68 : i32 to vector<16xi32>
    %shift_right_logical3A_70 = arith.shrui %get3A_67, %shift_right_logical3A_69 : vector<16xi32>
    %swap3A_71 = arith.constant 0 : i32
    %swap3A_72 = arith.index_cast %swap3A_71 : i32 to index
    %swap3A_73 = arith.constant 48 : index
    %swap3A_74 = tpu.vector_load %arg7[%swap3A_72, %swap3A_73] {strides = array<i32>} : memref<3x80xi32, #tpu.memory_space<vmem>>, vector<1x16xi32>,
    %swap3A_75 = vector.shape_cast %swap3A_74 : vector<1x16xi32> to vector<16xi32>
    %swap3A_76 = vector.shape_cast %shift_right_logical3A_70 : vector<16xi32> to vector<1x16xi32>
    tpu.vector_store %arg7[%swap3A_72, %swap3A_73], %swap3A_76 {strides = array<i32>} : memref<3x80xi32, #tpu.memory_space<vmem>>, vector<1x16xi32>,
    %get3A_77 = arith.constant 64 : index
    %get3A_78 = tpu.vector_load %arg4[%get3A_77] {strides = array<i32>} : memref<10000xi32, #tpu.memory_space<vmem>>, vector<16xi32>,
    %get3A_79 = vector.shape_cast %get3A_78 : vector<16xi32> to vector<16xi32>
    %shift_right_logical3A_80 = arith.constant 16 : i32
    %shift_right_logical3A_81 = vector.broadcast %shift_right_logical3A_80 : i32 to vector<16xi32>
    %shift_right_logical3A_82 = arith.shrui %get3A_79, %shift_right_logical3A_81 : vector<16xi32>
    %swap3A_83 = arith.constant 0 : i32
    %swap3A_84 = arith.index_cast %swap3A_83 : i32 to index
    %swap3A_85 = arith.constant 64 : index
    %swap3A_86 = tpu.vector_load %arg7[%swap3A_84, %swap3A_85] {strides = array<i32>} : memref<3x80xi32, #tpu.memory_space<vmem>>, vector<1x16xi32>,
    %swap3A_87 = vector.shape_cast %swap3A_86 : vector<1x16xi32> to vector<16xi32>
    %swap3A_88 = vector.shape_cast %shift_right_logical3A_82 : vector<16xi32> to vector<1x16xi32>
    tpu.vector_store %arg7[%swap3A_84, %swap3A_85], %swap3A_88 {strides = array<i32>} : memref<3x80xi32, #tpu.memory_space<vmem>>, vector<1x16xi32>,
    %dma_start3A = arith.constant 0 : i32
    %dma_start3A_89 = arith.constant 0 : i32
    %dma_start3A_90 = tpu.memref_slice %arg7[%dma_start3A, %dma_start3A_89] : memref<3x80xi32, #tpu.memory_space<vmem>> -> memref<1x80xi32, #tpu.memory_space<vmem>>
    %dma_start3A_91 = tpu.memref_squeeze %dma_start3A_90 : memref<1x80xi32, #tpu.memory_space<vmem>> -> memref<80xi32, #tpu.memory_space<vmem>>
    %dma_start3A_92 = arith.constant 0 : i32
    %dma_start3A_93 = arith.constant 0 : i32
    %dma_start3A_94 = tpu.memref_slice %arg8[%dma_start3A_92, %dma_start3A_93] : memref<10240x16xf32, #tpu.memory_space<vmem_shared>> -> memref<10240x16xf32, #tpu.memory_space<vmem_shared>>
    tpu.enqueue_indirect_dma source(%arg5 : memref<80x16xf32, #tpu.memory_space<vmem>>) target(%dma_start3A_94 : memref<10240x16xf32, #tpu.memory_space<vmem_shared>>) offsets(%dma_start3A_91 : memref<80xi32, #tpu.memory_space<vmem>>) semaphore(%arg9 : memref<!tpu.dma_semaphore, #tpu.memory_space<semaphore_mem>>) {add = true}
    %get3A_95 = arith.constant 80 : index
    %get3A_96 = tpu.vector_load %arg4[%get3A_95] {strides = array<i32>} : memref<10000xi32, #tpu.memory_space<vmem>>, vector<16xi32>,
    %get3A_97 = vector.shape_cast %get3A_96 : vector<16xi32> to vector<16xi32>
    %shift_right_logical3A_98 = arith.constant 16 : i32
    %shift_right_logical3A_99 = vector.broadcast %shift_right_logical3A_98 : i32 to vector<16xi32>
    %shift_right_logical3A_100 = arith.shrui %get3A_97, %shift_right_logical3A_99 : vector<16xi32>
    %swap3A_101 = arith.constant 1 : i32
    %swap3A_102 = arith.index_cast %swap3A_101 : i32 to index
    %swap3A_103 = arith.constant 0 : index
    %swap3A_104 = tpu.vector_load %arg7[%swap3A_102, %swap3A_103] {strides = array<i32>} : memref<3x80xi32, #tpu.memory_space<vmem>>, vector<1x16xi32>,
    %swap3A_105 = vector.shape_cast %swap3A_104 : vector<1x16xi32> to vector<16xi32>
    %swap3A_106 = vector.shape_cast %shift_right_logical3A_100 : vector<16xi32> to vector<1x16xi32>
    tpu.vector_store %arg7[%swap3A_102, %swap3A_103], %swap3A_106 {strides = array<i32>} : memref<3x80xi32, #tpu.memory_space<vmem>>, vector<1x16xi32>,
    %get3A_107 = arith.constant 96 : index
    %get3A_108 = tpu.vector_load %arg4[%get3A_107] {strides = array<i32>} : memref<10000xi32, #tpu.memory_space<vmem>>, vector<16xi32>,
    %get3A_109 = vector.shape_cast %get3A_108 : vector<16xi32> to vector<16xi32>
    %shift_right_logical3A_110 = arith.constant 16 : i32
    %shift_right_logical3A_111 = vector.broadcast %shift_right_logical3A_110 : i32 to vector<16xi32>
    %shift_right_logical3A_112 = arith.shrui %get3A_109, %shift_right_logical3A_111 : vector<16xi32>
    %swap3A_113 = arith.constant 1 : i32
    %swap3A_114 = arith.index_cast %swap3A_113 : i32 to index
    %swap3A_115 = arith.constant 16 : index
    %swap3A_116 = tpu.vector_load %arg7[%swap3A_114, %swap3A_115] {strides = array<i32>} : memref<3x80xi32, #tpu.memory_space<vmem>>, vector<1x16xi32>,
    %swap3A_117 = vector.shape_cast %swap3A_116 : vector<1x16xi32> to vector<16xi32>
    %swap3A_118 = vector.shape_cast %shift_right_logical3A_112 : vector<16xi32> to vector<1x16xi32>
    tpu.vector_store %arg7[%swap3A_114, %swap3A_115], %swap3A_118 {strides = array<i32>} : memref<3x80xi32, #tpu.memory_space<vmem>>, vector<1x16xi32>,
    %get3A_119 = arith.constant 112 : index
    %get3A_120 = tpu.vector_load %arg4[%get3A_119] {strides = array<i32>} : memref<10000xi32, #tpu.memory_space<vmem>>, vector<16xi32>,
    %get3A_121 = vector.shape_cast %get3A_120 : vector<16xi32> to vector<16xi32>
    %shift_right_logical3A_122 = arith.constant 16 : i32
    %shift_right_logical3A_123 = vector.broadcast %shift_right_logical3A_122 : i32 to vector<16xi32>
    %shift_right_logical3A_124 = arith.shrui %get3A_121, %shift_right_logical3A_123 : vector<16xi32>
    %swap3A_125 = arith.constant 1 : i32
    %swap3A_126 = arith.index_cast %swap3A_125 : i32 to index
    %swap3A_127 = arith.constant 32 : index
    %swap3A_128 = tpu.vector_load %arg7[%swap3A_126, %swap3A_127] {strides = array<i32>} : memref<3x80xi32, #tpu.memory_space<vmem>>, vector<1x16xi32>,
    %swap3A_129 = vector.shape_cast %swap3A_128 : vector<1x16xi32> to vector<16xi32>
    %swap3A_130 = vector.shape_cast %shift_right_logical3A_124 : vector<16xi32> to vector<1x16xi32>
    tpu.vector_store %arg7[%swap3A_126, %swap3A_127], %swap3A_130 {strides = array<i32>} : memref<3x80xi32, #tpu.memory_space<vmem>>, vector<1x16xi32>,
    %get3A_131 = arith.constant 128 : index
    %get3A_132 = tpu.vector_load %arg4[%get3A_131] {strides = array<i32>} : memref<10000xi32, #tpu.memory_space<vmem>>, vector<16xi32>,
    %get3A_133 = vector.shape_cast %get3A_132 : vector<16xi32> to vector<16xi32>
    %shift_right_logical3A_134 = arith.constant 16 : i32
    %shift_right_logical3A_135 = vector.broadcast %shift_right_logical3A_134 : i32 to vector<16xi32>
    %shift_right_logical3A_136 = arith.shrui %get3A_133, %shift_right_logical3A_135 : vector<16xi32>
    %swap3A_137 = arith.constant 1 : i32
    %swap3A_138 = arith.index_cast %swap3A_137 : i32 to index
    %swap3A_139 = arith.constant 48 : index
    %swap3A_140 = tpu.vector_load %arg7[%swap3A_138, %swap3A_139] {strides = array<i32>} : memref<3x80xi32, #tpu.memory_space<vmem>>, vector<1x16xi32>,
    %swap3A_141 = vector.shape_cast %swap3A_140 : vector<1x16xi32> to vector<16xi32>
    %swap3A_142 = vector.shape_cast %shift_right_logical3A_136 : vector<16xi32> to vector<1x16xi32>
    tpu.vector_store %arg7[%swap3A_138, %swap3A_139], %swap3A_142 {strides = array<i32>} : memref<3x80xi32, #tpu.memory_space<vmem>>, vector<1x16xi32>,
    %get3A_143 = arith.constant 144 : index
    %get3A_144 = tpu.vector_load %arg4[%get3A_143] {strides = array<i32>} : memref<10000xi32, #tpu.memory_space<vmem>>, vector<16xi32>,
    %get3A_145 = vector.shape_cast %get3A_144 : vector<16xi32> to vector<16xi32>
    %shift_right_logical3A_146 = arith.constant 16 : i32
    %shift_right_logical3A_147 = vector.broadcast %shift_right_logical3A_146 : i32 to vector<16xi32>
    %shift_right_logical3A_148 = arith.shrui %get3A_145, %shift_right_logical3A_147 : vector<16xi32>
    %swap3A_149 = arith.constant 1 : i32
    %swap3A_150 = arith.index_cast %swap3A_149 : i32 to index
    %swap3A_151 = arith.constant 64 : index
    %swap3A_152 = tpu.vector_load %arg7[%swap3A_150, %swap3A_151] {strides = array<i32>} : memref<3x80xi32, #tpu.memory_space<vmem>>, vector<1x16xi32>,
    %swap3A_153 = vector.shape_cast %swap3A_152 : vector<1x16xi32> to vector<16xi32>
    %swap3A_154 = vector.shape_cast %shift_right_logical3A_148 : vector<16xi32> to vector<1x16xi32>
    tpu.vector_store %arg7[%swap3A_150, %swap3A_151], %swap3A_154 {strides = array<i32>} : memref<3x80xi32, #tpu.memory_space<vmem>>, vector<1x16xi32>,
    %dma_start3A_155 = arith.constant 1 : i32
    %dma_start3A_156 = arith.constant 0 : i32
    %dma_start3A_157 = tpu.memref_slice %arg7[%dma_start3A_155, %dma_start3A_156] : memref<3x80xi32, #tpu.memory_space<vmem>> -> memref<1x80xi32, #tpu.memory_space<vmem>>
    %dma_start3A_158 = tpu.memref_squeeze %dma_start3A_157 : memref<1x80xi32, #tpu.memory_space<vmem>> -> memref<80xi32, #tpu.memory_space<vmem>>
    %dma_start3A_159 = arith.constant 0 : i32
    %dma_start3A_160 = arith.constant 0 : i32
    %dma_start3A_161 = tpu.memref_slice %arg8[%dma_start3A_159, %dma_start3A_160] : memref<10240x16xf32, #tpu.memory_space<vmem_shared>> -> memref<10240x16xf32, #tpu.memory_space<vmem_shared>>
    tpu.enqueue_indirect_dma source(%arg5 : memref<80x16xf32, #tpu.memory_space<vmem>>) target(%dma_start3A_161 : memref<10240x16xf32, #tpu.memory_space<vmem_shared>>) offsets(%dma_start3A_158 : memref<80xi32, #tpu.memory_space<vmem>>) semaphore(%arg10 : memref<!tpu.dma_semaphore, #tpu.memory_space<semaphore_mem>>) {add = true}
    %dma_wait3A = arith.constant 0 : i32
    %dma_wait3A_162 = arith.constant 0 : i32
    %dma_wait3A_163 = tpu.memref_slice %arg7[%dma_wait3A, %dma_wait3A_162] : memref<3x80xi32, #tpu.memory_space<vmem>> -> memref<1x80xi32, #tpu.memory_space<vmem>>
    %dma_wait3A_164 = tpu.memref_squeeze %dma_wait3A_163 : memref<1x80xi32, #tpu.memory_space<vmem>> -> memref<80xi32, #tpu.memory_space<vmem>>
    %dma_wait3A_165 = arith.constant 0 : i32
    %dma_wait3A_166 = arith.constant 0 : i32
    %dma_wait3A_167 = tpu.memref_slice %arg8[%dma_wait3A_165, %dma_wait3A_166] : memref<10240x16xf32, #tpu.memory_space<vmem_shared>> -> memref<10240x16xf32, #tpu.memory_space<vmem_shared>>
    tpu.wait_indirect_dma semaphore(%arg9 : memref<!tpu.dma_semaphore, #tpu.memory_space<semaphore_mem>>) src(%arg5 : memref<80x16xf32, #tpu.memory_space<vmem>>) dst(%dma_wait3A_167 : memref<10240x16xf32, #tpu.memory_space<vmem_shared>>)
    %scan3A_168 = arith.constant 0 : i32
    %scan3A_169 = arith.constant 0 : i32
    %scan3A_170 = arith.constant 41 : i32
    %scan3A_171 = arith.addi %scan3A_169, %scan3A_170 : i32
    %scan3A_172 = arith.constant 1 : i32
    scf.for %scan3A_182 = %scan3A_169 to %scan3A_171 step %scan3A_172  : i32 {
      %mul3A_183 = arith.constant 3 : i32
      %mul3A_184 = arith.muli %mul3A_183, %scan3A_182 : i32
      %add3A_185 = arith.constant 2 : i32
      %add3A_186 = arith.addi %mul3A_184, %add3A_185 : i32
      %add3A_187 = arith.constant 0 : i32
      %add3A_188 = arith.addi %add3A_186, %add3A_187 : i32
      %mul3A_189 = arith.constant 80 : i32
      %mul3A_190 = arith.muli %add3A_188, %mul3A_189 : i32
      %add3A_191 = arith.constant 0 : i32
      %add3A_192 = arith.addi %mul3A_190, %add3A_191 : i32
      %get3A_193 = arith.index_cast %add3A_192 : i32 to index
      %get3A_194 = tpu.vector_load %arg4[%get3A_193] {strides = array<i32>} : memref<10000xi32, #tpu.memory_space<vmem>>, vector<16xi32>,
      %get3A_195 = vector.shape_cast %get3A_194 : vector<16xi32> to vector<16xi32>
      %shift_right_logical3A_196 = arith.constant 16 : i32
      %shift_right_logical3A_197 = vector.broadcast %shift_right_logical3A_196 : i32 to vector<16xi32>
      %shift_right_logical3A_198 = arith.shrui %get3A_195, %shift_right_logical3A_197 : vector<16xi32>
      %swap3A_199 = arith.constant 2 : i32
      %swap3A_200 = arith.index_cast %swap3A_199 : i32 to index
      %swap3A_201 = arith.constant 0 : index
      %swap3A_202 = tpu.vector_load %arg7[%swap3A_200, %swap3A_201] {strides = array<i32>} : memref<3x80xi32, #tpu.memory_space<vmem>>, vector<1x16xi32>,
      %swap3A_203 = vector.shape_cast %swap3A_202 : vector<1x16xi32> to vector<16xi32>
      %swap3A_204 = vector.shape_cast %shift_right_logical3A_198 : vector<16xi32> to vector<1x16xi32>
      tpu.vector_store %arg7[%swap3A_200, %swap3A_201], %swap3A_204 {strides = array<i32>} : memref<3x80xi32, #tpu.memory_space<vmem>>, vector<1x16xi32>,
      %mul3A_205 = arith.constant 80 : i32
      %mul3A_206 = arith.muli %add3A_188, %mul3A_205 : i32
      %add3A_207 = arith.constant 16 : i32
      %add3A_208 = arith.addi %mul3A_206, %add3A_207 : i32
      %get3A_209 = arith.index_cast %add3A_208 : i32 to index
      %get3A_210 = tpu.vector_load %arg4[%get3A_209] {strides = array<i32>} : memref<10000xi32, #tpu.memory_space<vmem>>, vector<16xi32>,
      %get3A_211 = vector.shape_cast %get3A_210 : vector<16xi32> to vector<16xi32>
      %shift_right_logical3A_212 = arith.constant 16 : i32
      %shift_right_logical3A_213 = vector.broadcast %shift_right_logical3A_212 : i32 to vector<16xi32>
      %shift_right_logical3A_214 = arith.shrui %get3A_211, %shift_right_logical3A_213 : vector<16xi32>
      %swap3A_215 = arith.constant 2 : i32
      %swap3A_216 = arith.index_cast %swap3A_215 : i32 to index
      %swap3A_217 = arith.constant 16 : index
      %swap3A_218 = tpu.vector_load %arg7[%swap3A_216, %swap3A_217] {strides = array<i32>} : memref<3x80xi32, #tpu.memory_space<vmem>>, vector<1x16xi32>,
      %swap3A_219 = vector.shape_cast %swap3A_218 : vector<1x16xi32> to vector<16xi32>
      %swap3A_220 = vector.shape_cast %shift_right_logical3A_214 : vector<16xi32> to vector<1x16xi32>
      tpu.vector_store %arg7[%swap3A_216, %swap3A_217], %swap3A_220 {strides = array<i32>} : memref<3x80xi32, #tpu.memory_space<vmem>>, vector<1x16xi32>,
      %mul3A_221 = arith.constant 80 : i32
      %mul3A_222 = arith.muli %add3A_188, %mul3A_221 : i32
      %add3A_223 = arith.constant 32 : i32
      %add3A_224 = arith.addi %mul3A_222, %add3A_223 : i32
      %get3A_225 = arith.index_cast %add3A_224 : i32 to index
      %get3A_226 = tpu.vector_load %arg4[%get3A_225] {strides = array<i32>} : memref<10000xi32, #tpu.memory_space<vmem>>, vector<16xi32>,
      %get3A_227 = vector.shape_cast %get3A_226 : vector<16xi32> to vector<16xi32>
      %shift_right_logical3A_228 = arith.constant 16 : i32
      %shift_right_logical3A_229 = vector.broadcast %shift_right_logical3A_228 : i32 to vector<16xi32>
      %shift_right_logical3A_230 = arith.shrui %get3A_227, %shift_right_logical3A_229 : vector<16xi32>
      %swap3A_231 = arith.constant 2 : i32
      %swap3A_232 = arith.index_cast %swap3A_231 : i32 to index
      %swap3A_233 = arith.constant 32 : index
      %swap3A_234 = tpu.vector_load %arg7[%swap3A_232, %swap3A_233] {strides = array<i32>} : memref<3x80xi32, #tpu.memory_space<vmem>>, vector<1x16xi32>,
      %swap3A_235 = vector.shape_cast %swap3A_234 : vector<1x16xi32> to vector<16xi32>
      %swap3A_236 = vector.shape_cast %shift_right_logical3A_230 : vector<16xi32> to vector<1x16xi32>
      tpu.vector_store %arg7[%swap3A_232, %swap3A_233], %swap3A_236 {strides = array<i32>} : memref<3x80xi32, #tpu.memory_space<vmem>>, vector<1x16xi32>,
      %mul3A_237 = arith.constant 80 : i32
      %mul3A_238 = arith.muli %add3A_188, %mul3A_237 : i32
      %add3A_239 = arith.constant 48 : i32
      %add3A_240 = arith.addi %mul3A_238, %add3A_239 : i32
      %get3A_241 = arith.index_cast %add3A_240 : i32 to index
      %get3A_242 = tpu.vector_load %arg4[%get3A_241] {strides = array<i32>} : memref<10000xi32, #tpu.memory_space<vmem>>, vector<16xi32>,
      %get3A_243 = vector.shape_cast %get3A_242 : vector<16xi32> to vector<16xi32>
      %shift_right_logical3A_244 = arith.constant 16 : i32
      %shift_right_logical3A_245 = vector.broadcast %shift_right_logical3A_244 : i32 to vector<16xi32>
      %shift_right_logical3A_246 = arith.shrui %get3A_243, %shift_right_logical3A_245 : vector<16xi32>
      %swap3A_247 = arith.constant 2 : i32
      %swap3A_248 = arith.index_cast %swap3A_247 : i32 to index
      %swap3A_249 = arith.constant 48 : index
      %swap3A_250 = tpu.vector_load %arg7[%swap3A_248, %swap3A_249] {strides = array<i32>} : memref<3x80xi32, #tpu.memory_space<vmem>>, vector<1x16xi32>,
      %swap3A_251 = vector.shape_cast %swap3A_250 : vector<1x16xi32> to vector<16xi32>
      %swap3A_252 = vector.shape_cast %shift_right_logical3A_246 : vector<16xi32> to vector<1x16xi32>
      tpu.vector_store %arg7[%swap3A_248, %swap3A_249], %swap3A_252 {strides = array<i32>} : memref<3x80xi32, #tpu.memory_space<vmem>>, vector<1x16xi32>,
      %mul3A_253 = arith.constant 80 : i32
      %mul3A_254 = arith.muli %add3A_188, %mul3A_253 : i32
      %add3A_255 = arith.constant 64 : i32
      %add3A_256 = arith.addi %mul3A_254, %add3A_255 : i32
      %get3A_257 = arith.index_cast %add3A_256 : i32 to index
      %get3A_258 = tpu.vector_load %arg4[%get3A_257] {strides = array<i32>} : memref<10000xi32, #tpu.memory_space<vmem>>, vector<16xi32>,
      %get3A_259 = vector.shape_cast %get3A_258 : vector<16xi32> to vector<16xi32>
      %shift_right_logical3A_260 = arith.constant 16 : i32
      %shift_right_logical3A_261 = vector.broadcast %shift_right_logical3A_260 : i32 to vector<16xi32>
      %shift_right_logical3A_262 = arith.shrui %get3A_259, %shift_right_logical3A_261 : vector<16xi32>
      %swap3A_263 = arith.constant 2 : i32
      %swap3A_264 = arith.index_cast %swap3A_263 : i32 to index
      %swap3A_265 = arith.constant 64 : index
      %swap3A_266 = tpu.vector_load %arg7[%swap3A_264, %swap3A_265] {strides = array<i32>} : memref<3x80xi32, #tpu.memory_space<vmem>>, vector<1x16xi32>,
      %swap3A_267 = vector.shape_cast %swap3A_266 : vector<1x16xi32> to vector<16xi32>
      %swap3A_268 = vector.shape_cast %shift_right_logical3A_262 : vector<16xi32> to vector<1x16xi32>
      tpu.vector_store %arg7[%swap3A_264, %swap3A_265], %swap3A_268 {strides = array<i32>} : memref<3x80xi32, #tpu.memory_space<vmem>>, vector<1x16xi32>,
      %dma_start3A_269 = arith.constant 2 : i32
      %dma_start3A_270 = arith.constant 0 : i32
      %dma_start3A_271 = tpu.memref_slice %arg7[%dma_start3A_269, %dma_start3A_270] : memref<3x80xi32, #tpu.memory_space<vmem>> -> memref<1x80xi32, #tpu.memory_space<vmem>>
      %dma_start3A_272 = tpu.memref_squeeze %dma_start3A_271 : memref<1x80xi32, #tpu.memory_space<vmem>> -> memref<80xi32, #tpu.memory_space<vmem>>
      %dma_start3A_273 = arith.constant 0 : i32
      %dma_start3A_274 = arith.constant 0 : i32
      %dma_start3A_275 = tpu.memref_slice %arg8[%dma_start3A_273, %dma_start3A_274] : memref<10240x16xf32, #tpu.memory_space<vmem_shared>> -> memref<10240x16xf32, #tpu.memory_space<vmem_shared>>
      tpu.enqueue_indirect_dma source(%arg5 : memref<80x16xf32, #tpu.memory_space<vmem>>) target(%dma_start3A_275 : memref<10240x16xf32, #tpu.memory_space<vmem_shared>>) offsets(%dma_start3A_272 : memref<80xi32, #tpu.memory_space<vmem>>) semaphore(%arg11 : memref<!tpu.dma_semaphore, #tpu.memory_space<semaphore_mem>>) {add = true}
      %dma_wait3A_276 = arith.constant 1 : i32
      %dma_wait3A_277 = arith.constant 0 : i32
      %dma_wait3A_278 = tpu.memref_slice %arg7[%dma_wait3A_276, %dma_wait3A_277] : memref<3x80xi32, #tpu.memory_space<vmem>> -> memref<1x80xi32, #tpu.memory_space<vmem>>
      %dma_wait3A_279 = tpu.memref_squeeze %dma_wait3A_278 : memref<1x80xi32, #tpu.memory_space<vmem>> -> memref<80xi32, #tpu.memory_space<vmem>>
      %dma_wait3A_280 = arith.constant 0 : i32
      %dma_wait3A_281 = arith.constant 0 : i32
      %dma_wait3A_282 = tpu.memref_slice %arg8[%dma_wait3A_280, %dma_wait3A_281] : memref<10240x16xf32, #tpu.memory_space<vmem_shared>> -> memref<10240x16xf32, #tpu.memory_space<vmem_shared>>
      tpu.wait_indirect_dma semaphore(%arg10 : memref<!tpu.dma_semaphore, #tpu.memory_space<semaphore_mem>>) src(%arg5 : memref<80x16xf32, #tpu.memory_space<vmem>>) dst(%dma_wait3A_282 : memref<10240x16xf32, #tpu.memory_space<vmem_shared>>)
      %add3A_283 = arith.constant 1 : i32
      %add3A_284 = arith.addi %add3A_186, %add3A_283 : i32
      %mul3A_285 = arith.constant 80 : i32
      %mul3A_286 = arith.muli %add3A_284, %mul3A_285 : i32
      %add3A_287 = arith.constant 0 : i32
      %add3A_288 = arith.addi %mul3A_286, %add3A_287 : i32
      %get3A_289 = arith.index_cast %add3A_288 : i32 to index
      %get3A_290 = tpu.vector_load %arg4[%get3A_289] {strides = array<i32>} : memref<10000xi32, #tpu.memory_space<vmem>>, vector<16xi32>,
      %get3A_291 = vector.shape_cast %get3A_290 : vector<16xi32> to vector<16xi32>
      %shift_right_logical3A_292 = arith.constant 16 : i32
      %shift_right_logical3A_293 = vector.broadcast %shift_right_logical3A_292 : i32 to vector<16xi32>
      %shift_right_logical3A_294 = arith.shrui %get3A_291, %shift_right_logical3A_293 : vector<16xi32>
      %swap3A_295 = arith.constant 0 : i32
      %swap3A_296 = arith.index_cast %swap3A_295 : i32 to index
      %swap3A_297 = arith.constant 0 : index
      %swap3A_298 = tpu.vector_load %arg7[%swap3A_296, %swap3A_297] {strides = array<i32>} : memref<3x80xi32, #tpu.memory_space<vmem>>, vector<1x16xi32>,
      %swap3A_299 = vector.shape_cast %swap3A_298 : vector<1x16xi32> to vector<16xi32>
      %swap3A_300 = vector.shape_cast %shift_right_logical3A_294 : vector<16xi32> to vector<1x16xi32>
      tpu.vector_store %arg7[%swap3A_296, %swap3A_297], %swap3A_300 {strides = array<i32>} : memref<3x80xi32, #tpu.memory_space<vmem>>, vector<1x16xi32>,
      %mul3A_301 = arith.constant 80 : i32
      %mul3A_302 = arith.muli %add3A_284, %mul3A_301 : i32
      %add3A_303 = arith.constant 16 : i32
      %add3A_304 = arith.addi %mul3A_302, %add3A_303 : i32
      %get3A_305 = arith.index_cast %add3A_304 : i32 to index
      %get3A_306 = tpu.vector_load %arg4[%get3A_305] {strides = array<i32>} : memref<10000xi32, #tpu.memory_space<vmem>>, vector<16xi32>,
      %get3A_307 = vector.shape_cast %get3A_306 : vector<16xi32> to vector<16xi32>
      %shift_right_logical3A_308 = arith.constant 16 : i32
      %shift_right_logical3A_309 = vector.broadcast %shift_right_logical3A_308 : i32 to vector<16xi32>
      %shift_right_logical3A_310 = arith.shrui %get3A_307, %shift_right_logical3A_309 : vector<16xi32>
      %swap3A_311 = arith.constant 0 : i32
      %swap3A_312 = arith.index_cast %swap3A_311 : i32 to index
      %swap3A_313 = arith.constant 16 : index
      %swap3A_314 = tpu.vector_load %arg7[%swap3A_312, %swap3A_313] {strides = array<i32>} : memref<3x80xi32, #tpu.memory_space<vmem>>, vector<1x16xi32>,
      %swap3A_315 = vector.shape_cast %swap3A_314 : vector<1x16xi32> to vector<16xi32>
      %swap3A_316 = vector.shape_cast %shift_right_logical3A_310 : vector<16xi32> to vector<1x16xi32>
      tpu.vector_store %arg7[%swap3A_312, %swap3A_313], %swap3A_316 {strides = array<i32>} : memref<3x80xi32, #tpu.memory_space<vmem>>, vector<1x16xi32>,
      %mul3A_317 = arith.constant 80 : i32
      %mul3A_318 = arith.muli %add3A_284, %mul3A_317 : i32
      %add3A_319 = arith.constant 32 : i32
      %add3A_320 = arith.addi %mul3A_318, %add3A_319 : i32
      %get3A_321 = arith.index_cast %add3A_320 : i32 to index
      %get3A_322 = tpu.vector_load %arg4[%get3A_321] {strides = array<i32>} : memref<10000xi32, #tpu.memory_space<vmem>>, vector<16xi32>,
      %get3A_323 = vector.shape_cast %get3A_322 : vector<16xi32> to vector<16xi32>
      %shift_right_logical3A_324 = arith.constant 16 : i32
      %shift_right_logical3A_325 = vector.broadcast %shift_right_logical3A_324 : i32 to vector<16xi32>
      %shift_right_logical3A_326 = arith.shrui %get3A_323, %shift_right_logical3A_325 : vector<16xi32>
      %swap3A_327 = arith.constant 0 : i32
      %swap3A_328 = arith.index_cast %swap3A_327 : i32 to index
      %swap3A_329 = arith.constant 32 : index
      %swap3A_330 = tpu.vector_load %arg7[%swap3A_328, %swap3A_329] {strides = array<i32>} : memref<3x80xi32, #tpu.memory_space<vmem>>, vector<1x16xi32>,
      %swap3A_331 = vector.shape_cast %swap3A_330 : vector<1x16xi32> to vector<16xi32>
      %swap3A_332 = vector.shape_cast %shift_right_logical3A_326 : vector<16xi32> to vector<1x16xi32>
      tpu.vector_store %arg7[%swap3A_328, %swap3A_329], %swap3A_332 {strides = array<i32>} : memref<3x80xi32, #tpu.memory_space<vmem>>, vector<1x16xi32>,
      %mul3A_333 = arith.constant 80 : i32
      %mul3A_334 = arith.muli %add3A_284, %mul3A_333 : i32
      %add3A_335 = arith.constant 48 : i32
      %add3A_336 = arith.addi %mul3A_334, %add3A_335 : i32
      %get3A_337 = arith.index_cast %add3A_336 : i32 to index
      %get3A_338 = tpu.vector_load %arg4[%get3A_337] {strides = array<i32>} : memref<10000xi32, #tpu.memory_space<vmem>>, vector<16xi32>,
      %get3A_339 = vector.shape_cast %get3A_338 : vector<16xi32> to vector<16xi32>
      %shift_right_logical3A_340 = arith.constant 16 : i32
      %shift_right_logical3A_341 = vector.broadcast %shift_right_logical3A_340 : i32 to vector<16xi32>
      %shift_right_logical3A_342 = arith.shrui %get3A_339, %shift_right_logical3A_341 : vector<16xi32>
      %swap3A_343 = arith.constant 0 : i32
      %swap3A_344 = arith.index_cast %swap3A_343 : i32 to index
      %swap3A_345 = arith.constant 48 : index
      %swap3A_346 = tpu.vector_load %arg7[%swap3A_344, %swap3A_345] {strides = array<i32>} : memref<3x80xi32, #tpu.memory_space<vmem>>, vector<1x16xi32>,
      %swap3A_347 = vector.shape_cast %swap3A_346 : vector<1x16xi32> to vector<16xi32>
      %swap3A_348 = vector.shape_cast %shift_right_logical3A_342 : vector<16xi32> to vector<1x16xi32>
      tpu.vector_store %arg7[%swap3A_344, %swap3A_345], %swap3A_348 {strides = array<i32>} : memref<3x80xi32, #tpu.memory_space<vmem>>, vector<1x16xi32>,
      %mul3A_349 = arith.constant 80 : i32
      %mul3A_350 = arith.muli %add3A_284, %mul3A_349 : i32
      %add3A_351 = arith.constant 64 : i32
      %add3A_352 = arith.addi %mul3A_350, %add3A_351 : i32
      %get3A_353 = arith.index_cast %add3A_352 : i32 to index
      %get3A_354 = tpu.vector_load %arg4[%get3A_353] {strides = array<i32>} : memref<10000xi32, #tpu.memory_space<vmem>>, vector<16xi32>,
      %get3A_355 = vector.shape_cast %get3A_354 : vector<16xi32> to vector<16xi32>
      %shift_right_logical3A_356 = arith.constant 16 : i32
      %shift_right_logical3A_357 = vector.broadcast %shift_right_logical3A_356 : i32 to vector<16xi32>
      %shift_right_logical3A_358 = arith.shrui %get3A_355, %shift_right_logical3A_357 : vector<16xi32>
      %swap3A_359 = arith.constant 0 : i32
      %swap3A_360 = arith.index_cast %swap3A_359 : i32 to index
      %swap3A_361 = arith.constant 64 : index
      %swap3A_362 = tpu.vector_load %arg7[%swap3A_360, %swap3A_361] {strides = array<i32>} : memref<3x80xi32, #tpu.memory_space<vmem>>, vector<1x16xi32>,
      %swap3A_363 = vector.shape_cast %swap3A_362 : vector<1x16xi32> to vector<16xi32>
      %swap3A_364 = vector.shape_cast %shift_right_logical3A_358 : vector<16xi32> to vector<1x16xi32>
      tpu.vector_store %arg7[%swap3A_360, %swap3A_361], %swap3A_364 {strides = array<i32>} : memref<3x80xi32, #tpu.memory_space<vmem>>, vector<1x16xi32>,
      %dma_start3A_365 = arith.constant 0 : i32
      %dma_start3A_366 = arith.constant 0 : i32
      %dma_start3A_367 = tpu.memref_slice %arg7[%dma_start3A_365, %dma_start3A_366] : memref<3x80xi32, #tpu.memory_space<vmem>> -> memref<1x80xi32, #tpu.memory_space<vmem>>
      %dma_start3A_368 = tpu.memref_squeeze %dma_start3A_367 : memref<1x80xi32, #tpu.memory_space<vmem>> -> memref<80xi32, #tpu.memory_space<vmem>>
      %dma_start3A_369 = arith.constant 0 : i32
      %dma_start3A_370 = arith.constant 0 : i32
      %dma_start3A_371 = tpu.memref_slice %arg8[%dma_start3A_369, %dma_start3A_370] : memref<10240x16xf32, #tpu.memory_space<vmem_shared>> -> memref<10240x16xf32, #tpu.memory_space<vmem_shared>>
      tpu.enqueue_indirect_dma source(%arg5 : memref<80x16xf32, #tpu.memory_space<vmem>>) target(%dma_start3A_371 : memref<10240x16xf32, #tpu.memory_space<vmem_shared>>) offsets(%dma_start3A_368 : memref<80xi32, #tpu.memory_space<vmem>>) semaphore(%arg9 : memref<!tpu.dma_semaphore, #tpu.memory_space<semaphore_mem>>) {add = true}
      %dma_wait3A_372 = arith.constant 2 : i32
      %dma_wait3A_373 = arith.constant 0 : i32
      %dma_wait3A_374 = tpu.memref_slice %arg7[%dma_wait3A_372, %dma_wait3A_373] : memref<3x80xi32, #tpu.memory_space<vmem>> -> memref<1x80xi32, #tpu.memory_space<vmem>>
      %dma_wait3A_375 = tpu.memref_squeeze %dma_wait3A_374 : memref<1x80xi32, #tpu.memory_space<vmem>> -> memref<80xi32, #tpu.memory_space<vmem>>
      %dma_wait3A_376 = arith.constant 0 : i32
      %dma_wait3A_377 = arith.constant 0 : i32
      %dma_wait3A_378 = tpu.memref_slice %arg8[%dma_wait3A_376, %dma_wait3A_377] : memref<10240x16xf32, #tpu.memory_space<vmem_shared>> -> memref<10240x16xf32, #tpu.memory_space<vmem_shared>>
      tpu.wait_indirect_dma semaphore(%arg11 : memref<!tpu.dma_semaphore, #tpu.memory_space<semaphore_mem>>) src(%arg5 : memref<80x16xf32, #tpu.memory_space<vmem>>) dst(%dma_wait3A_378 : memref<10240x16xf32, #tpu.memory_space<vmem_shared>>)
      %add3A_379 = arith.constant 2 : i32
      %add3A_380 = arith.addi %add3A_186, %add3A_379 : i32
      %mul3A_381 = arith.constant 80 : i32
      %mul3A_382 = arith.muli %add3A_380, %mul3A_381 : i32
      %add3A_383 = arith.constant 0 : i32
      %add3A_384 = arith.addi %mul3A_382, %add3A_383 : i32
      %get3A_385 = arith.index_cast %add3A_384 : i32 to index
      %get3A_386 = tpu.vector_load %arg4[%get3A_385] {strides = array<i32>} : memref<10000xi32, #tpu.memory_space<vmem>>, vector<16xi32>,
      %get3A_387 = vector.shape_cast %get3A_386 : vector<16xi32> to vector<16xi32>
      %shift_right_logical3A_388 = arith.constant 16 : i32
      %shift_right_logical3A_389 = vector.broadcast %shift_right_logical3A_388 : i32 to vector<16xi32>
      %shift_right_logical3A_390 = arith.shrui %get3A_387, %shift_right_logical3A_389 : vector<16xi32>
      %swap3A_391 = arith.constant 1 : i32
      %swap3A_392 = arith.index_cast %swap3A_391 : i32 to index
      %swap3A_393 = arith.constant 0 : index
      %swap3A_394 = tpu.vector_load %arg7[%swap3A_392, %swap3A_393] {strides = array<i32>} : memref<3x80xi32, #tpu.memory_space<vmem>>, vector<1x16xi32>,
      %swap3A_395 = vector.shape_cast %swap3A_394 : vector<1x16xi32> to vector<16xi32>
      %swap3A_396 = vector.shape_cast %shift_right_logical3A_390 : vector<16xi32> to vector<1x16xi32>
      tpu.vector_store %arg7[%swap3A_392, %swap3A_393], %swap3A_396 {strides = array<i32>} : memref<3x80xi32, #tpu.memory_space<vmem>>, vector<1x16xi32>,
      %mul3A_397 = arith.constant 80 : i32
      %mul3A_398 = arith.muli %add3A_380, %mul3A_397 : i32
      %add3A_399 = arith.constant 16 : i32
      %add3A_400 = arith.addi %mul3A_398, %add3A_399 : i32
      %get3A_401 = arith.index_cast %add3A_400 : i32 to index
      %get3A_402 = tpu.vector_load %arg4[%get3A_401] {strides = array<i32>} : memref<10000xi32, #tpu.memory_space<vmem>>, vector<16xi32>,
      %get3A_403 = vector.shape_cast %get3A_402 : vector<16xi32> to vector<16xi32>
      %shift_right_logical3A_404 = arith.constant 16 : i32
      %shift_right_logical3A_405 = vector.broadcast %shift_right_logical3A_404 : i32 to vector<16xi32>
      %shift_right_logical3A_406 = arith.shrui %get3A_403, %shift_right_logical3A_405 : vector<16xi32>
      %swap3A_407 = arith.constant 1 : i32
      %swap3A_408 = arith.index_cast %swap3A_407 : i32 to index
      %swap3A_409 = arith.constant 16 : index
      %swap3A_410 = tpu.vector_load %arg7[%swap3A_408, %swap3A_409] {strides = array<i32>} : memref<3x80xi32, #tpu.memory_space<vmem>>, vector<1x16xi32>,
      %swap3A_411 = vector.shape_cast %swap3A_410 : vector<1x16xi32> to vector<16xi32>
      %swap3A_412 = vector.shape_cast %shift_right_logical3A_406 : vector<16xi32> to vector<1x16xi32>
      tpu.vector_store %arg7[%swap3A_408, %swap3A_409], %swap3A_412 {strides = array<i32>} : memref<3x80xi32, #tpu.memory_space<vmem>>, vector<1x16xi32>,
      %mul3A_413 = arith.constant 80 : i32
      %mul3A_414 = arith.muli %add3A_380, %mul3A_413 : i32
      %add3A_415 = arith.constant 32 : i32
      %add3A_416 = arith.addi %mul3A_414, %add3A_415 : i32
      %get3A_417 = arith.index_cast %add3A_416 : i32 to index
      %get3A_418 = tpu.vector_load %arg4[%get3A_417] {strides = array<i32>} : memref<10000xi32, #tpu.memory_space<vmem>>, vector<16xi32>,
      %get3A_419 = vector.shape_cast %get3A_418 : vector<16xi32> to vector<16xi32>
      %shift_right_logical3A_420 = arith.constant 16 : i32
      %shift_right_logical3A_421 = vector.broadcast %shift_right_logical3A_420 : i32 to vector<16xi32>
      %shift_right_logical3A_422 = arith.shrui %get3A_419, %shift_right_logical3A_421 : vector<16xi32>
      %swap3A_423 = arith.constant 1 : i32
      %swap3A_424 = arith.index_cast %swap3A_423 : i32 to index
      %swap3A_425 = arith.constant 32 : index
      %swap3A_426 = tpu.vector_load %arg7[%swap3A_424, %swap3A_425] {strides = array<i32>} : memref<3x80xi32, #tpu.memory_space<vmem>>, vector<1x16xi32>,
      %swap3A_427 = vector.shape_cast %swap3A_426 : vector<1x16xi32> to vector<16xi32>
      %swap3A_428 = vector.shape_cast %shift_right_logical3A_422 : vector<16xi32> to vector<1x16xi32>
      tpu.vector_store %arg7[%swap3A_424, %swap3A_425], %swap3A_428 {strides = array<i32>} : memref<3x80xi32, #tpu.memory_space<vmem>>, vector<1x16xi32>,
      %mul3A_429 = arith.constant 80 : i32
      %mul3A_430 = arith.muli %add3A_380, %mul3A_429 : i32
      %add3A_431 = arith.constant 48 : i32
      %add3A_432 = arith.addi %mul3A_430, %add3A_431 : i32
      %get3A_433 = arith.index_cast %add3A_432 : i32 to index
      %get3A_434 = tpu.vector_load %arg4[%get3A_433] {strides = array<i32>} : memref<10000xi32, #tpu.memory_space<vmem>>, vector<16xi32>,
      %get3A_435 = vector.shape_cast %get3A_434 : vector<16xi32> to vector<16xi32>
      %shift_right_logical3A_436 = arith.constant 16 : i32
      %shift_right_logical3A_437 = vector.broadcast %shift_right_logical3A_436 : i32 to vector<16xi32>
      %shift_right_logical3A_438 = arith.shrui %get3A_435, %shift_right_logical3A_437 : vector<16xi32>
      %swap3A_439 = arith.constant 1 : i32
      %swap3A_440 = arith.index_cast %swap3A_439 : i32 to index
      %swap3A_441 = arith.constant 48 : index
      %swap3A_442 = tpu.vector_load %arg7[%swap3A_440, %swap3A_441] {strides = array<i32>} : memref<3x80xi32, #tpu.memory_space<vmem>>, vector<1x16xi32>,
      %swap3A_443 = vector.shape_cast %swap3A_442 : vector<1x16xi32> to vector<16xi32>
      %swap3A_444 = vector.shape_cast %shift_right_logical3A_438 : vector<16xi32> to vector<1x16xi32>
      tpu.vector_store %arg7[%swap3A_440, %swap3A_441], %swap3A_444 {strides = array<i32>} : memref<3x80xi32, #tpu.memory_space<vmem>>, vector<1x16xi32>,
      %mul3A_445 = arith.constant 80 : i32
      %mul3A_446 = arith.muli %add3A_380, %mul3A_445 : i32
      %add3A_447 = arith.constant 64 : i32
      %add3A_448 = arith.addi %mul3A_446, %add3A_447 : i32
      %get3A_449 = arith.index_cast %add3A_448 : i32 to index
      %get3A_450 = tpu.vector_load %arg4[%get3A_449] {strides = array<i32>} : memref<10000xi32, #tpu.memory_space<vmem>>, vector<16xi32>,
      %get3A_451 = vector.shape_cast %get3A_450 : vector<16xi32> to vector<16xi32>
      %shift_right_logical3A_452 = arith.constant 16 : i32
      %shift_right_logical3A_453 = vector.broadcast %shift_right_logical3A_452 : i32 to vector<16xi32>
      %shift_right_logical3A_454 = arith.shrui %get3A_451, %shift_right_logical3A_453 : vector<16xi32>
      %swap3A_455 = arith.constant 1 : i32
      %swap3A_456 = arith.index_cast %swap3A_455 : i32 to index
      %swap3A_457 = arith.constant 64 : index
      %swap3A_458 = tpu.vector_load %arg7[%swap3A_456, %swap3A_457] {strides = array<i32>} : memref<3x80xi32, #tpu.memory_space<vmem>>, vector<1x16xi32>,
      %swap3A_459 = vector.shape_cast %swap3A_458 : vector<1x16xi32> to vector<16xi32>
      %swap3A_460 = vector.shape_cast %shift_right_logical3A_454 : vector<16xi32> to vector<1x16xi32>
      tpu.vector_store %arg7[%swap3A_456, %swap3A_457], %swap3A_460 {strides = array<i32>} : memref<3x80xi32, #tpu.memory_space<vmem>>, vector<1x16xi32>,
      %dma_start3A_461 = arith.constant 1 : i32
      %dma_start3A_462 = arith.constant 0 : i32
      %dma_start3A_463 = tpu.memref_slice %arg7[%dma_start3A_461, %dma_start3A_462] : memref<3x80xi32, #tpu.memory_space<vmem>> -> memref<1x80xi32, #tpu.memory_space<vmem>>
      %dma_start3A_464 = tpu.memref_squeeze %dma_start3A_463 : memref<1x80xi32, #tpu.memory_space<vmem>> -> memref<80xi32, #tpu.memory_space<vmem>>
      %dma_start3A_465 = arith.constant 0 : i32
      %dma_start3A_466 = arith.constant 0 : i32
      %dma_start3A_467 = tpu.memref_slice %arg8[%dma_start3A_465, %dma_start3A_466] : memref<10240x16xf32, #tpu.memory_space<vmem_shared>> -> memref<10240x16xf32, #tpu.memory_space<vmem_shared>>
      tpu.enqueue_indirect_dma source(%arg5 : memref<80x16xf32, #tpu.memory_space<vmem>>) target(%dma_start3A_467 : memref<10240x16xf32, #tpu.memory_space<vmem_shared>>) offsets(%dma_start3A_464 : memref<80xi32, #tpu.memory_space<vmem>>) semaphore(%arg10 : memref<!tpu.dma_semaphore, #tpu.memory_space<semaphore_mem>>) {add = true}
      %dma_wait3A_468 = arith.constant 0 : i32
      %dma_wait3A_469 = arith.constant 0 : i32
      %dma_wait3A_470 = tpu.memref_slice %arg7[%dma_wait3A_468, %dma_wait3A_469] : memref<3x80xi32, #tpu.memory_space<vmem>> -> memref<1x80xi32, #tpu.memory_space<vmem>>
      %dma_wait3A_471 = tpu.memref_squeeze %dma_wait3A_470 : memref<1x80xi32, #tpu.memory_space<vmem>> -> memref<80xi32, #tpu.memory_space<vmem>>
      %dma_wait3A_472 = arith.constant 0 : i32
      %dma_wait3A_473 = arith.constant 0 : i32
      %dma_wait3A_474 = tpu.memref_slice %arg8[%dma_wait3A_472, %dma_wait3A_473] : memref<10240x16xf32, #tpu.memory_space<vmem_shared>> -> memref<10240x16xf32, #tpu.memory_space<vmem_shared>>
      tpu.wait_indirect_dma semaphore(%arg9 : memref<!tpu.dma_semaphore, #tpu.memory_space<semaphore_mem>>) src(%arg5 : memref<80x16xf32, #tpu.memory_space<vmem>>) dst(%dma_wait3A_474 : memref<10240x16xf32, #tpu.memory_space<vmem_shared>>)
    }
    %scan3A_173 = arith.constant 41 : i32
    %dma_wait3A_174 = arith.constant 1 : i32
    %dma_wait3A_175 = arith.constant 0 : i32
    %dma_wait3A_176 = tpu.memref_slice %arg7[%dma_wait3A_174, %dma_wait3A_175] : memref<3x80xi32, #tpu.memory_space<vmem>> -> memref<1x80xi32, #tpu.memory_space<vmem>>
    %dma_wait3A_177 = tpu.memref_squeeze %dma_wait3A_176 : memref<1x80xi32, #tpu.memory_space<vmem>> -> memref<80xi32, #tpu.memory_space<vmem>>
    %dma_wait3A_178 = arith.constant 0 : i32
    %dma_wait3A_179 = arith.constant 0 : i32
    %dma_wait3A_180 = tpu.memref_slice %arg8[%dma_wait3A_178, %dma_wait3A_179] : memref<10240x16xf32, #tpu.memory_space<vmem_shared>> -> memref<10240x16xf32, #tpu.memory_space<vmem_shared>>
    tpu.wait_indirect_dma semaphore(%arg10 : memref<!tpu.dma_semaphore, #tpu.memory_space<semaphore_mem>>) src(%arg5 : memref<80x16xf32, #tpu.memory_space<vmem>>) dst(%dma_wait3A_180 : memref<10240x16xf32, #tpu.memory_space<vmem_shared>>)
    %barrier3A_181 = arith.constant 0 : index
    tpu.barrier barrier_id(%barrier3A_181)
    "tpu.region"() ({
      %run_scoped3A = tpu.sem_alloc : memref<!tpu.dma_semaphore, #tpu.memory_space<semaphore_mem>>
      %dma_start3A_182 = arith.constant 0 : i32
      %dma_start3A_183 = tpu.memref_slice %arg3[%arg0, %mul3A_19, %dma_start3A_182] : memref<2x10240x16xf32, #tpu.memory_space<hbm>> -> memref<1x640x16xf32, #tpu.memory_space<hbm>>
      %dma_start3A_184 = tpu.memref_squeeze %dma_start3A_183 : memref<1x640x16xf32, #tpu.memory_space<hbm>> -> memref<640x16xf32, #tpu.memory_space<hbm>>
      %dma_start3A_185 = arith.constant 0 : i32
      %dma_start3A_186 = tpu.memref_slice %arg8[%mul3A_19, %dma_start3A_185] : memref<10240x16xf32, #tpu.memory_space<vmem_shared>> -> memref<640x16xf32, #tpu.memory_space<vmem_shared>>
      tpu.enqueue_dma source(%dma_start3A_186 : memref<640x16xf32, #tpu.memory_space<vmem_shared>>) target(%dma_start3A_184 : memref<640x16xf32, #tpu.memory_space<hbm>>) target_semaphore(%run_scoped3A : memref<!tpu.dma_semaphore, #tpu.memory_space<semaphore_mem>>)
      %dma_wait3A_187 = arith.constant 0 : i32
      %dma_wait3A_188 = tpu.memref_slice %arg3[%arg0, %mul3A_19, %dma_wait3A_187] : memref<2x10240x16xf32, #tpu.memory_space<hbm>> -> memref<1x640x16xf32, #tpu.memory_space<hbm>>
      %dma_wait3A_189 = tpu.memref_squeeze %dma_wait3A_188 : memref<1x640x16xf32, #tpu.memory_space<hbm>> -> memref<640x16xf32, #tpu.memory_space<hbm>>
      %dma_wait3A_190 = arith.constant 0 : i32
      %dma_wait3A_191 = tpu.memref_slice %arg8[%mul3A_19, %dma_wait3A_190] : memref<10240x16xf32, #tpu.memory_space<vmem_shared>> -> memref<640x16xf32, #tpu.memory_space<vmem_shared>>
      tpu.wait_dma2 semaphore(%run_scoped3A : memref<!tpu.dma_semaphore, #tpu.memory_space<semaphore_mem>>) src(%dma_wait3A_191 : memref<640x16xf32, #tpu.memory_space<vmem_shared>>) dst(%dma_wait3A_189 : memref<640x16xf32, #tpu.memory_space<hbm>>)
      tpu.yield
    }) : () -> ()
    return
  }
}

module attributes {stable_mosaic.version = 14 : i64} {
  func.func @_tc_head_body(%arg0: i32, %arg1: memref<1024x128xf32, #tpu.memory_space<vmem>>, %arg2: memref<2x1024x128xf32, #tpu.memory_space<vmem>>, %arg3: memref<2x1024x16xf32, #tpu.memory_space<vmem>>, %arg4: memref<128x128xf32, #tpu.memory_space<vmem>>, %arg5: memref<1x128xf32, #tpu.memory_space<vmem>>, %arg6: memref<128x128xf32, #tpu.memory_space<vmem>>, %arg7: memref<64x128xf32, #tpu.memory_space<vmem>>, %arg8: memref<1x64xf32, #tpu.memory_space<vmem>>, %arg9: memref<1024x128xf32, #tpu.memory_space<vmem>>, %arg10: memref<1024x64xf32, #tpu.memory_space<vmem>>) attributes {dimension_semantics = [#tpu.dimension_semantics<arbitrary>], iteration_bounds = array<i64: 10>, scalar_prefetch = 0 : i64, scratch_operands = 0 : i64, tpu.core_type = #tpu.core_type<tc>, window_params = [{transform_indices = @transform_0, window_bounds = array<i64: 1024, 128>}, {transform_indices = @transform_1, window_bounds = array<i64: 2, 1024, 128>}, {transform_indices = @transform_2, window_bounds = array<i64: 2, 1024, 16>}, {pipeline_mode = #tpu.pipeline_mode<synchronous>, transform_indices = @transform_3, window_bounds = array<i64: 128, 128>}, {pipeline_mode = #tpu.pipeline_mode<synchronous>, transform_indices = @transform_4, window_bounds = array<i64: 1, 128>}, {pipeline_mode = #tpu.pipeline_mode<synchronous>, transform_indices = @transform_5, window_bounds = array<i64: 128, 128>}, {pipeline_mode = #tpu.pipeline_mode<synchronous>, transform_indices = @transform_6, window_bounds = array<i64: 64, 128>}, {pipeline_mode = #tpu.pipeline_mode<synchronous>, transform_indices = @transform_7, window_bounds = array<i64: 1, 64>}, {transform_indices = @transform_8, window_bounds = array<i64: 1024, 128>}, {transform_indices = @transform_9, window_bounds = array<i64: 1024, 64>}]} {
    %get3A = arith.constant 0 : index
    %get3A_0 = arith.constant 0 : index
    %get3A_1 = arith.constant 0 : index
    %get3A_2 = vector.load %arg2[%get3A, %get3A_0, %get3A_1] : memref<2x1024x128xf32, #tpu.memory_space<vmem>>, vector<1x1024x128xf32>
    %get3A_3 = vector.shape_cast %get3A_2 : vector<1x1024x128xf32> to vector<1024x128xf32>
    %get3A_4 = arith.constant 1 : index
    %get3A_5 = arith.constant 0 : index
    %get3A_6 = arith.constant 0 : index
    %get3A_7 = vector.load %arg2[%get3A_4, %get3A_5, %get3A_6] : memref<2x1024x128xf32, #tpu.memory_space<vmem>>, vector<1x1024x128xf32>
    %get3A_8 = vector.shape_cast %get3A_7 : vector<1x1024x128xf32> to vector<1024x128xf32>
    %add3A = arith.addf %get3A_3, %get3A_8 : vector<1024x128xf32>
    %get3A_9 = arith.constant 0 : index
    %get3A_10 = arith.constant 0 : index
    %get3A_11 = arith.constant 0 : index
    %get3A_12 = vector.load %arg3[%get3A_9, %get3A_10, %get3A_11] : memref<2x1024x16xf32, #tpu.memory_space<vmem>>, vector<1x1024x1xf32>
    %get3A_13 = vector.shape_cast %get3A_12 : vector<1x1024x1xf32> to vector<1024xf32>
    %get3A_14 = arith.constant 1 : index
    %get3A_15 = arith.constant 0 : index
    %get3A_16 = arith.constant 0 : index
    %get3A_17 = vector.load %arg3[%get3A_14, %get3A_15, %get3A_16] : memref<2x1024x16xf32, #tpu.memory_space<vmem>>, vector<1x1024x1xf32>
    %get3A_18 = vector.shape_cast %get3A_17 : vector<1x1024x1xf32> to vector<1024xf32>
    %add3A_19 = arith.addf %get3A_13, %get3A_18 : vector<1024xf32>
    %max3A = arith.constant 1.000000e+00 : f32
    %max3A_20 = vector.broadcast %max3A : f32 to vector<1024xf32>
    %max3A_21 = arith.maximumf %add3A_19, %max3A_20 : vector<1024xf32>
    %broadcast_in_dim3A = vector.shape_cast %max3A_21 : vector<1024xf32> to vector<1024x1xf32>
    %div3A = vector.broadcast %broadcast_in_dim3A : vector<1024x1xf32> to vector<1024x128xf32>
    %div3A_22 = arith.divf %add3A, %div3A : vector<1024x128xf32>
    %get3A_23 = arith.constant 0 : index
    %get3A_24 = arith.constant 0 : index
    %get3A_25 = vector.load %arg4[%get3A_23, %get3A_24] : memref<128x128xf32, #tpu.memory_space<vmem>>, vector<128x128xf32>
    %dot_general3A = arith.constant dense<0.000000e+00> : vector<1024x128xf32>
    %dot_general3A_26 = tpu.matmul %div3A_22, %get3A_25, %dot_general3A {dimension_numbers = #tpu.dot_dimension_numbers<[1], [1], [0], [0], [0, 0, 1, 0], [], []>, transpose_lhs_hint = false} : vector<1024x128xf32>, vector<128x128xf32>, vector<1024x128xf32> -> vector<1024x128xf32>
    %get3A_27 = arith.constant 0 : index
    %get3A_28 = arith.constant 0 : index
    %get3A_29 = vector.load %arg1[%get3A_27, %get3A_28] : memref<1024x128xf32, #tpu.memory_space<vmem>>, vector<1024x128xf32>
    %get3A_30 = arith.constant 0 : index
    %get3A_31 = arith.constant 0 : index
    %get3A_32 = vector.load %arg6[%get3A_30, %get3A_31] : memref<128x128xf32, #tpu.memory_space<vmem>>, vector<128x128xf32>
    %dot_general3A_33 = arith.constant dense<0.000000e+00> : vector<1024x128xf32>
    %dot_general3A_34 = tpu.matmul %get3A_29, %get3A_32, %dot_general3A_33 {dimension_numbers = #tpu.dot_dimension_numbers<[1], [1], [0], [0], [0, 0, 1, 0], [], []>, transpose_lhs_hint = false} : vector<1024x128xf32>, vector<128x128xf32>, vector<1024x128xf32> -> vector<1024x128xf32>
    %add3A_35 = arith.addf %dot_general3A_26, %dot_general3A_34 : vector<1024x128xf32>
    %get3A_36 = arith.constant 0 : index
    %get3A_37 = arith.constant 0 : index
    %get3A_38 = vector.load %arg5[%get3A_36, %get3A_37] : memref<1x128xf32, #tpu.memory_space<vmem>>, vector<1x128xf32>
    %add3A_39 = vector.broadcast %get3A_38 : vector<1x128xf32> to vector<1024x128xf32>
    %add3A_40 = arith.addf %add3A_35, %add3A_39 : vector<1024x128xf32>
    %swap3A = arith.constant 0 : index
    %swap3A_41 = arith.constant 0 : index
    %swap3A_42 = vector.load %arg9[%swap3A, %swap3A_41] : memref<1024x128xf32, #tpu.memory_space<vmem>>, vector<1024x128xf32>
    tpu.vector_store %arg9[%swap3A, %swap3A_41], %add3A_40 {strides = array<i32>} : memref<1024x128xf32, #tpu.memory_space<vmem>>, vector<1024x128xf32>,
    %max3A_43 = arith.constant 0.000000e+00 : f32
    %max3A_44 = vector.broadcast %max3A_43 : f32 to vector<1024x128xf32>
    %max3A_45 = arith.maximumf %add3A_40, %max3A_44 : vector<1024x128xf32>
    %get3A_46 = arith.constant 0 : index
    %get3A_47 = arith.constant 0 : index
    %get3A_48 = vector.load %arg7[%get3A_46, %get3A_47] : memref<64x128xf32, #tpu.memory_space<vmem>>, vector<64x128xf32>
    %dot_general3A_49 = arith.constant dense<0.000000e+00> : vector<1024x64xf32>
    %dot_general3A_50 = tpu.matmul %max3A_45, %get3A_48, %dot_general3A_49 {dimension_numbers = #tpu.dot_dimension_numbers<[1], [1], [0], [0], [0, 0, 1, 0], [], []>, transpose_lhs_hint = false} : vector<1024x128xf32>, vector<64x128xf32>, vector<1024x64xf32> -> vector<1024x64xf32>
    %get3A_51 = arith.constant 0 : index
    %get3A_52 = arith.constant 0 : index
    %get3A_53 = vector.load %arg8[%get3A_51, %get3A_52] : memref<1x64xf32, #tpu.memory_space<vmem>>, vector<1x64xf32>
    %add3A_54 = vector.broadcast %get3A_53 : vector<1x64xf32> to vector<1024x64xf32>
    %add3A_55 = arith.addf %dot_general3A_50, %add3A_54 : vector<1024x64xf32>
    %swap3A_56 = arith.constant 0 : index
    %swap3A_57 = arith.constant 0 : index
    %swap3A_58 = vector.load %arg10[%swap3A_56, %swap3A_57] : memref<1024x64xf32, #tpu.memory_space<vmem>>, vector<1024x64xf32>
    tpu.vector_store %arg10[%swap3A_56, %swap3A_57], %add3A_55 {strides = array<i32>} : memref<1024x64xf32, #tpu.memory_space<vmem>>, vector<1024x64xf32>,
    return
  }
  func.func @transform_0(%arg0: i32) -> (i32, i32) {
    %c0_i32 = arith.constant 0 : i32
    %c0_i32_0 = arith.constant 0 : i32
    return %arg0, %c0_i32 : i32, i32
  }
  func.func @transform_1(%arg0: i32) -> (i32, i32, i32) {
    %c0_i32 = arith.constant 0 : i32
    %c0_i32_0 = arith.constant 0 : i32
    %c0_i32_1 = arith.constant 0 : i32
    return %c0_i32, %arg0, %c0_i32_0 : i32, i32, i32
  }
  func.func @transform_2(%arg0: i32) -> (i32, i32, i32) {
    %c0_i32 = arith.constant 0 : i32
    %c0_i32_0 = arith.constant 0 : i32
    %c0_i32_1 = arith.constant 0 : i32
    return %c0_i32, %arg0, %c0_i32_0 : i32, i32, i32
  }
  func.func @transform_3(%arg0: i32) -> (i32, i32) {
    %c0_i32 = arith.constant 0 : i32
    %c0_i32_0 = arith.constant 0 : i32
    %c0_i32_1 = arith.constant 0 : i32
    return %c0_i32, %c0_i32_0 : i32, i32
  }
  func.func @transform_4(%arg0: i32) -> (i32, i32) {
    %c0_i32 = arith.constant 0 : i32
    %c0_i32_0 = arith.constant 0 : i32
    %c0_i32_1 = arith.constant 0 : i32
    return %c0_i32, %c0_i32_0 : i32, i32
  }
  func.func @transform_5(%arg0: i32) -> (i32, i32) {
    %c0_i32 = arith.constant 0 : i32
    %c0_i32_0 = arith.constant 0 : i32
    %c0_i32_1 = arith.constant 0 : i32
    return %c0_i32, %c0_i32_0 : i32, i32
  }
  func.func @transform_6(%arg0: i32) -> (i32, i32) {
    %c0_i32 = arith.constant 0 : i32
    %c0_i32_0 = arith.constant 0 : i32
    %c0_i32_1 = arith.constant 0 : i32
    return %c0_i32, %c0_i32_0 : i32, i32
  }
  func.func @transform_7(%arg0: i32) -> (i32, i32) {
    %c0_i32 = arith.constant 0 : i32
    %c0_i32_0 = arith.constant 0 : i32
    %c0_i32_1 = arith.constant 0 : i32
    return %c0_i32, %c0_i32_0 : i32, i32
  }
  func.func @transform_8(%arg0: i32) -> (i32, i32) {
    %c0_i32 = arith.constant 0 : i32
    %c0_i32_0 = arith.constant 0 : i32
    return %arg0, %c0_i32 : i32, i32
  }
  func.func @transform_9(%arg0: i32) -> (i32, i32) {
    %c0_i32 = arith.constant 0 : i32
    %c0_i32_0 = arith.constant 0 : i32
    return %arg0, %c0_i32 : i32, i32
  }
}

</mosaic_0001>

<sc_bundles>
// kernel: kernel.5.cloned.1.call-start
scs
__scs_entry_jumppad:
0x0: {  	(pc) =	sbr.rel $0x88, $3  }
0x1: {  	(tag) =	ssettag $0x0;
	lr =	simm.s32 $0x1  }
0x2: {  	[smem:$0x3F9A] =	sst lr;
	_ =	strace $0xD0000000  }
0x3: {  	_ = 	snop  }
0x4: {  	_ = 	snop  }
0x5: {  	_ = 	snop  }
0x6: {  	_ = 	snop  }
0x7: {  	_ = 	snop  }
__scs_overlays_trampoline_lowered:
0x8: {  	[smem:$0x3FA9] =	sst s0  }
0x9: {  	[smem:$0x3FAA] =	sst s1  }
0xa: {  	[smem:$0x3FAB] =	sst s2  }
0xb: {  	[smem:$0x3FAC] =	sst s3  }
0xc: {  	[smem:$0x3FAD] =	sst s4  }
0xd: {  	[smem:$0x3FAE] =	sst s5  }
0xe: {  	[smem:$0x3FAF] =	sst s6  }
0xf: {  	[smem:$0x3FB0] =	sst s7  }
0x10: {  	[smem:$0x3FB1] =	sst s8  }
0x11: {  	[smem:$0x3FB2] =	sst s9;
	s0 =	simm.s32 @!p0 $0x0  }
0x12: {  	s1 =	sld [smem:$0x3F98];
	s0 =	simm.s32 @p0 $0x1  }
0x13: {  	[smem:$0x3FB3] =	sst s0;
	s0 =	simm.s32 @!p1 $0x0  }
0x14: {  	s2 =	sld [smem:$0x3F97];
	s0 =	simm.s32 @p1 $0x1  }
0x15: {  	[smem:$0x3FB4] =	sst s0;
	s0 =	simm.s32 @!p2 $0x0  }
0x16: {  	s3 =	sld [smem:$0x3FDB];
	s0 =	simm.s32 @p2 $0x1  }
0x17: {  	s4 =	simm.s32 $0x1BF5;
	[smem:$0x3FB6] =	sst s0  }
0x18: {  	s0 =	sld [smem:$0x3F99];
	_ =	swait.ge [sflag:s4], $0x0  }
0x19: {  	s7 =	sld [smem:$0x3F9A]  }
0x1a: {  	s8 =	sadd.s32 $0xFFFFE003, lr  }
0x1b: {  	s9 =	sadd.s32 $0xFFFFFEF7, lr;
	s5 =	simm.s32 $0xFFFFFFFF;
	p2 =	slt.u32 s8, $0xFFFFF086  }
0x1c: {  	p1 =	slt.u32 s9, $0xF7A;
	s5 =	simm.s32 @!p2 $0x0  }
0x1d: {  	s5 =	simm.s32 @p1 $0x1;
	p0 =	seq.s32 s7, s2  }
0x1e: {  	s7 =	smul.u32 @!p0 $0xF7A, s2;
	p2 =	seq.s32 @!p0 s5, $0x0  }
0x1f: {  	s9 =	smul.u32 $0xF7A, s1;
	s8 =	simm.s32 @!p0 $0x1BF5;
	p2 =	por !p2, p0  }
0x20: {  	[sflag:s8] =	ssyncset.s32 @!p0 $0xFFFFF086;
	s6 =	sadd.s32 @!p0 s3, s7;
	s7 =	simm.s32 @!p0 $0x108  }
0x21: {  	s3 =	sadd.s32 s3, s9;
	s6 =	sadd.s32 @!p0 $0x88, s6;
	s7 =	simm.s32 @p2 $0x1082  }
0x22: {  	[simem:s7], [sflag:s8] =	dma.local @!p0 [hbm:s6], $0xF7A  }
0x23: {  	s9 =	sor.u32 $0xD0000000, s2;
	s6 =	simm.s32 $0x108;
	_ =	swait.ge @!p0 [sflag:s8], $0x0  }
0x24: {  	s3 =	sadd.s32 $0x88, s3;
	s6 =	simm.s32 @!p1 $0x1082;
	[sflag:s4] =	ssyncset.s32 $0xFFFFF086  }
0x25: {  	[simem:s6], [sflag:s4] =	dma.local [hbm:s3], $0xF7A  }
0x26: {  	[smem:$0x3F9A] =	sst s1;
	(tag) =	ssettag s2;
	_ =	strace s9  }
0x27: {  	s1 =	sld [smem:$0x3FAA]  }
0x28: {  	s2 =	sld [smem:$0x3FAB]  }
0x29: {  	s4 =	sld [smem:$0x3FAD]  }
0x2a: {  	p0 =	seq.s32 s5, $0x0;
	s5 =	sld [smem:$0x3FAE]  }
0x2b: {  	s6 =	sld [smem:$0x3FAF]  }
0x2c: {  	s7 =	sld [smem:$0x3FB0]  }
0x2d: {  	s3 =	simm.s32 $0x108;
	s8 =	sld [smem:$0x3FB1]  }
0x2e: {  	s3 =	simm.s32 @!p0 $0x1082;
	s9 =	sld [smem:$0x3FB2]  }
0x2f: {  	lr =	sadd.s32 s0, s3;
	s0 =	sld [smem:$0x3FA9]  }
0x30: {  	s3 =	sld [smem:$0x3FAC]  }
0x31: {  	[smem:$0x3FB5] =	sst s10  }
0x32: {  	s10 =	sld [smem:$0x3FB3];
	_ =	sdelay $0x3  }
0x33: {  	p0 =	seq.s32 s10, $0x1;
	s10 =	sld [smem:$0x3FB5];
	_ =	sdelay $0x3  }
0x34: {  	[smem:$0x3FB5] =	sst s10  }
0x35: {  	s10 =	sld [smem:$0x3FB4];
	_ =	sdelay $0x3  }
0x36: {  	p1 =	seq.s32 s10, $0x1;
	s10 =	sld [smem:$0x3FB5];
	_ =	sdelay $0x3  }
0x37: {  	[smem:$0x3FB5] =	sst s10  }
0x38: {  	s10 =	sld [smem:$0x3FB6]  }
0x39: {  	_ = 	snop;
	(pc) =	sbr.ind lr, $3  }
0x3a: {  	_ = 	snop  }
0x3b: {  	_ = 	snop  }
0x3c: {  	p2 =	seq.s32 s10, $0x1;
	s10 =	sld [smem:$0x3FB5]  }
0x3d: {  	_ =	shalt  }
0x3e: {  	_ =	shalt  }
0x3f: {  	_ =	shalt  }
0x40: {  	_ =	shalt  }
0x41: {  	_ =	shalt  }
0x42: {  	_ =	shalt  }
0x43: {  	_ =	shalt  }
0x44: {  	_ =	shalt  }
0x45: {  	_ =	shalt  }
0x46: {  	_ =	shalt  }
0x47: {  	_ =	shalt  }
0x48: {  	_ =	shalt  }
0x49: {  	_ =	shalt  }
0x4a: {  	_ =	shalt  }
0x4b: {  	_ =	shalt  }
0x4c: {  	_ =	shalt  }
0x4d: {  	_ =	shalt  }
0x4e: {  	_ =	shalt  }
0x4f: {  	_ =	shalt  }
0x50: {  	_ =	shalt  }
0x51: {  	_ =	shalt  }
0x52: {  	_ =	shalt  }
0x53: {  	_ =	shalt  }
0x54: {  	_ =	shalt  }
0x55: {  	_ =	shalt  }
0x56: {  	_ =	shalt  }
0x57: {  	_ =	shalt  }
0x58: {  	_ =	shalt  }
0x59: {  	_ =	shalt  }
0x5a: {  	_ =	shalt  }
0x5b: {  	_ =	shalt  }
0x5c: {  	_ =	shalt  }
0x5d: {  	_ =	shalt  }
0x5e: {  	_ =	shalt  }
0x5f: {  	_ =	shalt  }
0x60: {  	_ =	shalt  }
0x61: {  	_ =	shalt  }
0x62: {  	_ =	shalt  }
0x63: {  	_ =	shalt  }
0x64: {  	_ =	shalt  }
0x65: {  	_ =	shalt  }
0x66: {  	_ =	shalt  }
0x67: {  	_ =	shalt  }
0x68: {  	_ =	shalt  }
0x69: {  	_ =	shalt  }
0x6a: {  	_ =	shalt  }
0x6b: {  	_ =	shalt  }
0x6c: {  	_ =	shalt  }
0x6d: {  	_ =	shalt  }
0x6e: {  	_ =	shalt  }
0x6f: {  	_ =	shalt  }
0x70: {  	_ =	shalt  }
0x71: {  	_ =	shalt  }
0x72: {  	_ =	shalt  }
0x73: {  	_ =	shalt  }
0x74: {  	_ =	shalt  }
0x75: {  	_ =	shalt  }
0x76: {  	_ =	shalt  }
0x77: {  	_ =	shalt  }
0x78: {  	_ =	shalt  }
0x79: {  	_ =	shalt  }
0x7a: {  	_ =	shalt  }
0x7b: {  	_ =	shalt  }
0x7c: {  	_ =	shalt  }
0x7d: {  	_ =	shalt  }
0x7e: {  	_ =	shalt  }
0x7f: {  	_ =	shalt  }
0x80: {  	_ =	shalt  }
0x81: {  	_ =	shalt  }
0x82: {  	_ =	shalt  }
0x83: {  	_ =	shalt  }
0x84: {  	_ =	shalt  }
0x85: {  	_ =	shalt  }
0x86: {  	_ =	shalt  }
0x87: {  	_ =	shalt  }
.Lfunc_end0:
.L_simem_size_0:
called_computation_lowered:
.L_overlay_start_0:
0x88: {  	s2 =	sld [smem:$0x3FD9]  }
0x89: {  	s3 =	sld [smem:$0x3FFE];
	_ =	sdelay $0x1  }
0x8a: {  	s1 =	srdreg.scid  }
0x8b: {  	s0 =	sand.u32 $0x1, s1  }
0x8c: {  	s15 =	sshll.u32 s0, $0xA;
	s2 =	sadd.s32 s3, s2  }
0x8d: {  	s2 =	sadd.s32 s2, s15  }
0x8e: {  	[smem:$0x3FC1] =	sst s2  }
0x8f: {  	_ = 	snop  }
0x90: {  	s2 =	sld [smem:$0x3FD0];
	_ =	sdelay $0x2  }
0x91: {  	s4 =	simm.s32 $0xB;
	s5 =	simm.s32 $0x10;
	s16 =	sld [smem:$0x3FC9]  }
0x92: {  	[smem:s5], [sflag:s4] =	dma.local [hbm:s2], $0x1  }
0x93: {  	_ =	swait.eq [sflag:s4], $0x1  }
0x94: {  	[sflag:s4] =	ssyncset.done $0x0  }
0x95: {  	[sflag:s4] =	ssyncadd.s32 $0xFFFFFFFF  }
0x96: {  	s17 =	sld [smem:$0x10];
	(tm) =	ssettm $0x1  }
0x97: {  	s18 =	sld [smem:$0x3FFB];
	_ =	sdelay $0x3  }
0x98: {  	_ =	strace s18  }
0x99: {  	s2 =	sld [smem:$0x3FFC];
	_ =	sdelay $0x3  }
0x9a: {  	_ =	strace s2  }
0x9b: {  	s2 =	sld [smem:$0x3FFD];
	_ =	sdelay $0x3  }
0x9c: {  	_ =	strace s2  }
0x9d: {  	_ =	strace $0x8FFFFFFF  }
0x9e: {  	s19 =	sld [smem:$0x3FDB];
	_ =	sdelay $0x1  }
0x9f: {  	s20 =	simm.s32 $_scs_section_size  }
0xa0: {  	s6 =	simm.s32 $_size__tile_overlayer_lowered;
	s7 =	simm.s32 $_tile_overlayer_lowered  }
0xa1: {  	s8 =	simm.s32 $0x1BFF;
	s21 =	sshll.u32 s7, $0x1;
	s5 =	sadd.s32 s20, s19  }
0xa2: {  	s22 =	simm.s32 $0x0;
	s6 =	sshll.u32 s6, $0x1;
	s7 =	sadd.s32 s21, s5  }
0xa3: {  	[timem:s22], [sflag:s8] =	dma.local [hbm:s7], s6  }
0xa4: {  	_ =	swait.ge [sflag:s8], s6  }
0xa5: {  	s6 =	ssub.s32 $0x0, s6;
	[sflag:s8] =	ssyncset.done $0x0  }
0xa6: {  	[sflag:s8] =	ssyncadd.s32 s6;
	_ =	sdelay $0x1  }
0xa7: {  	s23 =	simm.s32 $0x1B8B  }
0xa8: {  	_ =	swait.ge [sflag:s23], $0x1  }
0xa9: {  	[sflag:s23] =	ssyncset.done $0x0  }
0xaa: {  	[sflag:s23] =	ssyncadd.s32 $0xFFFFFFFF  }
0xab: {  	s6 =	sld [smem:$0x0]  }
0xac: {  	s7 =	sand.u32 $0xFFFFFFFE, s1  }
0xad: {  	p0 =	sne.s32 s1, s7  }
0xae: {  	s7 =	sshll.u32 @p0 s7, $0xE  }
0xaf: {  	s7 =	sadd.s32 @p0 $0x11B8D, s7;
	s8 =	sshll.u32 @p0 s6, $0x11  }
0xb0: {  	s7 =	sor.u32 @p0 s8, s7  }
0xb1: {  	[sflag:s7] =	ssyncadd.remote.s32 @p0 $0x1;
	_ =	sdelay $0x1  }
0xb2: {  	s7 =	simm.s32 @p0 $0x1B8D  }
0xb3: {  	_ =	swait.eq @p0 [sflag:s7], $0x1  }
0xb4: {  	[sflag:s7] =	ssyncadd.s32 @p0 $0xFFFFFFFF  }
0xb5: {  	s8 =	sshll.u32 @!p0 s1, $0xE  }
0xb6: {  	s8 =	sor.u32 @!p0 $0x4000, s8;
	s7 =	simm.s32 @!p0 $0x1B8D  }
0xb7: {  	s6 =	sshll.u32 @!p0 s6, $0x11;
	s8 =	sadd.s32 @!p0 $0x11B8D, s8;
	_ =	swait.eq @!p0 [sflag:s7], $0x1  }
0xb8: {  	s6 =	sor.u32 @!p0 s6, s8;
	[sflag:s7] =	ssyncadd.s32 @!p0 $0xFFFFFFFF  }
0xb9: {  	s25 =	simm.s32 $0x1B8E;
	s24 =	sld [smem:$0x3FFE];
	[sflag:s6] =	ssyncadd.remote.s32 @!p0 $0x1  }
0xba: {  	s26 =	simm.s32 $execute0_lowered;
	[smem:$0x3FD2] =	sst s25  }
0xbb: {  	s7 =	sshll.u32 s26, $0x1;
	_ =	strace $0x80000049;
	[dreg:$0x1] =	wrdreg $0xFFFFFFFF  }
0xbc: {  	s28 =	simm.s32 $_size_execute0_lowered;
	s5 =	sadd.s32 s5, s7;
	[dreg:$0x0] =	wrdreg $0x0  }
0xbd: {  	s7 =	sshll.u32 s28, $0x1;
	[dreg:$0x2] =	wrdreg s5  }
0xbe: {  	[dreg:$0x3] =	wrdreg s7  }
0xbf: {  	[dreg:$0x4] =	wrdreg $0xC0  }
0xc0: {  	_ =	task [dreg:s22], $0x5FFFF  }
0xc1: {  	[dreg:$0x1] =	wrdreg $0xFFFFFFFF  }
0xc2: {  	[dreg:$0x0] =	wrdreg $0x60  }
0xc3: {  	[dreg:$0x2] =	wrdreg s16  }
0xc4: {  	[dreg:$0x3] =	wrdreg s17  }
0xc5: {  	[dreg:$0x4] =	wrdreg s24  }
0xc6: {  	[dreg:$0x5] =	wrdreg $0xA3800  }
0xc7: {  	[dreg:$0x6] =	wrdreg $0x9  }
0xc8: {  	_ =	task.clear_ibuf [dreg:s22], $0x7FFFF;
	_ =	strace $0x90000049  }
0xc9: {  	s29 =	simm.s32 $0x9;
	_ =	strace $0x8000004B  }
0xca: {  	_ =	swait.ge [sflag:s29], $0x1  }
0xcb: {  	[sflag:s29] =	ssyncadd.s32 $0xFFFFFFFF  }
0xcc: {  	_ =	strace $0x9000004B  }
0xcd: {  	_ =	sfence  }
0xce: {  	s30 =	sld [smem:$0x0];
	_ =	sdelay $0x2  }
0xcf: {  	s31 =	sshll.u32 s1, $0xD;
	s1 =	sshrl.u32 s1, $0x2  }
0xd0: {  	s4 =	sand.u32 $0x4000, s31;
	s1 =	sadd.s32 s1, s30  }
0xd1: {  	s0 =	sor.u32 s4, s0;
	s1 =	sshll.u32 s1, $0x11  }
0xd2: {  	s0 =	sor.u32 s1, s0  }
0xd3: {  	s0 =	sadd.s32 $0x8F2B, s0  }
0xd4: {  	[sflag:s0] =	ssyncadd.remote.s32 $0x1  }
0xd5: {  	_ =	sfence.sel $0xFFFF  }
0xd6: {  	[dreg:$0x0] =	wrdreg $0xFFFFFFFF;
	(pc) =	sbr.abs _section_cstart, $3  }
0xd7: {  	[dreg:$0x1] =	wrdreg $0xFFFFFFFF  }
0xd8: {  	_ =	task.clear_ibuf [dreg:s22], $0x2FFFF;
	_ =	strace $0x9FFFFFFF  }
0xd9: {  	(tm) =	ssettm $0x7FFFFFFF  }
tec
execute0_lowered:
.L_overlay_start_1:
0x0: {  	(tag) =	ssettag $0x1  }
0x1: {  	s0 =	rddreg [dreg:$0x0]  }
0x2: {  	s1 =	rddreg [dreg:$0x1]  }
0x3: {  	s2 =	srdreg.scid;
	s5 =	rddreg [dreg:$0x2]  }
0x4: {  	s9 =	stileid.u32;
	s3 =	rddreg [dreg:$0x3];
	s4 =	simm.s32 $0x0  }
0x5: {  	s16 =	simm.s32 $0x2780;
	s17 =	simm.s32 $0x7;
	s18 =	simm.s32 $0x50  }
0x6: {  	s19 =	simm.s32 $0x9F80;
	s28 =	simm.s32 $0xA200;
	s29 =	simm.s32 $0x4  }
0x7: {  	s30 =	simm.s32 $0x3;
	s31 =	simm.s32 $0xA280;
	s7 =	smul.u32 $0x14000, s9  }
0x8: {  	s2 =	sand.u32 $0x1, s2;
	[smem:$0x7FF] =	sst s4;
	s20 =	smul.u32 $0x50000, s9  }
0x9: {  	s9 =	sshll.u32 s9, $0x1;
	s6 =	smul.u32 $0x140000, s2;
	_ =	strace $0x8000004A  }
0xa: {  	s8 =	ssub.s32 $0x2, s2;
	s2 =	sor.u32 s2, s9;
	s21 =	sshrl.u32 s20, $0x2  }
0xb: {  	s22 =	sshrl.u32 s8, $0x1;
	s2 =	smul.u32 $0x4E2, s2;
	s20 =	simm.s32 $0xA000  }
0xc: {  	s6 =	sadd.s32 s7, s6;
	s7 =	ssub.s32 s8, s22;
	s22 =	simm.s32 $0x1  }
0xd: {  	s6 =	sshrl.u32 s6, $0x3;
	s13 =	sadd.s32 s1, s2;
	s15 =	smax.u32 s7, $0x1  }
0xe: {  	s2 =	simm.s32 $0x5;
	s6 =	sadd.s32 s6, s5;
	s5 =	sadd.s32 s21, s3  }
0xf: {  	s1 =	simm.s32 $0x6;
	s21 =	simm.s32 $0x4F80;
	s23 =	sadd.s32 $0x2800, s5  }
0x10: {  	s24 =	sadd.s32 $0x5000, s5;
	s25 =	sadd.s32 $0x7800, s5;
	[dreg:$0x5] =	wrdreg s23  }
0x11: {  	s26 =	sadd.s32 $0xA000, s5;
	s10 =	sadd.s32 $0xC800, s5;
	[dreg:$0x6] =	wrdreg s24  }
0x12: {  	s11 =	sadd.s32 $0xF000, s5;
	s12 =	sadd.s32 $0x11800, s5;
	[dreg:$0x7] =	wrdreg s25  }
0x13: {  	s14 =	sadd.s32 $0x1A00, s6;
	[dreg:$0x8] =	wrdreg s26;
	s23 =	simm.s32 $0xA180  }
0x14: {  	v0 =	vimm.f32 $0.0e+00;
	s24 =	simm.s32 $0xA080;
	s25 =	simm.s32 $0x7780;
	s26 =	simm.s32 $0x2  }
.LBB2_1:
0x15: {  	s6 =	simm.s32 $0x0;
	s7 =	simm.s32 $0x200  }
.LBB2_2:
0x16: {  	p0 =	sne.s32 s7, $0x9E00;
	[tilespmem:s6+$0x27F0] =	vst v0  }
0x17: {  	[tilespmem:s6+$0x2780] =	vst v0  }
0x18: {  	[tilespmem:s6+$0x2790] =	vst v0  }
.Ltmp0:
0x19: {  	[tilespmem:s6+$0x27A0] =	vst v0;
	(pc) =	sbr.rel @p0 .LBB2_2-.Ltmp0, $4  }
0x1a: {  	[tilespmem:s6+$0x27B0] =	vst v0  }
0x1b: {  	[tilespmem:s6+$0x27C0] =	vst v0  }
0x1c: {  	[tilespmem:s6+$0x27D0] =	vst v0  }
0x1d: {  	[tilespmem:s6+$0x27E0] =	vst v0;
	s6 =	sshra.s32 s7, $0x2;
	s7 =	sadd.s32 $0x200, s7  }
0x1e: {  	[tilespmem:s6+$0x27F0] =	vst v0  }
0x1f: {  	[tilespmem:s6+$0x2780] =	vst v0  }
0x20: {  	[tilespmem:s6+$0x2790] =	vst v0  }
0x21: {  	[tilespmem:s6+$0x27A0] =	vst v0  }
0x22: {  	[tilespmem:s6+$0x27B0] =	vst v0  }
0x23: {  	[tilespmem:s6+$0x27C0] =	vst v0  }
0x24: {  	[tilespmem:s6+$0x27D0] =	vst v0  }
0x25: {  	[tilespmem:s6+$0x27E0] =	vst v0  }
0x26: {  	[spmem:s5] =	stream.linear.scatter [tilespmem:s16], [sflag:$0x7], $0x2800, $0x38;
	[tilespmem:$0x1E380] =	vst v63  }
0x27: {  	_ =	swait.ge [sflag:s17], $0x2800  }
0x28: {  	[sflag:s17] =	ssyncset.done $0x0  }
0x29: {  	s9 =	rddreg [dreg:$0x5];
	[sflag:s17] =	ssyncadd.s32 $0xFFFFD800  }
0x2a: {  	[spmem:s9] =	stream.linear.scatter [tilespmem:s16], [sflag:$0x7], $0x2800, $0x38;
	[tilespmem:$0x1E380] =	vst v63  }
0x2b: {  	_ =	swait.ge [sflag:s17], $0x2800  }
0x2c: {  	[sflag:s17] =	ssyncset.done $0x0  }
0x2d: {  	s7 =	rddreg [dreg:$0x6];
	[sflag:s17] =	ssyncadd.s32 $0xFFFFD800  }
0x2e: {  	[spmem:s7] =	stream.linear.scatter [tilespmem:s16], [sflag:$0x7], $0x2800, $0x38;
	[tilespmem:$0x1E380] =	vst v63  }
0x2f: {  	_ =	swait.ge [sflag:s17], $0x2800  }
0x30: {  	[sflag:s17] =	ssyncset.done $0x0  }
0x31: {  	s8 =	rddreg [dreg:$0x7];
	[sflag:s17] =	ssyncadd.s32 $0xFFFFD800  }
0x32: {  	[spmem:s8] =	stream.linear.scatter [tilespmem:s16], [sflag:$0x7], $0x2800, $0x38;
	[tilespmem:$0x1E380] =	vst v63  }
0x33: {  	_ =	swait.ge [sflag:s17], $0x2800  }
0x34: {  	[sflag:s17] =	ssyncset.done $0x0  }
0x35: {  	s9 =	rddreg [dreg:$0x8];
	[sflag:s17] =	ssyncadd.s32 $0xFFFFD800  }
0x36: {  	[spmem:s9] =	stream.linear.scatter [tilespmem:s16], [sflag:$0x7], $0x2800, $0x38;
	[tilespmem:$0x1E380] =	vst v63  }
0x37: {  	_ =	swait.ge [sflag:s17], $0x2800  }
0x38: {  	[sflag:s17] =	ssyncset.done $0x0  }
0x39: {  	[sflag:s17] =	ssyncadd.s32 $0xFFFFD800  }
0x3a: {  	[spmem:s10] =	stream.linear.scatter [tilespmem:s16], [sflag:$0x7], $0x2800, $0x38;
	[tilespmem:$0x1E380] =	vst v63  }
0x3b: {  	_ =	swait.ge [sflag:s17], $0x2800  }
0x3c: {  	[sflag:s17] =	ssyncset.done $0x0  }
0x3d: {  	[sflag:s17] =	ssyncadd.s32 $0xFFFFD800  }
0x3e: {  	[spmem:s11] =	stream.linear.scatter [tilespmem:s16], [sflag:$0x7], $0x2800, $0x38;
	[tilespmem:$0x1E380] =	vst v63  }
0x3f: {  	_ =	swait.ge [sflag:s17], $0x2800  }
0x40: {  	[sflag:s17] =	ssyncset.done $0x0  }
0x41: {  	[sflag:s17] =	ssyncadd.s32 $0xFFFFD800  }
0x42: {  	[spmem:s12] =	stream.linear.scatter [tilespmem:s16], [sflag:$0x7], $0x2800, $0x38;
	[tilespmem:$0x1E380] =	vst v63  }
0x43: {  	_ =	swait.ge [sflag:s17], $0x2800  }
0x44: {  	[sflag:s17] =	ssyncset.done $0x0  }
0x45: {  	s7 =	simm.s32 $0x0;
	[sflag:s17] =	ssyncadd.s32 $0xFFFFD800  }
0x46: {  	[tilespmem:s7], [sflag:$0x7] =	stream.linear.gather [hbm4b:s13+s7], $0x2710, $0x38;
	[tilespmem:$0x1E380] =	vst v63  }
0x47: {  	_ =	swait.ge [sflag:s17], $0x2710  }
0x48: {  	[sflag:s17] =	ssyncset.done $0x0  }
0x49: {  	[sflag:s17] =	ssyncadd.s32 $0xFFFFD8F0  }
0x4a: {  	[bflag:$0x0] =	sbarrier.arrive $0xFFFF  }
0x4b: {  	v1 =	vld [tilespmem:$0x0];
	_ =	sdelay $0x1  }
0x4c: {  	v2 =	vld [tilespmem:$0x10];
	_ =	sdelay $0x1  }
0x4d: {  	v3 =	vld [tilespmem:$0x20]  }
0x4e: {  	v4 =	vand.u32 $0xFFFF, v1  }
0x4f: {  	v57 =	vld [tilespmem:$0x30];
	v1 =	vshrl.u32 v1, $0x10;
	[tilespmem:$0x9F80] =	vst v4  }
0x50: {  	[tilespmem:$0xA180] =	vst v1;
	v1 =	vand.u32 $0xFFFF, v2  }
0x51: {  	[tilespmem:$0x9F90] =	vst v1;
	v1 =	vshrl.u32 v2, $0x10;
	v2 =	vld [tilespmem:$0x40]  }
0x52: {  	[tilespmem:$0xA190] =	vst v1;
	v1 =	vand.u32 $0xFFFF, v3  }
0x53: {  	[tilespmem:$0x9FA0] =	vst v1;
	v1 =	vshrl.u32 v3, $0x10  }
0x54: {  	[tilespmem:$0xA1A0] =	vst v1;
	v1 =	vand.u32 $0xFFFF, v57  }
0x55: {  	[tilespmem:$0x9FB0] =	vst v1;
	v1 =	vshrl.u32 v57, $0x10  }
0x56: {  	[tilespmem:$0xA1B0] =	vst v1;
	v1 =	vand.u32 $0xFFFF, v2  }
0x57: {  	[tilespmem:$0x9FC0] =	vst v1;
	v1 =	vshrl.u32 v2, $0x10  }
0x58: {  	[tilespmem:$0xA1C0] =	vst v1  }
0x59: {  	[tilespmem:s16], [sflag:$0x1] =	stream.indirect.gather [hbm4b:s0+s18], $0x80, s19, s18, $0xb8;
	[tilespmem:$0x1E380] =	vst v63  }
0x5a: {  	v1 =	vld [tilespmem:$0x50];
	_ =	sdelay $0x1  }
0x5b: {  	v2 =	vld [tilespmem:$0x60];
	_ =	sdelay $0x1  }
0x5c: {  	v3 =	vld [tilespmem:$0x70]  }
0x5d: {  	v58 =	vand.u32 $0xFFFF, v1  }
0x5e: {  	v59 =	vld [tilespmem:$0x80];
	v1 =	vshrl.u32 v1, $0x10;
	[tilespmem:$0xA000] =	vst v58  }
0x5f: {  	[tilespmem:$0xA200] =	vst v1;
	v1 =	vand.u32 $0xFFFF, v2  }
0x60: {  	[tilespmem:$0xA010] =	vst v1;
	v1 =	vshrl.u32 v2, $0x10;
	v2 =	vld [tilespmem:$0x90]  }
0x61: {  	[tilespmem:$0xA210] =	vst v1;
	v1 =	vand.u32 $0xFFFF, v3  }
0x62: {  	[tilespmem:$0xA020] =	vst v1;
	v1 =	vshrl.u32 v3, $0x10  }
0x63: {  	[tilespmem:$0xA220] =	vst v1;
	v1 =	vand.u32 $0xFFFF, v59  }
0x64: {  	[tilespmem:$0xA030] =	vst v1;
	v1 =	vshrl.u32 v59, $0x10  }
0x65: {  	[tilespmem:$0xA230] =	vst v1;
	v1 =	vand.u32 $0xFFFF, v2  }
0x66: {  	[tilespmem:$0xA040] =	vst v1;
	v1 =	vshrl.u32 v2, $0x10  }
0x67: {  	[tilespmem:$0xA240] =	vst v1  }
0x68: {  	[tilespmem:s21], [sflag:$0x2] =	stream.indirect.gather [hbm4b:s0+s18], $0x80, s20, s18, $0xb8;
	[tilespmem:$0x1E380] =	vst v63  }
0x69: {  	_ =	swait.ge [sflag:s22], $0x2800  }
0x6a: {  	[sflag:s22] =	ssyncset.done $0x0  }
0x6b: {  	[sflag:s22] =	ssyncadd.s32 $0xFFFFD800  }
0x6c: {  	[spmem:s3] =	stream.indirect.scatter.add.f32 [tilespmem:s16], [sflag:$0x4], $0x80, s23, s18, $0xb8;
	[tilespmem:$0x1E380] =	vst v63  }
0x6d: {  	v1 =	vld [tilespmem:$0xA0];
	_ =	sdelay $0x1  }
0x6e: {  	v2 =	vld [tilespmem:$0xB0];
	_ =	sdelay $0x1  }
0x6f: {  	v3 =	vld [tilespmem:$0xC0]  }
0x70: {  	v60 =	vand.u32 $0xFFFF, v1  }
0x71: {  	v61 =	vld [tilespmem:$0xD0];
	v1 =	vshrl.u32 v1, $0x10;
	[tilespmem:$0xA080] =	vst v60  }
0x72: {  	[tilespmem:$0xA280] =	vst v1;
	v1 =	vand.u32 $0xFFFF, v2  }
0x73: {  	[tilespmem:$0xA090] =	vst v1;
	v1 =	vshrl.u32 v2, $0x10;
	v2 =	vld [tilespmem:$0xE0]  }
0x74: {  	[tilespmem:$0xA290] =	vst v1;
	v1 =	vand.u32 $0xFFFF, v3  }
0x75: {  	[tilespmem:$0xA0A0] =	vst v1;
	v1 =	vshrl.u32 v3, $0x10  }
0x76: {  	[tilespmem:$0xA2A0] =	vst v1;
	v1 =	vand.u32 $0xFFFF, v61  }
0x77: {  	[tilespmem:$0xA0B0] =	vst v1;
	v1 =	vshrl.u32 v61, $0x10  }
0x78: {  	[tilespmem:$0xA2B0] =	vst v1;
	v1 =	vand.u32 $0xFFFF, v2  }
0x79: {  	[tilespmem:$0xA0C0] =	vst v1;
	v1 =	vshrl.u32 v2, $0x10  }
0x7a: {  	[tilespmem:$0xA2C0] =	vst v1  }
0x7b: {  	[tilespmem:s25], [sflag:$0x3] =	stream.indirect.gather [hbm4b:s0+s18], $0x80, s24, s18, $0xb8;
	[tilespmem:$0x1E380] =	vst v63  }
0x7c: {  	_ =	swait.ge [sflag:s26], $0x2800  }
0x7d: {  	[sflag:s26] =	ssyncset.done $0x0  }
0x7e: {  	[sflag:s26] =	ssyncadd.s32 $0xFFFFD800  }
0x7f: {  	[spmem:s3] =	stream.indirect.scatter.add.f32 [tilespmem:s21], [sflag:$0x5], $0x80, s28, s18, $0xb8;
	[tilespmem:$0x1E380] =	vst v63  }
0x80: {  	_ =	swait.ge [sflag:s29], $0x2800  }
0x81: {  	[sflag:s29] =	ssyncset.done $0x0  }
0x82: {  	[sflag:s29] =	ssyncadd.s32 $0xFFFFD800  }
0x83: {  	v1 =	vld [tilespmem:$0xF0];
	_ =	sdelay $0x1  }
0x84: {  	v2 =	vld [tilespmem:$0x100];
	_ =	sdelay $0x1  }
0x85: {  	v3 =	vld [tilespmem:$0x110]  }
0x86: {  	v62 =	vand.u32 $0xFFFF, v1  }
0x87: {  	v63 =	vld [tilespmem:$0x120];
	v1 =	vshrl.u32 v1, $0x10;
	[tilespmem:$0x9F80] =	vst v62  }
0x88: {  	[tilespmem:$0xA180] =	vst v1;
	v1 =	vand.u32 $0xFFFF, v2  }
0x89: {  	[tilespmem:$0x9F90] =	vst v1;
	v1 =	vshrl.u32 v2, $0x10;
	v2 =	vld [tilespmem:$0x130]  }
0x8a: {  	[tilespmem:$0xA190] =	vst v1;
	v1 =	vand.u32 $0xFFFF, v3  }
0x8b: {  	[tilespmem:$0x9FA0] =	vst v1;
	v1 =	vshrl.u32 v3, $0x10  }
0x8c: {  	[tilespmem:$0xA1A0] =	vst v1;
	v1 =	vand.u32 $0xFFFF, v63  }
0x8d: {  	[tilespmem:$0x9FB0] =	vst v1;
	v1 =	vshrl.u32 v63, $0x10  }
0x8e: {  	[tilespmem:$0xA1B0] =	vst v1;
	v1 =	vand.u32 $0xFFFF, v2  }
0x8f: {  	[tilespmem:$0x9FC0] =	vst v1;
	v1 =	vshrl.u32 v2, $0x10  }
0x90: {  	[tilespmem:$0xA1C0] =	vst v1  }
0x91: {  	[tilespmem:s16], [sflag:$0x1] =	stream.indirect.gather [hbm4b:s0+s18], $0x80, s19, s18, $0xb8;
	[tilespmem:$0x1E380] =	vst v63  }
0x92: {  	_ =	swait.ge [sflag:s30], $0x2800  }
0x93: {  	[sflag:s30] =	ssyncset.done $0x0  }
0x94: {  	[sflag:s30] =	ssyncadd.s32 $0xFFFFD800  }
0x95: {  	[spmem:s3] =	stream.indirect.scatter.add.f32 [tilespmem:s25], [sflag:$0x6], $0x80, s31, s18, $0xb8;
	[tilespmem:$0x1E380] =	vst v63  }
0x96: {  	_ =	swait.ge [sflag:s2], $0x2800  }
0x97: {  	[sflag:s2] =	ssyncset.done $0x0  }
0x98: {  	s6 =	simm.s32 $0x220;
	[sflag:s2] =	ssyncadd.s32 $0xFFFFD800  }
0x99: {  	v1 =	vld [tilespmem:s6+$0xFFFFFF20];
	_ =	sdelay $0x4  }
0x9a: {  	v2 =	vand.u32 $0xFFFF, v1  }
0x9b: {  	v1 =	vshrl.u32 v1, $0x10;
	[tilespmem:$0xA000] =	vst v2  }
0x9c: {  	[tilespmem:$0xA200] =	vst v1  }
0x9d: {  	v1 =	vld [tilespmem:s6+$0xFFFFFF30];
	_ =	sdelay $0x4  }
0x9e: {  	v2 =	vand.u32 $0xFFFF, v1  }
0x9f: {  	v1 =	vshrl.u32 v1, $0x10;
	[tilespmem:$0xA010] =	vst v2  }
0xa0: {  	[tilespmem:$0xA210] =	vst v1  }
0xa1: {  	v1 =	vld [tilespmem:s6+$0xFFFFFF40];
	_ =	sdelay $0x4  }
0xa2: {  	v2 =	vand.u32 $0xFFFF, v1  }
0xa3: {  	v1 =	vshrl.u32 v1, $0x10;
	[tilespmem:$0xA020] =	vst v2  }
0xa4: {  	[tilespmem:$0xA220] =	vst v1  }
0xa5: {  	v1 =	vld [tilespmem:s6+$0xFFFFFF50];
	_ =	sdelay $0x4  }
0xa6: {  	v2 =	vand.u32 $0xFFFF, v1  }
0xa7: {  	v1 =	vshrl.u32 v1, $0x10;
	[tilespmem:$0xA030] =	vst v2  }
0xa8: {  	s7 =	sand.u32 $0x3FF0, s7;
	[tilespmem:$0xA230] =	vst v1  }
0xa9: {  	v1 =	vld [tilespmem:s7+$0x180];
	_ =	sdelay $0x4  }
0xaa: {  	v2 =	vand.u32 $0xFFFF, v1  }
0xab: {  	v1 =	vshrl.u32 v1, $0x10;
	[tilespmem:$0xA040] =	vst v2  }
0xac: {  	[tilespmem:$0xA240] =	vst v1  }
0xad: {  	[tilespmem:s21], [sflag:$0x2] =	stream.indirect.gather [hbm4b:s0+s18], $0x80, s20, s18, $0xb8;
	[tilespmem:$0x1E380] =	vst v63  }
0xae: {  	_ =	swait.ge [sflag:s22], $0x2800  }
0xaf: {  	[sflag:s22] =	ssyncset.done $0x0  }
0xb0: {  	[sflag:s22] =	ssyncadd.s32 $0xFFFFD800  }
0xb1: {  	[spmem:s3] =	stream.indirect.scatter.add.f32 [tilespmem:s16], [sflag:$0x4], $0x80, s23, s18, $0xb8;
	[tilespmem:$0x1E380] =	vst v63  }
0xb2: {  	_ =	swait.ge [sflag:s1], $0x2800  }
0xb3: {  	[sflag:s1] =	ssyncset.done $0x0  }
0xb4: {  	[sflag:s1] =	ssyncadd.s32 $0xFFFFD800  }
0xb5: {  	v1 =	vld [tilespmem:s6+$0xFFFFFF70];
	_ =	sdelay $0x4  }
0xb6: {  	v2 =	vand.u32 $0xFFFF, v1  }
0xb7: {  	v1 =	vshrl.u32 v1, $0x10;
	[tilespmem:$0xA080] =	vst v2  }
0xb8: {  	[tilespmem:$0xA280] =	vst v1  }
0xb9: {  	v1 =	vld [tilespmem:s6+$0xFFFFFF80];
	_ =	sdelay $0x4  }
0xba: {  	v2 =	vand.u32 $0xFFFF, v1  }
0xbb: {  	v1 =	vshrl.u32 v1, $0x10;
	[tilespmem:$0xA090] =	vst v2  }
0xbc: {  	[tilespmem:$0xA290] =	vst v1  }
0xbd: {  	v1 =	vld [tilespmem:s6+$0xFFFFFF90];
	_ =	sdelay $0x4  }
0xbe: {  	v2 =	vand.u32 $0xFFFF, v1  }
0xbf: {  	v1 =	vshrl.u32 v1, $0x10;
	[tilespmem:$0xA0A0] =	vst v2  }
0xc0: {  	[tilespmem:$0xA2A0] =	vst v1  }
0xc1: {  	v1 =	vld [tilespmem:s6+$0xFFFFFFA0];
	_ =	sdelay $0x4  }
0xc2: {  	v2 =	vand.u32 $0xFFFF, v1  }
0xc3: {  	v1 =	vshrl.u32 v1, $0x10;
	[tilespmem:$0xA0B0] =	vst v2  }
0xc4: {  	[tilespmem:$0xA2B0] =	vst v1  }
0xc5: {  	v1 =	vld [tilespmem:s6+$0xFFFFFFB0];
	_ =	sdelay $0x4  }
0xc6: {  	v2 =	vand.u32 $0xFFFF, v1  }
0xc7: {  	v1 =	vshrl.u32 v1, $0x10;
	[tilespmem:$0xA0C0] =	vst v2  }
0xc8: {  	[tilespmem:$0xA2C0] =	vst v1  }
0xc9: {  	[tilespmem:s25], [sflag:$0x3] =	stream.indirect.gather [hbm4b:s0+s18], $0x80, s24, s18, $0xb8;
	[tilespmem:$0x1E380] =	vst v63  }
0xca: {  	_ =	swait.ge [sflag:s26], $0x2800  }
0xcb: {  	[sflag:s26] =	ssyncset.done $0x0  }
0xcc: {  	[sflag:s26] =	ssyncadd.s32 $0xFFFFD800  }
0xcd: {  	[spmem:s3] =	stream.indirect.scatter.add.f32 [tilespmem:s21], [sflag:$0x5], $0x80, s28, s18, $0xb8;
	[tilespmem:$0x1E380] =	vst v63  }
0xce: {  	_ =	swait.ge [sflag:s29], $0x2800  }
0xcf: {  	[sflag:s29] =	ssyncset.done $0x0  }
0xd0: {  	[sflag:s29] =	ssyncadd.s32 $0xFFFFD800  }
0xd1: {  	v1 =	vld [tilespmem:s6+$0xFFFFFFC0];
	_ =	sdelay $0x4  }
0xd2: {  	v2 =	vand.u32 $0xFFFF, v1  }
0xd3: {  	v1 =	vshrl.u32 v1, $0x10;
	[tilespmem:$0x9F80] =	vst v2  }
0xd4: {  	[tilespmem:$0xA180] =	vst v1  }
0xd5: {  	v1 =	vld [tilespmem:s6+$0xFFFFFFD0];
	_ =	sdelay $0x4  }
0xd6: {  	v2 =	vand.u32 $0xFFFF, v1  }
0xd7: {  	v1 =	vshrl.u32 v1, $0x10;
	[tilespmem:$0x9F90] =	vst v2  }
0xd8: {  	[tilespmem:$0xA190] =	vst v1  }
0xd9: {  	v1 =	vld [tilespmem:s7+$0x200];
	_ =	sdelay $0x4  }
0xda: {  	v2 =	vand.u32 $0xFFFF, v1  }
0xdb: {  	v1 =	vshrl.u32 v1, $0x10;
	[tilespmem:$0x9FA0] =	vst v2  }
0xdc: {  	[tilespmem:$0xA1A0] =	vst v1  }
0xdd: {  	s8 =	simm.s32 $0xF0;
	s7 =	simm.s32 $0x220;
	v1 =	vld [tilespmem:s6+$0xFFFFFFF0]  }
.LBB2_4:
0xde: {  	p0 =	sne.s32 s8, $0x2490  }
0xdf: {  	s6 =	sadd.s32 $0xF0, s6;
	s9 =	smov.u32 s8;
	s8 =	sadd.s32 $0xF0, s8  }
0xe0: {  	_ =	sdelay $0x2  }
0xe1: {  	v2 =	vand.u32 $0xFFFF, v1;
	v1 =	vshrl.u32 v1, $0x10  }
0xe2: {  	[tilespmem:$0x9FB0] =	vst v2  }
0xe3: {  	[tilespmem:$0xA1B0] =	vst v1  }
0xe4: {  	v1 =	vld [tilespmem:s7+$0x0];
	s7 =	smov.u32 s6;
	_ =	sdelay $0x4  }
0xe5: {  	v2 =	vand.u32 $0xFFFF, v1;
	v1 =	vshrl.u32 v1, $0x10  }
0xe6: {  	[tilespmem:$0x9FC0] =	vst v2  }
0xe7: {  	[tilespmem:$0xA1C0] =	vst v1  }
0xe8: {  	[tilespmem:s16], [sflag:$0x1] =	stream.indirect.gather [hbm4b:s0+s18], $0x80, s19, s18, $0xb8;
	[tilespmem:$0x1E380] =	vst v63  }
0xe9: {  	_ =	swait.ge [sflag:s30], $0x2800  }
0xea: {  	[sflag:s30] =	ssyncset.done $0x0  }
0xeb: {  	[sflag:s30] =	ssyncadd.s32 $0xFFFFD800  }
0xec: {  	[spmem:s3] =	stream.indirect.scatter.add.f32 [tilespmem:s25], [sflag:$0x6], $0x80, s31, s18, $0xb8;
	[tilespmem:$0x1E380] =	vst v63  }
0xed: {  	_ =	swait.ge [sflag:s2], $0x2800  }
0xee: {  	[sflag:s2] =	ssyncset.done $0x0  }
0xef: {  	[sflag:s2] =	ssyncadd.s32 $0xFFFFD800  }
0xf0: {  	v1 =	vld [tilespmem:s6+$0xFFFFFF20];
	_ =	sdelay $0x4  }
0xf1: {  	v2 =	vand.u32 $0xFFFF, v1;
	v1 =	vshrl.u32 v1, $0x10  }
0xf2: {  	[tilespmem:$0xA000] =	vst v2  }
0xf3: {  	[tilespmem:$0xA200] =	vst v1  }
0xf4: {  	v1 =	vld [tilespmem:s6+$0xFFFFFF30];
	_ =	sdelay $0x4  }
0xf5: {  	v2 =	vand.u32 $0xFFFF, v1;
	v1 =	vshrl.u32 v1, $0x10  }
0xf6: {  	[tilespmem:$0xA010] =	vst v2  }
0xf7: {  	[tilespmem:$0xA210] =	vst v1  }
0xf8: {  	v1 =	vld [tilespmem:s6+$0xFFFFFF40];
	_ =	sdelay $0x4  }
0xf9: {  	v2 =	vand.u32 $0xFFFF, v1;
	v1 =	vshrl.u32 v1, $0x10  }
0xfa: {  	[tilespmem:$0xA020] =	vst v2  }
0xfb: {  	[tilespmem:$0xA220] =	vst v1  }
0xfc: {  	v1 =	vld [tilespmem:s6+$0xFFFFFF50];
	_ =	sdelay $0x2  }
0xfd: {  	s9 =	sand.u32 $0x3FF0, s9;
	_ =	sdelay $0x1  }
0xfe: {  	v2 =	vand.u32 $0xFFFF, v1;
	v1 =	vshrl.u32 v1, $0x10  }
0xff: {  	[tilespmem:$0xA030] =	vst v2  }
0x100: {  	[tilespmem:$0xA230] =	vst v1  }
0x101: {  	v1 =	vld [tilespmem:s9+$0x180];
	_ =	sdelay $0x4  }
0x102: {  	v2 =	vand.u32 $0xFFFF, v1;
	v1 =	vshrl.u32 v1, $0x10  }
0x103: {  	[tilespmem:$0xA040] =	vst v2  }
0x104: {  	[tilespmem:$0xA240] =	vst v1  }
0x105: {  	[tilespmem:s21], [sflag:$0x2] =	stream.indirect.gather [hbm4b:s0+s18], $0x80, s20, s18, $0xb8;
	[tilespmem:$0x1E380] =	vst v63  }
0x106: {  	_ =	swait.ge [sflag:s22], $0x2800  }
0x107: {  	[sflag:s22] =	ssyncset.done $0x0  }
0x108: {  	[sflag:s22] =	ssyncadd.s32 $0xFFFFD800  }
0x109: {  	[spmem:s3] =	stream.indirect.scatter.add.f32 [tilespmem:s16], [sflag:$0x4], $0x80, s23, s18, $0xb8;
	[tilespmem:$0x1E380] =	vst v63  }
0x10a: {  	_ =	swait.ge [sflag:s1], $0x2800  }
0x10b: {  	[sflag:s1] =	ssyncset.done $0x0  }
0x10c: {  	[sflag:s1] =	ssyncadd.s32 $0xFFFFD800  }
0x10d: {  	v1 =	vld [tilespmem:s6+$0xFFFFFF70];
	_ =	sdelay $0x4  }
0x10e: {  	v2 =	vand.u32 $0xFFFF, v1;
	v1 =	vshrl.u32 v1, $0x10  }
0x10f: {  	[tilespmem:$0xA080] =	vst v2  }
0x110: {  	[tilespmem:$0xA280] =	vst v1  }
0x111: {  	v1 =	vld [tilespmem:s6+$0xFFFFFF80];
	_ =	sdelay $0x4  }
0x112: {  	v2 =	vand.u32 $0xFFFF, v1;
	v1 =	vshrl.u32 v1, $0x10  }
0x113: {  	[tilespmem:$0xA090] =	vst v2  }
0x114: {  	[tilespmem:$0xA290] =	vst v1  }
0x115: {  	v1 =	vld [tilespmem:s6+$0xFFFFFF90];
	_ =	sdelay $0x4  }
0x116: {  	v2 =	vand.u32 $0xFFFF, v1;
	v1 =	vshrl.u32 v1, $0x10  }
0x117: {  	[tilespmem:$0xA0A0] =	vst v2  }
0x118: {  	[tilespmem:$0xA2A0] =	vst v1  }
0x119: {  	v1 =	vld [tilespmem:s6+$0xFFFFFFA0];
	_ =	sdelay $0x4  }
0x11a: {  	v2 =	vand.u32 $0xFFFF, v1;
	v1 =	vshrl.u32 v1, $0x10  }
0x11b: {  	[tilespmem:$0xA0B0] =	vst v2  }
0x11c: {  	[tilespmem:$0xA2B0] =	vst v1  }
0x11d: {  	v1 =	vld [tilespmem:s6+$0xFFFFFFB0];
	_ =	sdelay $0x4  }
0x11e: {  	v2 =	vand.u32 $0xFFFF, v1;
	v1 =	vshrl.u32 v1, $0x10  }
0x11f: {  	[tilespmem:$0xA0C0] =	vst v2  }
0x120: {  	[tilespmem:$0xA2C0] =	vst v1  }
0x121: {  	[tilespmem:s25], [sflag:$0x3] =	stream.indirect.gather [hbm4b:s0+s18], $0x80, s24, s18, $0xb8;
	[tilespmem:$0x1E380] =	vst v63  }
0x122: {  	_ =	swait.ge [sflag:s26], $0x2800  }
0x123: {  	[sflag:s26] =	ssyncset.done $0x0  }
0x124: {  	[sflag:s26] =	ssyncadd.s32 $0xFFFFD800  }
0x125: {  	[spmem:s3] =	stream.indirect.scatter.add.f32 [tilespmem:s21], [sflag:$0x5], $0x80, s28, s18, $0xb8;
	[tilespmem:$0x1E380] =	vst v63  }
0x126: {  	_ =	swait.ge [sflag:s29], $0x2800  }
0x127: {  	[sflag:s29] =	ssyncset.done $0x0  }
0x128: {  	[sflag:s29] =	ssyncadd.s32 $0xFFFFD800  }
0x129: {  	v1 =	vld [tilespmem:s6+$0xFFFFFFC0];
	_ =	sdelay $0x4  }
0x12a: {  	v2 =	vand.u32 $0xFFFF, v1;
	v1 =	vshrl.u32 v1, $0x10  }
0x12b: {  	[tilespmem:$0x9F80] =	vst v2  }
0x12c: {  	[tilespmem:$0xA180] =	vst v1  }
0x12d: {  	v1 =	vld [tilespmem:s6+$0xFFFFFFD0];
	_ =	sdelay $0x4  }
0x12e: {  	v2 =	vand.u32 $0xFFFF, v1;
	v1 =	vshrl.u32 v1, $0x10  }
0x12f: {  	[tilespmem:$0x9F90] =	vst v2  }
0x130: {  	[tilespmem:$0xA190] =	vst v1  }
0x131: {  	v1 =	vld [tilespmem:s9+$0x200];
	_ =	sdelay $0x3  }
.Ltmp1:
0x132: {  	(pc) =	sbr.rel @p0 .LBB2_4-.Ltmp1, $4  }
0x133: {  	v2 =	vand.u32 $0xFFFF, v1;
	v1 =	vshrl.u32 v1, $0x10  }
0x134: {  	[tilespmem:$0x9FA0] =	vst v2  }
0x135: {  	[tilespmem:$0xA1A0] =	vst v1  }
0x136: {  	v1 =	vld [tilespmem:s6+$0xFFFFFFF0]  }
0x137: {  	_ =	sdelay $0x3  }
0x138: {  	v2 =	vand.u32 $0xFFFF, v1  }
0x139: {  	v1 =	vshrl.u32 v1, $0x10;
	[tilespmem:$0x9FB0] =	vst v2  }
0x13a: {  	[tilespmem:$0xA1B0] =	vst v1  }
0x13b: {  	v1 =	vld [tilespmem:s7+$0x0];
	_ =	sdelay $0x4  }
0x13c: {  	v2 =	vand.u32 $0xFFFF, v1  }
0x13d: {  	v1 =	vshrl.u32 v1, $0x10;
	[tilespmem:$0x9FC0] =	vst v2  }
0x13e: {  	[tilespmem:$0xA1C0] =	vst v1  }
0x13f: {  	[tilespmem:s16], [sflag:$0x1] =	stream.indirect.gather [hbm4b:s0+s18], $0x80, s19, s18, $0xb8;
	[tilespmem:$0x1E380] =	vst v63  }
0x140: {  	_ =	swait.ge [sflag:s30], $0x2800  }
0x141: {  	[sflag:s30] =	ssyncset.done $0x0  }
0x142: {  	[sflag:s30] =	ssyncadd.s32 $0xFFFFD800  }
0x143: {  	[spmem:s3] =	stream.indirect.scatter.add.f32 [tilespmem:s25], [sflag:$0x6], $0x80, s31, s18, $0xb8;
	[tilespmem:$0x1E380] =	vst v63  }
0x144: {  	_ =	swait.ge [sflag:s2], $0x2800  }
0x145: {  	[sflag:s2] =	ssyncset.done $0x0  }
0x146: {  	[sflag:s2] =	ssyncadd.s32 $0xFFFFD800  }
0x147: {  	v1 =	vld [tilespmem:$0x26C0];
	_ =	sdelay $0x1  }
0x148: {  	v2 =	vld [tilespmem:$0x26D0];
	_ =	sdelay $0x1  }
0x149: {  	v3 =	vld [tilespmem:$0x26E0]  }
0x14a: {  	v4 =	vand.u32 $0xFFFF, v1  }
0x14b: {  	v63 =	vld [tilespmem:$0x26F0];
	v1 =	vshrl.u32 v1, $0x10;
	[tilespmem:$0xA000] =	vst v4  }
0x14c: {  	[tilespmem:$0xA200] =	vst v1;
	v1 =	vand.u32 $0xFFFF, v2  }
0x14d: {  	[tilespmem:$0xA010] =	vst v1;
	v1 =	vshrl.u32 v2, $0x10;
	v2 =	vld [tilespmem:$0x2700]  }
0x14e: {  	[tilespmem:$0xA210] =	vst v1;
	v1 =	vand.u32 $0xFFFF, v3  }
0x14f: {  	[tilespmem:$0xA020] =	vst v1;
	v1 =	vshrl.u32 v3, $0x10  }
0x150: {  	[tilespmem:$0xA220] =	vst v1;
	v1 =	vand.u32 $0xFFFF, v63  }
0x151: {  	[tilespmem:$0xA030] =	vst v1;
	v1 =	vshrl.u32 v63, $0x10  }
0x152: {  	[tilespmem:$0xA230] =	vst v1;
	v1 =	vand.u32 $0xFFFF, v2  }
0x153: {  	[tilespmem:$0xA040] =	vst v1;
	v1 =	vshrl.u32 v2, $0x10  }
0x154: {  	[tilespmem:$0xA240] =	vst v1  }
0x155: {  	[tilespmem:s21], [sflag:$0x2] =	stream.indirect.gather [hbm4b:s0+s18], $0x80, s20, s18, $0xb8;
	[tilespmem:$0x1E380] =	vst v63  }
0x156: {  	_ =	swait.ge [sflag:s22], $0x2800  }
0x157: {  	[sflag:s22] =	ssyncset.done $0x0  }
0x158: {  	[sflag:s22] =	ssyncadd.s32 $0xFFFFD800  }
0x159: {  	[spmem:s3] =	stream.indirect.scatter.add.f32 [tilespmem:s16], [sflag:$0x4], $0x80, s23, s18, $0xb8;
	[tilespmem:$0x1E380] =	vst v63  }
0x15a: {  	_ =	swait.ge [sflag:s1], $0x2800  }
0x15b: {  	[sflag:s1] =	ssyncset.done $0x0  }
0x15c: {  	[sflag:s1] =	ssyncadd.s32 $0xFFFFD800  }
0x15d: {  	_ =	swait.ge [sflag:s26], $0x2800  }
0x15e: {  	[sflag:s26] =	ssyncset.done $0x0  }
0x15f: {  	[sflag:s26] =	ssyncadd.s32 $0xFFFFD800  }
0x160: {  	[spmem:s3] =	stream.indirect.scatter.add.f32 [tilespmem:s21], [sflag:$0x7], $0x80, s28, s18, $0xb8;
	[tilespmem:$0x1E380] =	vst v63  }
0x161: {  	_ =	swait.ge [sflag:s17], $0x2800  }
0x162: {  	[sflag:s17] =	ssyncset.done $0x0  }
0x163: {  	[sflag:s17] =	ssyncadd.s32 $0xFFFFD800  }
0x164: {  	s6 =	stileid.u32;
	_ =	swait.ge [sflag:s29], $0x2800  }
0x165: {  	s9 =	sshrl.u32 s5, $0x3;
	s4 =	sadd.s32 $0x1, s4;
	[sflag:s29] =	ssyncset.done $0x0  }
0x166: {  	s6 =	sshll.u32 s6, $0x6;
	p0 =	sne.s32 s4, s15;
	[sflag:s29] =	ssyncadd.s32 $0xFFFFD800  }
.Ltmp2:
0x167: {  	s6 =	sor.u32 $0x1C07, s6;
	[bflag:$0x0] =	sbarrier.arrive $0xFFFF;
	(pc) =	sbr.rel @p0 .LBB2_1-.Ltmp2, $4  }
0x168: {  	[hbm:s14], [sflag:s6] =	dma.local [spmem:s9], $0x2800  }
0x169: {  	_ =	swait.ge [sflag:s17], $0x2800  }
0x16a: {  	[sflag:s17] =	ssyncset.done $0x0  }
0x16b: {  	[sflag:s17] =	ssyncadd.s32 $0xFFFFD800  }
0x16c: {  	_ =	sfence.sel $0x180000  }
0x16d: {  	[bflag:$0x0] =	sbarrier.arrive $0xFFFF  }
0x16e: {  	_ =	strace $0x9000004A  }
0x16f: {  	s0 =	stileid.u32;
	[bflag:$0x2] =	sbarrier.arrive $0xFFFF  }
0x170: {  	p0 =	sne.s32 s0, $0x0;
	s0 =	rddreg [dreg:$0x4]  }
0x171: {  	s0 =	sadd.s32 @!p0 $0x100000, s0  }
0x172: {  	[sflag:s0] =	ssyncadd.tile.s32 @!p0 $0x1;
	_ =	shalt  }
.Lfunc_end2:
_tile_overlayer_lowered:
.L_overlay_start_2:
0x173: {  	(tag) =	ssettag $0x2  }
0x174: {  	s0 =	rddreg [dreg:$0x0];
	s2 =	stileid.u32  }
0x175: {  	s1 =	rddreg [dreg:$0x1];
	p0 =	sne.s32 s2, $0x0  }
0x176: {  	s3 =	rddreg [dreg:$0x2];
	[bflag:$0x3] =	sbarrier.arrive $0xFFFF;
	s2 =	simm.s32 @!p0 $0x1C07  }
0x177: {  	[timem:s3], [sflag:s2] =	dma.local @!p0 [hbm:s0], s1  }
0x178: {  	s0 =	simm.s32 @!p0 $0x7  }
0x179: {  	_ =	swait.ge @!p0 [sflag:s0], s1  }
0x17a: {  	s1 =	ssub.s32 @!p0 $0x0, s1;
	[sflag:s0] =	ssyncset.done @!p0 $0x0  }
0x17b: {  	[sflag:s0] =	ssyncadd.s32 @!p0 s1  }
0x17c: {  	[bflag:$0x3] =	sbarrier.arrive $0xFFFF  }
0x17d: {  	_ =	shalt  }

// kernel: kernel.8.cloned.1.call-start
scs
__scs_entry_jumppad:
0x0: {  	(pc) =	sbr.rel $0x88, $3  }
0x1: {  	(tag) =	ssettag $0x0;
	lr =	simm.s32 $0x1  }
0x2: {  	[smem:$0x3F9A] =	sst lr;
	_ =	strace $0xD0000000  }
0x3: {  	_ = 	snop  }
0x4: {  	_ = 	snop  }
0x5: {  	_ = 	snop  }
0x6: {  	_ = 	snop  }
0x7: {  	_ = 	snop  }
__scs_overlays_trampoline_lowered:
0x8: {  	[smem:$0x3FA9] =	sst s0  }
0x9: {  	[smem:$0x3FAA] =	sst s1  }
0xa: {  	[smem:$0x3FAB] =	sst s2  }
0xb: {  	[smem:$0x3FAC] =	sst s3  }
0xc: {  	[smem:$0x3FAD] =	sst s4  }
0xd: {  	[smem:$0x3FAE] =	sst s5  }
0xe: {  	[smem:$0x3FAF] =	sst s6  }
0xf: {  	[smem:$0x3FB0] =	sst s7  }
0x10: {  	[smem:$0x3FB1] =	sst s8  }
0x11: {  	[smem:$0x3FB2] =	sst s9;
	s0 =	simm.s32 @!p0 $0x0  }
0x12: {  	s1 =	sld [smem:$0x3F98];
	s0 =	simm.s32 @p0 $0x1  }
0x13: {  	[smem:$0x3FB3] =	sst s0;
	s0 =	simm.s32 @!p1 $0x0  }
0x14: {  	s2 =	sld [smem:$0x3F97];
	s0 =	simm.s32 @p1 $0x1  }
0x15: {  	[smem:$0x3FB4] =	sst s0;
	s0 =	simm.s32 @!p2 $0x0  }
0x16: {  	s3 =	sld [smem:$0x3FDB];
	s0 =	simm.s32 @p2 $0x1  }
0x17: {  	s4 =	simm.s32 $0x1BF5;
	[smem:$0x3FB6] =	sst s0  }
0x18: {  	s0 =	sld [smem:$0x3F99];
	_ =	swait.ge [sflag:s4], $0x0  }
0x19: {  	s7 =	sld [smem:$0x3F9A]  }
0x1a: {  	s8 =	sadd.s32 $0xFFFFE003, lr  }
0x1b: {  	s9 =	sadd.s32 $0xFFFFFEF7, lr;
	s5 =	simm.s32 $0xFFFFFFFF;
	p2 =	slt.u32 s8, $0xFFFFF086  }
0x1c: {  	p1 =	slt.u32 s9, $0xF7A;
	s5 =	simm.s32 @!p2 $0x0  }
0x1d: {  	s5 =	simm.s32 @p1 $0x1;
	p0 =	seq.s32 s7, s2  }
0x1e: {  	s7 =	smul.u32 @!p0 $0xF7A, s2;
	p2 =	seq.s32 @!p0 s5, $0x0  }
0x1f: {  	s9 =	smul.u32 $0xF7A, s1;
	s8 =	simm.s32 @!p0 $0x1BF5;
	p2 =	por !p2, p0  }
0x20: {  	[sflag:s8] =	ssyncset.s32 @!p0 $0xFFFFF086;
	s6 =	sadd.s32 @!p0 s3, s7;
	s7 =	simm.s32 @!p0 $0x108  }
0x21: {  	s3 =	sadd.s32 s3, s9;
	s6 =	sadd.s32 @!p0 $0x88, s6;
	s7 =	simm.s32 @p2 $0x1082  }
0x22: {  	[simem:s7], [sflag:s8] =	dma.local @!p0 [hbm:s6], $0xF7A  }
0x23: {  	s9 =	sor.u32 $0xD0000000, s2;
	s6 =	simm.s32 $0x108;
	_ =	swait.ge @!p0 [sflag:s8], $0x0  }
0x24: {  	s3 =	sadd.s32 $0x88, s3;
	s6 =	simm.s32 @!p1 $0x1082;
	[sflag:s4] =	ssyncset.s32 $0xFFFFF086  }
0x25: {  	[simem:s6], [sflag:s4] =	dma.local [hbm:s3], $0xF7A  }
0x26: {  	[smem:$0x3F9A] =	sst s1;
	(tag) =	ssettag s2;
	_ =	strace s9  }
0x27: {  	s1 =	sld [smem:$0x3FAA]  }
0x28: {  	s2 =	sld [smem:$0x3FAB]  }
0x29: {  	s4 =	sld [smem:$0x3FAD]  }
0x2a: {  	p0 =	seq.s32 s5, $0x0;
	s5 =	sld [smem:$0x3FAE]  }
0x2b: {  	s6 =	sld [smem:$0x3FAF]  }
0x2c: {  	s7 =	sld [smem:$0x3FB0]  }
0x2d: {  	s3 =	simm.s32 $0x108;
	s8 =	sld [smem:$0x3FB1]  }
0x2e: {  	s3 =	simm.s32 @!p0 $0x1082;
	s9 =	sld [smem:$0x3FB2]  }
0x2f: {  	lr =	sadd.s32 s0, s3;
	s0 =	sld [smem:$0x3FA9]  }
0x30: {  	s3 =	sld [smem:$0x3FAC]  }
0x31: {  	[smem:$0x3FB5] =	sst s10  }
0x32: {  	s10 =	sld [smem:$0x3FB3];
	_ =	sdelay $0x3  }
0x33: {  	p0 =	seq.s32 s10, $0x1;
	s10 =	sld [smem:$0x3FB5];
	_ =	sdelay $0x3  }
0x34: {  	[smem:$0x3FB5] =	sst s10  }
0x35: {  	s10 =	sld [smem:$0x3FB4];
	_ =	sdelay $0x3  }
0x36: {  	p1 =	seq.s32 s10, $0x1;
	s10 =	sld [smem:$0x3FB5];
	_ =	sdelay $0x3  }
0x37: {  	[smem:$0x3FB5] =	sst s10  }
0x38: {  	s10 =	sld [smem:$0x3FB6]  }
0x39: {  	_ = 	snop;
	(pc) =	sbr.ind lr, $3  }
0x3a: {  	_ = 	snop  }
0x3b: {  	_ = 	snop  }
0x3c: {  	p2 =	seq.s32 s10, $0x1;
	s10 =	sld [smem:$0x3FB5]  }
0x3d: {  	_ =	shalt  }
0x3e: {  	_ =	shalt  }
0x3f: {  	_ =	shalt  }
0x40: {  	_ =	shalt  }
0x41: {  	_ =	shalt  }
0x42: {  	_ =	shalt  }
0x43: {  	_ =	shalt  }
0x44: {  	_ =	shalt  }
0x45: {  	_ =	shalt  }
0x46: {  	_ =	shalt  }
0x47: {  	_ =	shalt  }
0x48: {  	_ =	shalt  }
0x49: {  	_ =	shalt  }
0x4a: {  	_ =	shalt  }
0x4b: {  	_ =	shalt  }
0x4c: {  	_ =	shalt  }
0x4d: {  	_ =	shalt  }
0x4e: {  	_ =	shalt  }
0x4f: {  	_ =	shalt  }
0x50: {  	_ =	shalt  }
0x51: {  	_ =	shalt  }
0x52: {  	_ =	shalt  }
0x53: {  	_ =	shalt  }
0x54: {  	_ =	shalt  }
0x55: {  	_ =	shalt  }
0x56: {  	_ =	shalt  }
0x57: {  	_ =	shalt  }
0x58: {  	_ =	shalt  }
0x59: {  	_ =	shalt  }
0x5a: {  	_ =	shalt  }
0x5b: {  	_ =	shalt  }
0x5c: {  	_ =	shalt  }
0x5d: {  	_ =	shalt  }
0x5e: {  	_ =	shalt  }
0x5f: {  	_ =	shalt  }
0x60: {  	_ =	shalt  }
0x61: {  	_ =	shalt  }
0x62: {  	_ =	shalt  }
0x63: {  	_ =	shalt  }
0x64: {  	_ =	shalt  }
0x65: {  	_ =	shalt  }
0x66: {  	_ =	shalt  }
0x67: {  	_ =	shalt  }
0x68: {  	_ =	shalt  }
0x69: {  	_ =	shalt  }
0x6a: {  	_ =	shalt  }
0x6b: {  	_ =	shalt  }
0x6c: {  	_ =	shalt  }
0x6d: {  	_ =	shalt  }
0x6e: {  	_ =	shalt  }
0x6f: {  	_ =	shalt  }
0x70: {  	_ =	shalt  }
0x71: {  	_ =	shalt  }
0x72: {  	_ =	shalt  }
0x73: {  	_ =	shalt  }
0x74: {  	_ =	shalt  }
0x75: {  	_ =	shalt  }
0x76: {  	_ =	shalt  }
0x77: {  	_ =	shalt  }
0x78: {  	_ =	shalt  }
0x79: {  	_ =	shalt  }
0x7a: {  	_ =	shalt  }
0x7b: {  	_ =	shalt  }
0x7c: {  	_ =	shalt  }
0x7d: {  	_ =	shalt  }
0x7e: {  	_ =	shalt  }
0x7f: {  	_ =	shalt  }
0x80: {  	_ =	shalt  }
0x81: {  	_ =	shalt  }
0x82: {  	_ =	shalt  }
0x83: {  	_ =	shalt  }
0x84: {  	_ =	shalt  }
0x85: {  	_ =	shalt  }
0x86: {  	_ =	shalt  }
0x87: {  	_ =	shalt  }
.Lfunc_end0:
.L_simem_size_0:
called_computation.1_lowered:
.L_overlay_start_0:
0x88: {  	s2 =	sld [smem:$0x3FD9]  }
0x89: {  	s3 =	sld [smem:$0x3FFE];
	_ =	sdelay $0x1  }
0x8a: {  	s1 =	srdreg.scid  }
0x8b: {  	s0 =	sand.u32 $0x1, s1  }
0x8c: {  	s15 =	sshll.u32 s0, $0xA;
	s2 =	sadd.s32 s3, s2  }
0x8d: {  	s2 =	sadd.s32 s2, s15  }
0x8e: {  	[smem:$0x3FC1] =	sst s2  }
0x8f: {  	_ = 	snop  }
0x90: {  	s2 =	sld [smem:$0x3FD0];
	_ =	sdelay $0x2  }
0x91: {  	s16 =	simm.s32 $0xB;
	s4 =	simm.s32 $0x10  }
0x92: {  	[smem:s4], [sflag:s16] =	dma.local [hbm:s2], $0x1  }
0x93: {  	_ =	swait.eq [sflag:s16], $0x1  }
0x94: {  	[sflag:s16] =	ssyncset.done $0x0  }
0x95: {  	s17 =	sld [smem:$0x10];
	[sflag:s16] =	ssyncadd.s32 $0xFFFFFFFF  }
0x96: {  	s18 =	sld [smem:$0x11];
	(tm) =	ssettm $0x1  }
0x97: {  	s19 =	sld [smem:$0x3FFB];
	_ =	sdelay $0x3  }
0x98: {  	_ =	strace s19  }
0x99: {  	s4 =	sld [smem:$0x3FFC];
	_ =	sdelay $0x3  }
0x9a: {  	_ =	strace s4  }
0x9b: {  	s4 =	sld [smem:$0x3FFD];
	_ =	sdelay $0x3  }
0x9c: {  	_ =	strace s4  }
0x9d: {  	_ =	strace $0x8FFFFFFF  }
0x9e: {  	s20 =	sld [smem:$0x3FDB];
	_ =	sdelay $0x1  }
0x9f: {  	s5 =	simm.s32 $_scs_section_size  }
0xa0: {  	s6 =	simm.s32 $_size__tile_overlayer_lowered;
	s7 =	simm.s32 $_tile_overlayer_lowered  }
0xa1: {  	s23 =	simm.s32 $0x1BFF;
	s22 =	sshll.u32 s7, $0x1;
	s4 =	sadd.s32 s5, s20  }
0xa2: {  	s8 =	simm.s32 $0x0;
	s21 =	sshll.u32 s6, $0x1;
	s6 =	sadd.s32 s22, s4  }
0xa3: {  	[timem:s8], [sflag:s23] =	dma.local [hbm:s6], s21  }
0xa4: {  	_ =	swait.ge [sflag:s23], s21  }
0xa5: {  	s5 =	ssub.s32 $0x0, s21;
	[sflag:s23] =	ssyncset.done $0x0  }
0xa6: {  	[sflag:s23] =	ssyncadd.s32 s5;
	_ =	sdelay $0x1  }
0xa7: {  	s24 =	simm.s32 $0x1B8B  }
0xa8: {  	_ =	swait.ge [sflag:s24], $0x1  }
0xa9: {  	[sflag:s24] =	ssyncset.done $0x0  }
0xaa: {  	s25 =	simm.s32 $0x1B8E;
	[sflag:s24] =	ssyncadd.s32 $0xFFFFFFFF  }
0xab: {  	s26 =	simm.s32 $execute0_lowered;
	[smem:$0x3FD2] =	sst s25  }
0xac: {  	s5 =	sshll.u32 s26, $0x1;
	_ =	strace $0x80000046;
	[dreg:$0x1] =	wrdreg $0xFFFFFFFF  }
0xad: {  	s28 =	simm.s32 $_size_execute0_lowered;
	s4 =	sadd.s32 s4, s5;
	[dreg:$0x0] =	wrdreg $0x0  }
0xae: {  	s5 =	sshll.u32 s28, $0x1;
	[dreg:$0x2] =	wrdreg s4  }
0xaf: {  	[dreg:$0x3] =	wrdreg s5  }
0xb0: {  	[dreg:$0x4] =	wrdreg $0xC0  }
0xb1: {  	_ =	task [dreg:s8], $0x5FFFF  }
0xb2: {  	[dreg:$0x1] =	wrdreg $0xFFFFFFFF  }
0xb3: {  	[dreg:$0x0] =	wrdreg $0x60  }
0xb4: {  	[dreg:$0x2] =	wrdreg s17  }
0xb5: {  	[dreg:$0x3] =	wrdreg s18  }
0xb6: {  	[dreg:$0x4] =	wrdreg $0x35000  }
0xb7: {  	[dreg:$0x5] =	wrdreg $0xA  }
0xb8: {  	_ =	task.clear_ibuf [dreg:s8], $0x6FFFF;
	_ =	strace $0x90000046  }
0xb9: {  	s29 =	simm.s32 $0xA;
	_ =	strace $0x80000048  }
0xba: {  	_ =	swait.ge [sflag:s29], $0x1  }
0xbb: {  	[sflag:s29] =	ssyncadd.s32 $0xFFFFFFFF  }
0xbc: {  	_ =	strace $0x90000048  }
0xbd: {  	_ =	sfence  }
0xbe: {  	s30 =	sld [smem:$0x0];
	_ =	sdelay $0x2  }
0xbf: {  	s31 =	sshll.u32 s1, $0xD;
	s1 =	sshrl.u32 s1, $0x2  }
0xc0: {  	s3 =	sand.u32 $0x4000, s31;
	s1 =	sadd.s32 s1, s30  }
0xc1: {  	s0 =	sor.u32 s3, s0;
	s1 =	sshll.u32 s1, $0x11  }
0xc2: {  	s0 =	sor.u32 s1, s0  }
0xc3: {  	s0 =	sadd.s32 $0x8F2B, s0  }
0xc4: {  	[sflag:s0] =	ssyncadd.remote.s32 $0x1  }
0xc5: {  	_ =	sfence.sel $0xFFFF  }
0xc6: {  	[dreg:$0x0] =	wrdreg $0xFFFFFFFF;
	(pc) =	sbr.abs _section_cstart, $3  }
0xc7: {  	[dreg:$0x1] =	wrdreg $0xFFFFFFFF  }
0xc8: {  	_ =	task.clear_ibuf [dreg:s8], $0x2FFFF;
	_ =	strace $0x9FFFFFFF  }
0xc9: {  	(tm) =	ssettm $0x7FFFFFFF  }
tec
execute0_lowered:
.L_overlay_start_1:
0x0: {  	(tag) =	ssettag $0x1  }
0x1: {  	s9 =	rddreg [dreg:$0x0]  }
0x2: {  	s10 =	rddreg [dreg:$0x1]  }
0x3: {  	s1 =	rddreg [dreg:$0x2]  }
0x4: {  	s2 =	srdreg.scid;
	s0 =	rddreg [dreg:$0x3]  }
0x5: {  	s3 =	simm.s32 $0x0;
	s15 =	simm.s32 $0x3410;
	s16 =	simm.s32 $0x2710  }
0x6: {  	s17 =	simm.s32 $0x3460;
	s18 =	simm.s32 $0x1;
	s19 =	simm.s32 $0x34B0  }
0x7: {  	s20 =	simm.s32 $0x2;
	s4 =	sand.u32 $0x1, s2;
	s2 =	stileid.u32  }
0x8: {  	s21 =	simm.s32 $0x3;
	[smem:$0x7FF] =	sst s3;
	s7 =	smul.u32 $0xA000, s2  }
0x9: {  	s5 =	ssub.s32 $0x2, s4;
	_ =	strace $0x80000047;
	s8 =	smul.u32 $0x2800, s2  }
0xa: {  	s28 =	sshll.u32 s2, $0x1;
	s13 =	smul.u32 $0x28000, s4;
	s6 =	sshrl.u32 s5, $0x1  }
0xb: {  	s30 =	sor.u32 s4, s28;
	s11 =	ssub.s32 s5, s6;
	s29 =	sshrl.u32 s7, $0x2  }
0xc: {  	s4 =	sadd.s32 s8, s1;
	s14 =	smul.u32 $0x4E2, s30;
	s13 =	sadd.s32 s8, s13  }
0xd: {  	s12 =	sadd.s32 s29, s1;
	s31 =	sshrl.u32 s13, $0x3;
	s11 =	smax.u32 s11, $0x1  }
0xe: {  	s13 =	simm.s32 $0x4;
	s5 =	sadd.s32 $0x800, s12;
	s6 =	sadd.s32 $0x1000, s12  }
0xf: {  	v0 =	vimm.f32 $0.0e+00;
	vm0 =	vcmask $0x300;
	s7 =	sadd.s32 $0x1800, s12;
	s8 =	sadd.s32 $0x2000, s12;
	s9 =	sadd.s32 s9, s14  }
0x10: {  	v1 =	vsel vm0, $0x3F800000, v0;
	s10 =	sadd.s32 s10, s31;
	s12 =	simm.s32 $0x2C10;
	s14 =	simm.s32 $0x50  }
.LBB2_1:
0x11: {  	s22 =	simm.s32 $0x0  }
.LBB2_2:
0x12: {  	p0 =	sne.s32 s22, $0x1FC0  }
.Ltmp0:
0x13: {  	_ = 	snop;
	(pc) =	sbr.rel @p0 .LBB2_2-.Ltmp0, $3  }
0x14: {  	_ =	sdelay $0x1  }
0x15: {  	s23 =	sshra.s32 s22, $0x2  }
0x16: {  	s22 =	sadd.s32 $0x40, s22;
	[tilespmem:s23+$0x2C10] =	vst v0  }
0x17: {  	s22 =	simm.s32 $0x40;
	s23 =	simm.s32 $0x0  }
.LBB2_4:
0x18: {  	p0 =	sne.s32 s22, $0x13C0;
	[tilespmem:s23+$0x2710] =	vst v1;
	s23 =	smov.u32 s22;
	s22 =	sadd.s32 $0x40, s22  }
.Ltmp1:
0x19: {  	(pc) =	sbr.rel @p0 .LBB2_4-.Ltmp1, $2  }
0x1a: {  	_ =	sdelay $0x2  }
0x1b: {  	s23 =	sshra.s32 s23, $0x2  }
0x1c: {  	[tilespmem:s23+$0x2710] =	vst v1  }
0x1d: {  	[spmem:s4] =	stream.linear.scatter [tilespmem:s12], [sflag:$0x4], $0x800, $0x38;
	[tilespmem:$0x5D00] =	vst v63  }
0x1e: {  	_ =	swait.ge [sflag:s13], $0x800  }
0x1f: {  	[sflag:s13] =	ssyncset.done $0x0  }
0x20: {  	[sflag:s13] =	ssyncadd.s32 $0xFFFFF800  }
0x21: {  	[spmem:s5] =	stream.linear.scatter [tilespmem:s12], [sflag:$0x4], $0x800, $0x38;
	[tilespmem:$0x5D00] =	vst v63  }
0x22: {  	_ =	swait.ge [sflag:s13], $0x800  }
0x23: {  	[sflag:s13] =	ssyncset.done $0x0  }
0x24: {  	[sflag:s13] =	ssyncadd.s32 $0xFFFFF800  }
0x25: {  	[spmem:s6] =	stream.linear.scatter [tilespmem:s12], [sflag:$0x4], $0x800, $0x38;
	[tilespmem:$0x5D00] =	vst v63  }
0x26: {  	_ =	swait.ge [sflag:s13], $0x800  }
0x27: {  	[sflag:s13] =	ssyncset.done $0x0  }
0x28: {  	[sflag:s13] =	ssyncadd.s32 $0xFFFFF800  }
0x29: {  	[spmem:s7] =	stream.linear.scatter [tilespmem:s12], [sflag:$0x4], $0x800, $0x38;
	[tilespmem:$0x5D00] =	vst v63  }
0x2a: {  	_ =	swait.ge [sflag:s13], $0x800  }
0x2b: {  	[sflag:s13] =	ssyncset.done $0x0  }
0x2c: {  	[sflag:s13] =	ssyncadd.s32 $0xFFFFF800  }
0x2d: {  	[spmem:s8] =	stream.linear.scatter [tilespmem:s12], [sflag:$0x4], $0x800, $0x38;
	[tilespmem:$0x5D00] =	vst v63  }
0x2e: {  	_ =	swait.ge [sflag:s13], $0x800  }
0x2f: {  	[sflag:s13] =	ssyncset.done $0x0  }
0x30: {  	s22 =	simm.s32 $0x0;
	[sflag:s13] =	ssyncadd.s32 $0xFFFFF800  }
0x31: {  	[tilespmem:s22], [sflag:$0x4] =	stream.linear.gather [hbm4b:s9+s22], $0x2710, $0x38;
	[tilespmem:$0x5D00] =	vst v63  }
0x32: {  	_ =	swait.ge [sflag:s13], $0x2710  }
0x33: {  	[sflag:s13] =	ssyncset.done $0x0  }
0x34: {  	[sflag:s13] =	ssyncadd.s32 $0xFFFFD8F0  }
0x35: {  	[bflag:$0x0] =	sbarrier.arrive $0xFFFF  }
0x36: {  	v2 =	vld [tilespmem:$0x0]  }
0x37: {  	v3 =	vld [tilespmem:$0x10]  }
0x38: {  	v4 =	vld [tilespmem:$0x20]  }
0x39: {  	v5 =	vld [tilespmem:$0x30]  }
0x3a: {  	v6 =	vld [tilespmem:$0x40]  }
0x3b: {  	v2 =	vshrl.u32 v2, $0x10  }
0x3c: {  	[tilespmem:$0x3410] =	vst v2;
	v2 =	vshrl.u32 v3, $0x10  }
0x3d: {  	[tilespmem:$0x3420] =	vst v2;
	v2 =	vshrl.u32 v4, $0x10  }
0x3e: {  	[tilespmem:$0x3430] =	vst v2;
	v2 =	vshrl.u32 v5, $0x10  }
0x3f: {  	[tilespmem:$0x3440] =	vst v2;
	v2 =	vshrl.u32 v6, $0x10  }
0x40: {  	[tilespmem:$0x3450] =	vst v2  }
0x41: {  	[spmem:s1] =	stream.indirect.scatter.add.f32 [tilespmem:s16], [sflag:$0x1], $0x10, s15, s14, $0xb8;
	[tilespmem:$0x5D00] =	vst v63  }
0x42: {  	v2 =	vld [tilespmem:$0x50]  }
0x43: {  	v3 =	vld [tilespmem:$0x60]  }
0x44: {  	v61 =	vld [tilespmem:$0x70]  }
0x45: {  	v62 =	vld [tilespmem:$0x80]  }
0x46: {  	v63 =	vld [tilespmem:$0x90]  }
0x47: {  	v2 =	vshrl.u32 v2, $0x10  }
0x48: {  	[tilespmem:$0x3460] =	vst v2;
	v2 =	vshrl.u32 v3, $0x10  }
0x49: {  	[tilespmem:$0x3470] =	vst v2;
	v2 =	vshrl.u32 v61, $0x10  }
0x4a: {  	[tilespmem:$0x3480] =	vst v2;
	v2 =	vshrl.u32 v62, $0x10  }
0x4b: {  	[tilespmem:$0x3490] =	vst v2;
	v2 =	vshrl.u32 v63, $0x10  }
0x4c: {  	[tilespmem:$0x34A0] =	vst v2  }
0x4d: {  	[spmem:s1] =	stream.indirect.scatter.add.f32 [tilespmem:s16], [sflag:$0x2], $0x10, s17, s14, $0xb8;
	[tilespmem:$0x5D00] =	vst v63  }
0x4e: {  	_ =	swait.ge [sflag:s18], $0x500  }
0x4f: {  	[sflag:s18] =	ssyncset.done $0x0  }
0x50: {  	s31 =	simm.s32 $0x0;
	[sflag:s18] =	ssyncadd.s32 $0xFFFFFB00  }
0x51: {  	v2 =	vld [tilespmem:s31+$0xA0];
	_ =	sdelay $0x4  }
0x52: {  	v2 =	vshrl.u32 v2, $0x10  }
0x53: {  	[tilespmem:$0x34B0] =	vst v2  }
0x54: {  	v2 =	vld [tilespmem:s31+$0xB0];
	_ =	sdelay $0x4  }
0x55: {  	v2 =	vshrl.u32 v2, $0x10  }
0x56: {  	[tilespmem:$0x34C0] =	vst v2  }
0x57: {  	v2 =	vld [tilespmem:s31+$0xC0];
	_ =	sdelay $0x4  }
0x58: {  	v2 =	vshrl.u32 v2, $0x10  }
0x59: {  	[tilespmem:$0x34D0] =	vst v2  }
0x5a: {  	v2 =	vld [tilespmem:s31+$0xD0];
	_ =	sdelay $0x4  }
0x5b: {  	v2 =	vshrl.u32 v2, $0x10  }
0x5c: {  	[tilespmem:$0x34E0] =	vst v2  }
0x5d: {  	v2 =	vld [tilespmem:s31+$0xE0];
	_ =	sdelay $0x4  }
0x5e: {  	v2 =	vshrl.u32 v2, $0x10  }
0x5f: {  	[tilespmem:$0x34F0] =	vst v2  }
0x60: {  	[spmem:s1] =	stream.indirect.scatter.add.f32 [tilespmem:s16], [sflag:$0x3], $0x10, s19, s14, $0xb8;
	[tilespmem:$0x5D00] =	vst v63  }
0x61: {  	_ =	swait.ge [sflag:s20], $0x500  }
0x62: {  	[sflag:s20] =	ssyncset.done $0x0  }
0x63: {  	[sflag:s20] =	ssyncadd.s32 $0xFFFFFB00  }
0x64: {  	v2 =	vld [tilespmem:s31+$0xF0];
	_ =	sdelay $0x4  }
0x65: {  	v2 =	vshrl.u32 v2, $0x10  }
0x66: {  	[tilespmem:$0x3410] =	vst v2  }
0x67: {  	v2 =	vld [tilespmem:s31+$0x100];
	_ =	sdelay $0x4  }
0x68: {  	v2 =	vshrl.u32 v2, $0x10  }
0x69: {  	[tilespmem:$0x3420] =	vst v2  }
0x6a: {  	v2 =	vld [tilespmem:s31+$0x110];
	_ =	sdelay $0x4  }
0x6b: {  	v2 =	vshrl.u32 v2, $0x10  }
0x6c: {  	[tilespmem:$0x3430] =	vst v2  }
0x6d: {  	v2 =	vld [tilespmem:s31+$0x120];
	_ =	sdelay $0x4  }
0x6e: {  	v2 =	vshrl.u32 v2, $0x10  }
0x6f: {  	[tilespmem:$0x3440] =	vst v2  }
0x70: {  	v2 =	vld [tilespmem:s31+$0x130];
	_ =	sdelay $0x4  }
0x71: {  	v2 =	vshrl.u32 v2, $0x10  }
0x72: {  	[tilespmem:$0x3450] =	vst v2  }
0x73: {  	[spmem:s1] =	stream.indirect.scatter.add.f32 [tilespmem:s16], [sflag:$0x1], $0x10, s15, s14, $0xb8;
	[tilespmem:$0x5D00] =	vst v63  }
0x74: {  	_ =	swait.ge [sflag:s21], $0x500  }
0x75: {  	[sflag:s21] =	ssyncset.done $0x0  }
0x76: {  	[sflag:s21] =	ssyncadd.s32 $0xFFFFFB00  }
0x77: {  	v2 =	vld [tilespmem:s31+$0x140];
	_ =	sdelay $0x4  }
0x78: {  	v2 =	vshrl.u32 v2, $0x10  }
0x79: {  	[tilespmem:$0x3460] =	vst v2  }
0x7a: {  	v2 =	vld [tilespmem:s31+$0x150];
	_ =	sdelay $0x4  }
0x7b: {  	v2 =	vshrl.u32 v2, $0x10  }
0x7c: {  	[tilespmem:$0x3470] =	vst v2  }
0x7d: {  	v2 =	vld [tilespmem:s31+$0x160];
	_ =	sdelay $0x4  }
0x7e: {  	v2 =	vshrl.u32 v2, $0x10  }
0x7f: {  	[tilespmem:$0x3480] =	vst v2  }
0x80: {  	v2 =	vld [tilespmem:s31+$0x170];
	_ =	sdelay $0x4  }
0x81: {  	v2 =	vshrl.u32 v2, $0x10  }
0x82: {  	[tilespmem:$0x3490] =	vst v2  }
0x83: {  	v2 =	vld [tilespmem:s31+$0x180];
	_ =	sdelay $0x4  }
0x84: {  	v2 =	vshrl.u32 v2, $0x10  }
0x85: {  	[tilespmem:$0x34A0] =	vst v2  }
0x86: {  	[spmem:s1] =	stream.indirect.scatter.add.f32 [tilespmem:s16], [sflag:$0x2], $0x10, s17, s14, $0xb8;
	[tilespmem:$0x5D00] =	vst v63  }
0x87: {  	_ =	swait.ge [sflag:s18], $0x500  }
0x88: {  	s25 =	simm.s32 $0x780;
	s22 =	simm.s32 $0x3C0;
	[sflag:s18] =	ssyncset.done $0x0  }
.LBB2_6:
0x89: {  	s24 =	sshra.s32 s22, $0x2  }
0x8a: {  	[sflag:s18] =	ssyncadd.s32 $0xFFFFFB00;
	s22 =	smov.u32 s25;
	s23 =	sadd.s32 $0x3C0, s25  }
0x8b: {  	p0 =	sne.s32 s25, $0x9600;
	v2 =	vld [tilespmem:s24+$0xA0];
	_ =	sdelay $0x4  }
0x8c: {  	v2 =	vshrl.u32 v2, $0x10  }
0x8d: {  	[tilespmem:$0x34B0] =	vst v2  }
0x8e: {  	v2 =	vld [tilespmem:s24+$0xB0];
	_ =	sdelay $0x4  }
0x8f: {  	v2 =	vshrl.u32 v2, $0x10  }
0x90: {  	[tilespmem:$0x34C0] =	vst v2  }
0x91: {  	v2 =	vld [tilespmem:s24+$0xC0];
	_ =	sdelay $0x4  }
0x92: {  	v2 =	vshrl.u32 v2, $0x10  }
0x93: {  	[tilespmem:$0x34D0] =	vst v2  }
0x94: {  	v2 =	vld [tilespmem:s24+$0xD0];
	_ =	sdelay $0x4  }
0x95: {  	v2 =	vshrl.u32 v2, $0x10  }
0x96: {  	[tilespmem:$0x34E0] =	vst v2  }
0x97: {  	v2 =	vld [tilespmem:s24+$0xE0];
	_ =	sdelay $0x4  }
0x98: {  	v2 =	vshrl.u32 v2, $0x10  }
0x99: {  	[tilespmem:$0x34F0] =	vst v2  }
0x9a: {  	[spmem:s1] =	stream.indirect.scatter.add.f32 [tilespmem:s16], [sflag:$0x3], $0x10, s19, s14, $0xb8;
	[tilespmem:$0x5D00] =	vst v63  }
0x9b: {  	_ =	swait.ge [sflag:s20], $0x500  }
0x9c: {  	[sflag:s20] =	ssyncset.done $0x0  }
0x9d: {  	[sflag:s20] =	ssyncadd.s32 $0xFFFFFB00  }
0x9e: {  	v2 =	vld [tilespmem:s24+$0xF0];
	_ =	sdelay $0x4  }
0x9f: {  	v2 =	vshrl.u32 v2, $0x10  }
0xa0: {  	[tilespmem:$0x3410] =	vst v2  }
0xa1: {  	v2 =	vld [tilespmem:s24+$0x100];
	_ =	sdelay $0x4  }
0xa2: {  	v2 =	vshrl.u32 v2, $0x10  }
0xa3: {  	[tilespmem:$0x3420] =	vst v2  }
0xa4: {  	v2 =	vld [tilespmem:s24+$0x110];
	_ =	sdelay $0x4  }
0xa5: {  	v2 =	vshrl.u32 v2, $0x10  }
0xa6: {  	[tilespmem:$0x3430] =	vst v2  }
0xa7: {  	v2 =	vld [tilespmem:s24+$0x120];
	_ =	sdelay $0x4  }
0xa8: {  	v2 =	vshrl.u32 v2, $0x10  }
0xa9: {  	[tilespmem:$0x3440] =	vst v2  }
0xaa: {  	v2 =	vld [tilespmem:s24+$0x130];
	_ =	sdelay $0x4  }
0xab: {  	v2 =	vshrl.u32 v2, $0x10  }
0xac: {  	[tilespmem:$0x3450] =	vst v2  }
0xad: {  	[spmem:s1] =	stream.indirect.scatter.add.f32 [tilespmem:s16], [sflag:$0x1], $0x10, s15, s14, $0xb8;
	[tilespmem:$0x5D00] =	vst v63  }
0xae: {  	_ =	swait.ge [sflag:s21], $0x500  }
0xaf: {  	[sflag:s21] =	ssyncset.done $0x0  }
0xb0: {  	[sflag:s21] =	ssyncadd.s32 $0xFFFFFB00  }
0xb1: {  	v2 =	vld [tilespmem:s24+$0x140];
	_ =	sdelay $0x4  }
0xb2: {  	v2 =	vshrl.u32 v2, $0x10  }
0xb3: {  	[tilespmem:$0x3460] =	vst v2  }
0xb4: {  	v2 =	vld [tilespmem:s24+$0x150];
	_ =	sdelay $0x4  }
0xb5: {  	v2 =	vshrl.u32 v2, $0x10  }
0xb6: {  	[tilespmem:$0x3470] =	vst v2  }
0xb7: {  	v2 =	vld [tilespmem:s24+$0x160];
	_ =	sdelay $0x4  }
0xb8: {  	v2 =	vshrl.u32 v2, $0x10  }
0xb9: {  	[tilespmem:$0x3480] =	vst v2  }
0xba: {  	v2 =	vld [tilespmem:s24+$0x170];
	_ =	sdelay $0x4  }
0xbb: {  	v2 =	vshrl.u32 v2, $0x10  }
0xbc: {  	[tilespmem:$0x3490] =	vst v2  }
0xbd: {  	v2 =	vld [tilespmem:s24+$0x180];
	_ =	sdelay $0x4  }
.Ltmp2:
0xbe: {  	v2 =	vshrl.u32 v2, $0x10;
	(pc) =	sbr.rel @p0 .LBB2_6-.Ltmp2, $4  }
0xbf: {  	[tilespmem:$0x34A0] =	vst v2  }
0xc0: {  	[spmem:s1] =	stream.indirect.scatter.add.f32 [tilespmem:s16], [sflag:$0x2], $0x10, s17, s14, $0xb8;
	[tilespmem:$0x5D00] =	vst v63  }
0xc1: {  	_ =	swait.ge [sflag:s18], $0x500  }
0xc2: {  	s25 =	smov.u32 s23;
	[sflag:s18] =	ssyncset.done $0x0  }
0xc3: {  	s22 =	sshra.s32 s22, $0x2;
	[sflag:s18] =	ssyncadd.s32 $0xFFFFFB00  }
0xc4: {  	v2 =	vld [tilespmem:s22+$0xA0];
	_ =	sdelay $0x4  }
0xc5: {  	v2 =	vshrl.u32 v2, $0x10  }
0xc6: {  	[tilespmem:$0x34B0] =	vst v2  }
0xc7: {  	v2 =	vld [tilespmem:s22+$0xB0];
	_ =	sdelay $0x4  }
0xc8: {  	v2 =	vshrl.u32 v2, $0x10  }
0xc9: {  	[tilespmem:$0x34C0] =	vst v2  }
0xca: {  	v2 =	vld [tilespmem:s22+$0xC0];
	_ =	sdelay $0x4  }
0xcb: {  	v2 =	vshrl.u32 v2, $0x10  }
0xcc: {  	[tilespmem:$0x34D0] =	vst v2  }
0xcd: {  	v2 =	vld [tilespmem:s22+$0xD0];
	_ =	sdelay $0x4  }
0xce: {  	v2 =	vshrl.u32 v2, $0x10  }
0xcf: {  	[tilespmem:$0x34E0] =	vst v2  }
0xd0: {  	v2 =	vld [tilespmem:s22+$0xE0];
	_ =	sdelay $0x4  }
0xd1: {  	v2 =	vshrl.u32 v2, $0x10  }
0xd2: {  	[tilespmem:$0x34F0] =	vst v2  }
0xd3: {  	[spmem:s1] =	stream.indirect.scatter.add.f32 [tilespmem:s16], [sflag:$0x3], $0x10, s19, s14, $0xb8;
	[tilespmem:$0x5D00] =	vst v63  }
0xd4: {  	_ =	swait.ge [sflag:s20], $0x500  }
0xd5: {  	[sflag:s20] =	ssyncset.done $0x0  }
0xd6: {  	[sflag:s20] =	ssyncadd.s32 $0xFFFFFB00  }
0xd7: {  	v2 =	vld [tilespmem:s22+$0xF0];
	_ =	sdelay $0x4  }
0xd8: {  	v2 =	vshrl.u32 v2, $0x10  }
0xd9: {  	[tilespmem:$0x3410] =	vst v2  }
0xda: {  	v2 =	vld [tilespmem:s22+$0x100];
	_ =	sdelay $0x4  }
0xdb: {  	v2 =	vshrl.u32 v2, $0x10  }
0xdc: {  	[tilespmem:$0x3420] =	vst v2  }
0xdd: {  	v2 =	vld [tilespmem:s22+$0x110];
	_ =	sdelay $0x4  }
0xde: {  	v2 =	vshrl.u32 v2, $0x10  }
0xdf: {  	[tilespmem:$0x3430] =	vst v2  }
0xe0: {  	v2 =	vld [tilespmem:s22+$0x120];
	_ =	sdelay $0x4  }
0xe1: {  	v2 =	vshrl.u32 v2, $0x10  }
0xe2: {  	[tilespmem:$0x3440] =	vst v2  }
0xe3: {  	v2 =	vld [tilespmem:s22+$0x130];
	_ =	sdelay $0x4  }
0xe4: {  	v2 =	vshrl.u32 v2, $0x10  }
0xe5: {  	[tilespmem:$0x3450] =	vst v2  }
0xe6: {  	[spmem:s1] =	stream.indirect.scatter.add.f32 [tilespmem:s16], [sflag:$0x1], $0x10, s15, s14, $0xb8;
	[tilespmem:$0x5D00] =	vst v63  }
0xe7: {  	_ =	swait.ge [sflag:s21], $0x500  }
0xe8: {  	[sflag:s21] =	ssyncset.done $0x0  }
0xe9: {  	[sflag:s21] =	ssyncadd.s32 $0xFFFFFB00  }
0xea: {  	v2 =	vld [tilespmem:s22+$0x140];
	_ =	sdelay $0x4  }
0xeb: {  	v2 =	vshrl.u32 v2, $0x10  }
0xec: {  	[tilespmem:$0x3460] =	vst v2  }
0xed: {  	v2 =	vld [tilespmem:s22+$0x150];
	_ =	sdelay $0x4  }
0xee: {  	v2 =	vshrl.u32 v2, $0x10  }
0xef: {  	[tilespmem:$0x3470] =	vst v2  }
0xf0: {  	v2 =	vld [tilespmem:s22+$0x160];
	_ =	sdelay $0x4  }
0xf1: {  	v2 =	vshrl.u32 v2, $0x10  }
0xf2: {  	[tilespmem:$0x3480] =	vst v2  }
0xf3: {  	v2 =	vld [tilespmem:s22+$0x170];
	_ =	sdelay $0x4  }
0xf4: {  	v2 =	vshrl.u32 v2, $0x10  }
0xf5: {  	[tilespmem:$0x3490] =	vst v2  }
0xf6: {  	v2 =	vld [tilespmem:s22+$0x180];
	_ =	sdelay $0x4  }
0xf7: {  	v2 =	vshrl.u32 v2, $0x10  }
0xf8: {  	[tilespmem:$0x34A0] =	vst v2  }
0xf9: {  	[spmem:s1] =	stream.indirect.scatter.add.f32 [tilespmem:s16], [sflag:$0x2], $0x10, s17, s14, $0xb8;
	[tilespmem:$0x5D00] =	vst v63  }
0xfa: {  	_ =	swait.ge [sflag:s18], $0x500  }
0xfb: {  	[sflag:s18] =	ssyncset.done $0x0  }
0xfc: {  	[sflag:s18] =	ssyncadd.s32 $0xFFFFFB00  }
0xfd: {  	_ =	swait.ge [sflag:s20], $0x500  }
0xfe: {  	s31 =	sshll.u32 s2, $0x6;
	s3 =	sadd.s32 $0x1, s3;
	[sflag:s20] =	ssyncset.done $0x0  }
0xff: {  	s23 =	sshrl.u32 s4, $0x3;
	p0 =	sne.s32 s3, s11;
	[sflag:s20] =	ssyncadd.s32 $0xFFFFFB00  }
.Ltmp3:
0x100: {  	s22 =	sor.u32 $0x1C04, s31;
	[bflag:$0x0] =	sbarrier.arrive $0xFFFF;
	(pc) =	sbr.rel @p0 .LBB2_1-.Ltmp3, $4  }
0x101: {  	[hbm:s10], [sflag:s22] =	dma.local [spmem:s23], $0x500  }
0x102: {  	_ =	swait.ge [sflag:s13], $0x500  }
0x103: {  	[sflag:s13] =	ssyncset.done $0x0  }
0x104: {  	[sflag:s13] =	ssyncadd.s32 $0xFFFFFB00  }
0x105: {  	_ =	sfence.sel $0x180000  }
0x106: {  	[bflag:$0x0] =	sbarrier.arrive $0xFFFF  }
0x107: {  	p0 =	sne.s32 s2, $0x0;
	_ =	strace $0x90000047  }
0x108: {  	s0 =	sadd.s32 @!p0 $0x100000, s0;
	[bflag:$0x2] =	sbarrier.arrive $0xFFFF  }
0x109: {  	[sflag:s0] =	ssyncadd.tile.s32 @!p0 $0x1;
	_ =	shalt  }
.Lfunc_end2:
_tile_overlayer_lowered:
.L_overlay_start_2:
0x10a: {  	(tag) =	ssettag $0x2  }
0x10b: {  	s0 =	rddreg [dreg:$0x0];
	s2 =	stileid.u32  }
0x10c: {  	s1 =	rddreg [dreg:$0x1];
	p0 =	sne.s32 s2, $0x0  }
0x10d: {  	s3 =	rddreg [dreg:$0x2];
	[bflag:$0x3] =	sbarrier.arrive $0xFFFF;
	s2 =	simm.s32 @!p0 $0x1C04  }
0x10e: {  	[timem:s3], [sflag:s2] =	dma.local @!p0 [hbm:s0], s1  }
0x10f: {  	s0 =	simm.s32 @!p0 $0x4  }
0x110: {  	_ =	swait.ge @!p0 [sflag:s0], s1  }
0x111: {  	s1 =	ssub.s32 @!p0 $0x0, s1;
	[sflag:s0] =	ssyncset.done @!p0 $0x0  }
0x112: {  	[sflag:s0] =	ssyncadd.s32 @!p0 s1  }
0x113: {  	[bflag:$0x3] =	sbarrier.arrive $0xFFFF  }
0x114: {  	_ =	shalt  }

</sc_bundles>
